<compile_context>
chip_gen: v7x
topology: tpu7x:2x2x1
jax: 0.10.2.dev20260603
libtpu: 0.0.44.dev20260713+nightly
codegen_flags: <defaults>
</compile_context>

<pallas_src>
import dataclasses
import functools

import jax
import jax.numpy as jnp
from jax import lax
from jax.experimental import pallas as pl
from jax.experimental.pallas import tpu as pltpu
from jax.experimental.pallas import tpu_sc as plsc

NUM_CLASSES = 1000
MIN_W = 0.1
B = 4096
M = 200
L = 16
NFULL = 12
TAIL_OFF = 184
NW = 32
RPW = B // NW
RPB = 8
NBLK = RPW // RPB
NBUF = 2

_mesh = plsc.VectorSubcoreMesh(core_axis_name="c", subcore_axis_name="s")

_cp = pltpu.CompilerParams()
if "needs_layout_passes" in pltpu.CompilerParams.__dataclass_fields__:
    _cp = dataclasses.replace(_cp, needs_layout_passes=False)


@jax.jit
def _sc_histogram(labels, weights, recip):
    @functools.partial(
        pl.kernel,
        mesh=_mesh,
        compiler_params=_cp,
        out_type=jax.ShapeDtypeStruct((B, NUM_CLASSES), jnp.float32),
        scratch_types=[
            pltpu.VMEM((RPW, M), jnp.int32),
            pltpu.VMEM((RPW, M), jnp.float32),
            pltpu.VMEM((NBUF, RPB, NUM_CLASSES), jnp.float32),
            pltpu.VMEM((256,), jnp.float32),
            pltpu.SemaphoreType.DMA,
            pltpu.SemaphoreType.DMA,
            pltpu.SemaphoreType.DMA,
        ],
    )
    def k(lab_hbm, w_hbm, recip_hbm, out_hbm, lab_v, w_v, slabs_v, recip_v,
          sem0, sem1, sem_in):
        wid = lax.axis_index("s") * 2 + lax.axis_index("c")
        base = wid * RPW
        cp_lab = pltpu.make_async_copy(lab_hbm.at[pl.ds(base, RPW)], lab_v,
                                       sem_in)
        cp_w = pltpu.make_async_copy(w_hbm.at[pl.ds(base, RPW)], w_v, sem_in)
        cp_r = pltpu.make_async_copy(recip_hbm, recip_v, sem_in)
        cp_lab.start()
        cp_w.start()
        cp_r.start()

        sems = (sem0, sem1)
        zeros = jnp.zeros((L,), jnp.float32)
        tail_mask = lax.iota(jnp.int32, L) >= (NFULL * L - TAIL_OFF)

        for j in range(NBUF):
            slab = slabs_v.at[j]

            @pl.loop(0, (NUM_CLASSES // L) * L, step=4 * L)
            def _(i):
                for s in range(RPB):
                    for u in range(4):
                        slab[s, pl.ds(i + u * L, L)] = zeros
            for s in range(RPB):
                slab[s, pl.ds(NUM_CLASSES - L, L)] = zeros

        cp_lab.wait()
        cp_w.wait()
        cp_r.wait()

        def do_row(slab, r, s):
            ws = [w_v[r, pl.ds(c * L, L)] for c in range(NFULL)]
            wt = w_v[r, pl.ds(TAIL_OFF, L)]
            labs = [lab_v[r, pl.ds(c * L, L)] for c in range(NFULL)]
            labt = lab_v[r, pl.ds(TAIL_OFF, L)]
            masks = [w >= MIN_W for w in ws]
            mt = (wt >= MIN_W) & tail_mask
            ones = jnp.ones((L,), jnp.int32)
            zeros_i = jnp.zeros((L,), jnp.int32)
            cntv = jnp.where(mt, ones, zeros_i)
            for m in masks:
                cntv = cntv + jnp.where(m, ones, zeros_i)
            cnt = jnp.broadcast_to(jnp.sum(cntv), (L,))
            inv = plsc.load_gather(recip_v, [cnt])
            tiny_inv = 1e-10 * inv
            attns = [ws[c] * jnp.where(masks[c], inv, tiny_inv)
                     for c in range(NFULL)]
            attnt = wt * jnp.where(mt, inv, tiny_inv)
            svec = jnp.full((L,), s, jnp.int32)
            for c in range(NFULL):
                plsc.addupdate_scatter(slab, [svec, labs[c]], attns[c])
            plsc.addupdate_scatter(slab, [svec, labt], attnt, mask=tail_mask)

        def unzero_row(slab, r, s):
            labs = [lab_v[r, pl.ds(c * L, L)] for c in range(NFULL)]
            labt = lab_v[r, pl.ds(TAIL_OFF, L)]
            svec = jnp.full((L,), s, jnp.int32)
            for c in range(NFULL):
                plsc.store_scatter(slab, [svec, labs[c]], zeros)
            plsc.store_scatter(slab, [svec, labt], zeros)

        @pl.loop(0, NBLK, step=NBUF)
        def _(rb):
            for j in range(NBUF):
                rbx = rb + j
                slab, sem = slabs_v.at[j], sems[j]

                @pl.when(rbx >= NBUF)
                def _():
                    ob = rbx - NBUF
                    dst = out_hbm.at[pl.ds(base + ob * RPB, RPB)]
                    pltpu.make_async_copy(slab, dst, sem).wait()

                    @pl.loop(0, (NUM_CLASSES // L) * L, step=4 * L)
                    def _(i):
                        for s in range(RPB):
                            for u in range(4):
                                slab[s, pl.ds(i + u * L, L)] = zeros
                    for s in range(RPB):
                        slab[s, pl.ds(NUM_CLASSES - L, L)] = zeros

                @pl.loop(0, RPB)
                def _(s):
                    do_row(slab, rbx * RPB + s, s)

                dst = out_hbm.at[pl.ds(base + rbx * RPB, RPB)]
                pltpu.make_async_copy(slab, dst, sem).start()

        for j in range(NBUF):
            rbx = NBLK - NBUF + j
            dst = out_hbm.at[pl.ds(base + rbx * RPB, RPB)]
            pltpu.make_async_copy(slabs_v.at[j], dst, sems[j]).wait()

    return k(labels, weights, recip)


def kernel(input_embeddings, memories_labels, memories_embeddings,
           memories_weights):
    labels = memories_labels.astype(jnp.int32)
    recip = 1.0 / jnp.maximum(jnp.arange(256, dtype=jnp.float32), 1.0)
    return _sc_histogram(labels, memories_weights, recip)

# --- scband reference (transcript-rebuilt; emitter-appended) ---
"""Pipeline reference for scband-nearest-memories-classification-head-26113401159727 (READ-ONLY COPY).

The authoritative reference and input builder live on the scoring server;
editing this copy changes nothing except your own understanding.
"""

import jax, jax.numpy as jnp
import numpy as np

NUM_CLASSES = 1000
MIN_MEMORY_WEIGHT = 0.1


def setup_inputs(seed: int = 0) -> dict:
    key = jax.random.key(seed)
    k1, k2, k3, k4 = jax.random.split(key, 4)
    input_embeddings = jax.random.normal(k1, (4096, 16), dtype=jnp.float32)
    memories_labels = jax.random.randint(k2, (4096, 200), 0, NUM_CLASSES, dtype=jnp.int64)
    memories_embeddings = jax.random.normal(k3, (4096, 200, 16), dtype=jnp.float32)
    memories_weights = jax.random.uniform(k4, (4096, 200), dtype=jnp.float32)
    return {
        "input_embeddings": input_embeddings,
        "memories_labels": memories_labels,
        "memories_embeddings": memories_embeddings,
        "memories_weights": memories_weights,
    }


def reference(input_embeddings, memories_labels, memories_embeddings, memories_weights):
    batch_size, memory_count = memories_labels.shape
    # weigh_memories=True: attention weights start as memories_weights
    attn = memories_weights
    # min_memory_weight filtering
    mask = memories_weights >= MIN_MEMORY_WEIGHT
    mask_weights = jnp.where(mask, 1.0, 1e-10).astype(jnp.float32)
    attn = attn * mask_weights
    memory_counts = mask.sum(axis=1)
    # scatter_add along class dim, per batch row
    logits = jnp.zeros((batch_size, NUM_CLASSES), dtype=jnp.float32)
    rows = jnp.arange(batch_size)[:, None]
    logits = logits.at[rows, memories_labels].add(attn)
    denom = jnp.where(memory_counts == 0, 1, memory_counts).astype(jnp.float32)
    logits = logits / denom[:, None]
    return logits

if __name__ == "__main__":
    import jax
    _d = setup_inputs()
    print(jax.jit(kernel)(*tuple(_d.values())))

</pallas_src>

<mosaic_0001>
#map = affine_map<(d0, d1) -> (0, 0)>
#map1 = affine_map<(d0, d1) -> (0)>
module attributes {stable_mosaic.version = 14 : i64} {
  func.func @k(%arg0: i32, %arg1: i32, %arg2: memref<4096x200xi32, #tpu.memory_space<hbm>>, %arg3: memref<4096x200xf32, #tpu.memory_space<hbm>>, %arg4: memref<256xf32, #tpu.memory_space<hbm>>, %arg5: memref<4096x1000xf32, #tpu.memory_space<hbm>>, %arg6: memref<128x200xi32, #tpu.memory_space<vmem>>, %arg7: memref<128x200xf32, #tpu.memory_space<vmem>>, %arg8: memref<2x8x1000xf32, #tpu.memory_space<vmem>>, %arg9: memref<256xf32, #tpu.memory_space<vmem>>, %arg10: memref<!tpu.dma_semaphore, #tpu.memory_space<semaphore_mem>>, %arg11: memref<!tpu.dma_semaphore, #tpu.memory_space<semaphore_mem>>, %arg12: memref<!tpu.dma_semaphore, #tpu.memory_space<semaphore_mem>>) attributes {dimension_semantics = [#tpu.dimension_semantics<core_parallel>, #tpu.dimension_semantics<subcore_parallel>], iteration_bounds = array<i64: 2, 16>, scalar_prefetch = 0 : i64, scratch_operands = 7 : i64, tpu.core_type = #tpu.core_type<sc_vector_subcore>, window_params = [{transform_indices = #map}, {transform_indices = #map}, {transform_indices = #map1}, {transform_indices = #map}]} {
    %mul3A = arith.constant 2 : i32
    %mul3A_0 = arith.muli %arg1, %mul3A : i32
    %add3A = arith.addi %mul3A_0, %arg0 : i32
    %mul3A_1 = arith.constant 128 : i32
    %mul3A_2 = arith.muli %add3A, %mul3A_1 : i32
    %dma_start3A = arith.constant 0 : i32
    %dma_start3A_3 = tpu.memref_slice %arg2[%mul3A_2, %dma_start3A] : memref<4096x200xi32, #tpu.memory_space<hbm>> -> memref<128x200xi32, #tpu.memory_space<hbm>>
    %dma_start3A_4 = arith.constant 0 : i32
    %dma_start3A_5 = tpu.memref_slice %arg2[%mul3A_2, %dma_start3A_4] : memref<4096x200xi32, #tpu.memory_space<hbm>> -> memref<128x200xi32, #tpu.memory_space<hbm>>
    tpu.enqueue_dma source(%dma_start3A_5 : memref<128x200xi32, #tpu.memory_space<hbm>>) target(%arg6 : memref<128x200xi32, #tpu.memory_space<vmem>>) target_semaphore(%arg12 : memref<!tpu.dma_semaphore, #tpu.memory_space<semaphore_mem>>)
    %dma_start3A_6 = arith.constant 0 : i32
    %dma_start3A_7 = tpu.memref_slice %arg3[%mul3A_2, %dma_start3A_6] : memref<4096x200xf32, #tpu.memory_space<hbm>> -> memref<128x200xf32, #tpu.memory_space<hbm>>
    %dma_start3A_8 = arith.constant 0 : i32
    %dma_start3A_9 = tpu.memref_slice %arg3[%mul3A_2, %dma_start3A_8] : memref<4096x200xf32, #tpu.memory_space<hbm>> -> memref<128x200xf32, #tpu.memory_space<hbm>>
    tpu.enqueue_dma source(%dma_start3A_9 : memref<128x200xf32, #tpu.memory_space<hbm>>) target(%arg7 : memref<128x200xf32, #tpu.memory_space<vmem>>) target_semaphore(%arg12 : memref<!tpu.dma_semaphore, #tpu.memory_space<semaphore_mem>>)
    tpu.enqueue_dma source(%arg4 : memref<256xf32, #tpu.memory_space<hbm>>) target(%arg9 : memref<256xf32, #tpu.memory_space<vmem>>) target_semaphore(%arg12 : memref<!tpu.dma_semaphore, #tpu.memory_space<semaphore_mem>>)
    %broadcast_in_dim3A = arith.constant 0.000000e+00 : f32
    %broadcast_in_dim3A_10 = vector.broadcast %broadcast_in_dim3A : f32 to vector<16xf32>
    %iota3A = tpu.iota {dimensions = array<i32: 0>} : vector<16xi32>
    %ge3A = arith.constant 8 : i32
    %ge3A_11 = vector.broadcast %ge3A : i32 to vector<16xi32>
    %ge3A_12 = arith.cmpi sge, %iota3A, %ge3A_11 : vector<16xi32>
    %scan3A = arith.constant 0 : i32
    %scan3A_13 = arith.constant 0 : i32
    %scan3A_14 = arith.constant 16 : i32
    %scan3A_15 = arith.addi %scan3A_13, %scan3A_14 : i32
    %scan3A_16 = arith.constant 1 : i32
    scf.for %scan3A_209 = %scan3A_13 to %scan3A_15 step %scan3A_16  : i32 {
      %mul3A_210 = arith.constant 64 : i32
      %mul3A_211 = arith.muli %scan3A_209, %mul3A_210 : i32
      %add3A_212 = arith.constant 0 : i32
      %add3A_213 = arith.addi %add3A_212, %mul3A_211 : i32
      %add3A_214 = arith.constant 0 : i32
      %add3A_215 = arith.addi %add3A_213, %add3A_214 : i32
      %swap3A_216 = arith.constant 0 : i32
      %swap3A_217 = arith.constant 0 : i32
      %swap3A_218 = arith.constant 0 : i32
      %swap3A_219 = tpu.memref_slice %arg8[%scan3A, %swap3A_217, %swap3A_218] : memref<2x8x1000xf32, #tpu.memory_space<vmem>> -> memref<1x8x1000xf32, #tpu.memory_space<vmem>>
      %swap3A_220 = tpu.memref_squeeze %swap3A_219 : memref<1x8x1000xf32, #tpu.memory_space<vmem>> -> memref<8x1000xf32, #tpu.memory_space<vmem>>
      %swap3A_221 = arith.index_cast %swap3A_216 : i32 to index
      %swap3A_222 = arith.index_cast %add3A_215 : i32 to index
      %swap3A_223 = tpu.vector_load %swap3A_220[%swap3A_221, %swap3A_222] {strides = array<i32>} : memref<8x1000xf32, #tpu.memory_space<vmem>>, vector<16xf32>,
      tpu.vector_store %swap3A_220[%swap3A_221, %swap3A_222], %broadcast_in_dim3A_10 {strides = array<i32>} : memref<8x1000xf32, #tpu.memory_space<vmem>>, vector<16xf32>,
      %add3A_224 = arith.constant 16 : i32
      %add3A_225 = arith.addi %add3A_213, %add3A_224 : i32
      %swap3A_226 = arith.constant 0 : i32
      %swap3A_227 = arith.constant 0 : i32
      %swap3A_228 = arith.constant 0 : i32
      %swap3A_229 = tpu.memref_slice %arg8[%scan3A, %swap3A_227, %swap3A_228] : memref<2x8x1000xf32, #tpu.memory_space<vmem>> -> memref<1x8x1000xf32, #tpu.memory_space<vmem>>
      %swap3A_230 = tpu.memref_squeeze %swap3A_229 : memref<1x8x1000xf32, #tpu.memory_space<vmem>> -> memref<8x1000xf32, #tpu.memory_space<vmem>>
      %swap3A_231 = arith.index_cast %swap3A_226 : i32 to index
      %swap3A_232 = arith.index_cast %add3A_225 : i32 to index
      %swap3A_233 = tpu.vector_load %swap3A_230[%swap3A_231, %swap3A_232] {strides = array<i32>} : memref<8x1000xf32, #tpu.memory_space<vmem>>, vector<16xf32>,
      tpu.vector_store %swap3A_230[%swap3A_231, %swap3A_232], %broadcast_in_dim3A_10 {strides = array<i32>} : memref<8x1000xf32, #tpu.memory_space<vmem>>, vector<16xf32>,
      %add3A_234 = arith.constant 32 : i32
      %add3A_235 = arith.addi %add3A_213, %add3A_234 : i32
      %swap3A_236 = arith.constant 0 : i32
      %swap3A_237 = arith.constant 0 : i32
      %swap3A_238 = arith.constant 0 : i32
      %swap3A_239 = tpu.memref_slice %arg8[%scan3A, %swap3A_237, %swap3A_238] : memref<2x8x1000xf32, #tpu.memory_space<vmem>> -> memref<1x8x1000xf32, #tpu.memory_space<vmem>>
      %swap3A_240 = tpu.memref_squeeze %swap3A_239 : memref<1x8x1000xf32, #tpu.memory_space<vmem>> -> memref<8x1000xf32, #tpu.memory_space<vmem>>
      %swap3A_241 = arith.index_cast %swap3A_236 : i32 to index
      %swap3A_242 = arith.index_cast %add3A_235 : i32 to index
      %swap3A_243 = tpu.vector_load %swap3A_240[%swap3A_241, %swap3A_242] {strides = array<i32>} : memref<8x1000xf32, #tpu.memory_space<vmem>>, vector<16xf32>,
      tpu.vector_store %swap3A_240[%swap3A_241, %swap3A_242], %broadcast_in_dim3A_10 {strides = array<i32>} : memref<8x1000xf32, #tpu.memory_space<vmem>>, vector<16xf32>,
      %add3A_244 = arith.constant 48 : i32
      %add3A_245 = arith.addi %add3A_213, %add3A_244 : i32
      %swap3A_246 = arith.constant 0 : i32
      %swap3A_247 = arith.constant 0 : i32
      %swap3A_248 = arith.constant 0 : i32
      %swap3A_249 = tpu.memref_slice %arg8[%scan3A, %swap3A_247, %swap3A_248] : memref<2x8x1000xf32, #tpu.memory_space<vmem>> -> memref<1x8x1000xf32, #tpu.memory_space<vmem>>
      %swap3A_250 = tpu.memref_squeeze %swap3A_249 : memref<1x8x1000xf32, #tpu.memory_space<vmem>> -> memref<8x1000xf32, #tpu.memory_space<vmem>>
      %swap3A_251 = arith.index_cast %swap3A_246 : i32 to index
      %swap3A_252 = arith.index_cast %add3A_245 : i32 to index
      %swap3A_253 = tpu.vector_load %swap3A_250[%swap3A_251, %swap3A_252] {strides = array<i32>} : memref<8x1000xf32, #tpu.memory_space<vmem>>, vector<16xf32>,
      tpu.vector_store %swap3A_250[%swap3A_251, %swap3A_252], %broadcast_in_dim3A_10 {strides = array<i32>} : memref<8x1000xf32, #tpu.memory_space<vmem>>, vector<16xf32>,
      %add3A_254 = arith.constant 0 : i32
      %add3A_255 = arith.addi %add3A_213, %add3A_254 : i32
      %swap3A_256 = arith.constant 1 : i32
      %swap3A_257 = arith.constant 0 : i32
      %swap3A_258 = arith.constant 0 : i32
      %swap3A_259 = tpu.memref_slice %arg8[%scan3A, %swap3A_257, %swap3A_258] : memref<2x8x1000xf32, #tpu.memory_space<vmem>> -> memref<1x8x1000xf32, #tpu.memory_space<vmem>>
      %swap3A_260 = tpu.memref_squeeze %swap3A_259 : memref<1x8x1000xf32, #tpu.memory_space<vmem>> -> memref<8x1000xf32, #tpu.memory_space<vmem>>
      %swap3A_261 = arith.index_cast %swap3A_256 : i32 to index
      %swap3A_262 = arith.index_cast %add3A_255 : i32 to index
      %swap3A_263 = tpu.vector_load %swap3A_260[%swap3A_261, %swap3A_262] {strides = array<i32>} : memref<8x1000xf32, #tpu.memory_space<vmem>>, vector<16xf32>,
      tpu.vector_store %swap3A_260[%swap3A_261, %swap3A_262], %broadcast_in_dim3A_10 {strides = array<i32>} : memref<8x1000xf32, #tpu.memory_space<vmem>>, vector<16xf32>,
      %add3A_264 = arith.constant 16 : i32
      %add3A_265 = arith.addi %add3A_213, %add3A_264 : i32
      %swap3A_266 = arith.constant 1 : i32
      %swap3A_267 = arith.constant 0 : i32
      %swap3A_268 = arith.constant 0 : i32
      %swap3A_269 = tpu.memref_slice %arg8[%scan3A, %swap3A_267, %swap3A_268] : memref<2x8x1000xf32, #tpu.memory_space<vmem>> -> memref<1x8x1000xf32, #tpu.memory_space<vmem>>
      %swap3A_270 = tpu.memref_squeeze %swap3A_269 : memref<1x8x1000xf32, #tpu.memory_space<vmem>> -> memref<8x1000xf32, #tpu.memory_space<vmem>>
      %swap3A_271 = arith.index_cast %swap3A_266 : i32 to index
      %swap3A_272 = arith.index_cast %add3A_265 : i32 to index
      %swap3A_273 = tpu.vector_load %swap3A_270[%swap3A_271, %swap3A_272] {strides = array<i32>} : memref<8x1000xf32, #tpu.memory_space<vmem>>, vector<16xf32>,
      tpu.vector_store %swap3A_270[%swap3A_271, %swap3A_272], %broadcast_in_dim3A_10 {strides = array<i32>} : memref<8x1000xf32, #tpu.memory_space<vmem>>, vector<16xf32>,
      %add3A_274 = arith.constant 32 : i32
      %add3A_275 = arith.addi %add3A_213, %add3A_274 : i32
      %swap3A_276 = arith.constant 1 : i32
      %swap3A_277 = arith.constant 0 : i32
      %swap3A_278 = arith.constant 0 : i32
      %swap3A_279 = tpu.memref_slice %arg8[%scan3A, %swap3A_277, %swap3A_278] : memref<2x8x1000xf32, #tpu.memory_space<vmem>> -> memref<1x8x1000xf32, #tpu.memory_space<vmem>>
      %swap3A_280 = tpu.memref_squeeze %swap3A_279 : memref<1x8x1000xf32, #tpu.memory_space<vmem>> -> memref<8x1000xf32, #tpu.memory_space<vmem>>
      %swap3A_281 = arith.index_cast %swap3A_276 : i32 to index
      %swap3A_282 = arith.index_cast %add3A_275 : i32 to index
      %swap3A_283 = tpu.vector_load %swap3A_280[%swap3A_281, %swap3A_282] {strides = array<i32>} : memref<8x1000xf32, #tpu.memory_space<vmem>>, vector<16xf32>,
      tpu.vector_store %swap3A_280[%swap3A_281, %swap3A_282], %broadcast_in_dim3A_10 {strides = array<i32>} : memref<8x1000xf32, #tpu.memory_space<vmem>>, vector<16xf32>,
      %add3A_284 = arith.constant 48 : i32
      %add3A_285 = arith.addi %add3A_213, %add3A_284 : i32
      %swap3A_286 = arith.constant 1 : i32
      %swap3A_287 = arith.constant 0 : i32
      %swap3A_288 = arith.constant 0 : i32
      %swap3A_289 = tpu.memref_slice %arg8[%scan3A, %swap3A_287, %swap3A_288] : memref<2x8x1000xf32, #tpu.memory_space<vmem>> -> memref<1x8x1000xf32, #tpu.memory_space<vmem>>
      %swap3A_290 = tpu.memref_squeeze %swap3A_289 : memref<1x8x1000xf32, #tpu.memory_space<vmem>> -> memref<8x1000xf32, #tpu.memory_space<vmem>>
      %swap3A_291 = arith.index_cast %swap3A_286 : i32 to index
      %swap3A_292 = arith.index_cast %add3A_285 : i32 to index
      %swap3A_293 = tpu.vector_load %swap3A_290[%swap3A_291, %swap3A_292] {strides = array<i32>} : memref<8x1000xf32, #tpu.memory_space<vmem>>, vector<16xf32>,
      tpu.vector_store %swap3A_290[%swap3A_291, %swap3A_292], %broadcast_in_dim3A_10 {strides = array<i32>} : memref<8x1000xf32, #tpu.memory_space<vmem>>, vector<16xf32>,
      %add3A_294 = arith.constant 0 : i32
      %add3A_295 = arith.addi %add3A_213, %add3A_294 : i32
      %swap3A_296 = arith.constant 2 : i32
      %swap3A_297 = arith.constant 0 : i32
      %swap3A_298 = arith.constant 0 : i32
      %swap3A_299 = tpu.memref_slice %arg8[%scan3A, %swap3A_297, %swap3A_298] : memref<2x8x1000xf32, #tpu.memory_space<vmem>> -> memref<1x8x1000xf32, #tpu.memory_space<vmem>>
      %swap3A_300 = tpu.memref_squeeze %swap3A_299 : memref<1x8x1000xf32, #tpu.memory_space<vmem>> -> memref<8x1000xf32, #tpu.memory_space<vmem>>
      %swap3A_301 = arith.index_cast %swap3A_296 : i32 to index
      %swap3A_302 = arith.index_cast %add3A_295 : i32 to index
      %swap3A_303 = tpu.vector_load %swap3A_300[%swap3A_301, %swap3A_302] {strides = array<i32>} : memref<8x1000xf32, #tpu.memory_space<vmem>>, vector<16xf32>,
      tpu.vector_store %swap3A_300[%swap3A_301, %swap3A_302], %broadcast_in_dim3A_10 {strides = array<i32>} : memref<8x1000xf32, #tpu.memory_space<vmem>>, vector<16xf32>,
      %add3A_304 = arith.constant 16 : i32
      %add3A_305 = arith.addi %add3A_213, %add3A_304 : i32
      %swap3A_306 = arith.constant 2 : i32
      %swap3A_307 = arith.constant 0 : i32
      %swap3A_308 = arith.constant 0 : i32
      %swap3A_309 = tpu.memref_slice %arg8[%scan3A, %swap3A_307, %swap3A_308] : memref<2x8x1000xf32, #tpu.memory_space<vmem>> -> memref<1x8x1000xf32, #tpu.memory_space<vmem>>
      %swap3A_310 = tpu.memref_squeeze %swap3A_309 : memref<1x8x1000xf32, #tpu.memory_space<vmem>> -> memref<8x1000xf32, #tpu.memory_space<vmem>>
      %swap3A_311 = arith.index_cast %swap3A_306 : i32 to index
      %swap3A_312 = arith.index_cast %add3A_305 : i32 to index
      %swap3A_313 = tpu.vector_load %swap3A_310[%swap3A_311, %swap3A_312] {strides = array<i32>} : memref<8x1000xf32, #tpu.memory_space<vmem>>, vector<16xf32>,
      tpu.vector_store %swap3A_310[%swap3A_311, %swap3A_312], %broadcast_in_dim3A_10 {strides = array<i32>} : memref<8x1000xf32, #tpu.memory_space<vmem>>, vector<16xf32>,
      %add3A_314 = arith.constant 32 : i32
      %add3A_315 = arith.addi %add3A_213, %add3A_314 : i32
      %swap3A_316 = arith.constant 2 : i32
      %swap3A_317 = arith.constant 0 : i32
      %swap3A_318 = arith.constant 0 : i32
      %swap3A_319 = tpu.memref_slice %arg8[%scan3A, %swap3A_317, %swap3A_318] : memref<2x8x1000xf32, #tpu.memory_space<vmem>> -> memref<1x8x1000xf32, #tpu.memory_space<vmem>>
      %swap3A_320 = tpu.memref_squeeze %swap3A_319 : memref<1x8x1000xf32, #tpu.memory_space<vmem>> -> memref<8x1000xf32, #tpu.memory_space<vmem>>
      %swap3A_321 = arith.index_cast %swap3A_316 : i32 to index
      %swap3A_322 = arith.index_cast %add3A_315 : i32 to index
      %swap3A_323 = tpu.vector_load %swap3A_320[%swap3A_321, %swap3A_322] {strides = array<i32>} : memref<8x1000xf32, #tpu.memory_space<vmem>>, vector<16xf32>,
      tpu.vector_store %swap3A_320[%swap3A_321, %swap3A_322], %broadcast_in_dim3A_10 {strides = array<i32>} : memref<8x1000xf32, #tpu.memory_space<vmem>>, vector<16xf32>,
      %add3A_324 = arith.constant 48 : i32
      %add3A_325 = arith.addi %add3A_213, %add3A_324 : i32
      %swap3A_326 = arith.constant 2 : i32
      %swap3A_327 = arith.constant 0 : i32
      %swap3A_328 = arith.constant 0 : i32
      %swap3A_329 = tpu.memref_slice %arg8[%scan3A, %swap3A_327, %swap3A_328] : memref<2x8x1000xf32, #tpu.memory_space<vmem>> -> memref<1x8x1000xf32, #tpu.memory_space<vmem>>
      %swap3A_330 = tpu.memref_squeeze %swap3A_329 : memref<1x8x1000xf32, #tpu.memory_space<vmem>> -> memref<8x1000xf32, #tpu.memory_space<vmem>>
      %swap3A_331 = arith.index_cast %swap3A_326 : i32 to index
      %swap3A_332 = arith.index_cast %add3A_325 : i32 to index
      %swap3A_333 = tpu.vector_load %swap3A_330[%swap3A_331, %swap3A_332] {strides = array<i32>} : memref<8x1000xf32, #tpu.memory_space<vmem>>, vector<16xf32>,
      tpu.vector_store %swap3A_330[%swap3A_331, %swap3A_332], %broadcast_in_dim3A_10 {strides = array<i32>} : memref<8x1000xf32, #tpu.memory_space<vmem>>, vector<16xf32>,
      %add3A_334 = arith.constant 0 : i32
      %add3A_335 = arith.addi %add3A_213, %add3A_334 : i32
      %swap3A_336 = arith.constant 3 : i32
      %swap3A_337 = arith.constant 0 : i32
      %swap3A_338 = arith.constant 0 : i32
      %swap3A_339 = tpu.memref_slice %arg8[%scan3A, %swap3A_337, %swap3A_338] : memref<2x8x1000xf32, #tpu.memory_space<vmem>> -> memref<1x8x1000xf32, #tpu.memory_space<vmem>>
      %swap3A_340 = tpu.memref_squeeze %swap3A_339 : memref<1x8x1000xf32, #tpu.memory_space<vmem>> -> memref<8x1000xf32, #tpu.memory_space<vmem>>
      %swap3A_341 = arith.index_cast %swap3A_336 : i32 to index
      %swap3A_342 = arith.index_cast %add3A_335 : i32 to index
      %swap3A_343 = tpu.vector_load %swap3A_340[%swap3A_341, %swap3A_342] {strides = array<i32>} : memref<8x1000xf32, #tpu.memory_space<vmem>>, vector<16xf32>,
      tpu.vector_store %swap3A_340[%swap3A_341, %swap3A_342], %broadcast_in_dim3A_10 {strides = array<i32>} : memref<8x1000xf32, #tpu.memory_space<vmem>>, vector<16xf32>,
      %add3A_344 = arith.constant 16 : i32
      %add3A_345 = arith.addi %add3A_213, %add3A_344 : i32
      %swap3A_346 = arith.constant 3 : i32
      %swap3A_347 = arith.constant 0 : i32
      %swap3A_348 = arith.constant 0 : i32
      %swap3A_349 = tpu.memref_slice %arg8[%scan3A, %swap3A_347, %swap3A_348] : memref<2x8x1000xf32, #tpu.memory_space<vmem>> -> memref<1x8x1000xf32, #tpu.memory_space<vmem>>
      %swap3A_350 = tpu.memref_squeeze %swap3A_349 : memref<1x8x1000xf32, #tpu.memory_space<vmem>> -> memref<8x1000xf32, #tpu.memory_space<vmem>>
      %swap3A_351 = arith.index_cast %swap3A_346 : i32 to index
      %swap3A_352 = arith.index_cast %add3A_345 : i32 to index
      %swap3A_353 = tpu.vector_load %swap3A_350[%swap3A_351, %swap3A_352] {strides = array<i32>} : memref<8x1000xf32, #tpu.memory_space<vmem>>, vector<16xf32>,
      tpu.vector_store %swap3A_350[%swap3A_351, %swap3A_352], %broadcast_in_dim3A_10 {strides = array<i32>} : memref<8x1000xf32, #tpu.memory_space<vmem>>, vector<16xf32>,
      %add3A_354 = arith.constant 32 : i32
      %add3A_355 = arith.addi %add3A_213, %add3A_354 : i32
      %swap3A_356 = arith.constant 3 : i32
      %swap3A_357 = arith.constant 0 : i32
      %swap3A_358 = arith.constant 0 : i32
      %swap3A_359 = tpu.memref_slice %arg8[%scan3A, %swap3A_357, %swap3A_358] : memref<2x8x1000xf32, #tpu.memory_space<vmem>> -> memref<1x8x1000xf32, #tpu.memory_space<vmem>>
      %swap3A_360 = tpu.memref_squeeze %swap3A_359 : memref<1x8x1000xf32, #tpu.memory_space<vmem>> -> memref<8x1000xf32, #tpu.memory_space<vmem>>
      %swap3A_361 = arith.index_cast %swap3A_356 : i32 to index
      %swap3A_362 = arith.index_cast %add3A_355 : i32 to index
      %swap3A_363 = tpu.vector_load %swap3A_360[%swap3A_361, %swap3A_362] {strides = array<i32>} : memref<8x1000xf32, #tpu.memory_space<vmem>>, vector<16xf32>,
      tpu.vector_store %swap3A_360[%swap3A_361, %swap3A_362], %broadcast_in_dim3A_10 {strides = array<i32>} : memref<8x1000xf32, #tpu.memory_space<vmem>>, vector<16xf32>,
      %add3A_364 = arith.constant 48 : i32
      %add3A_365 = arith.addi %add3A_213, %add3A_364 : i32
      %swap3A_366 = arith.constant 3 : i32
      %swap3A_367 = arith.constant 0 : i32
      %swap3A_368 = arith.constant 0 : i32
      %swap3A_369 = tpu.memref_slice %arg8[%scan3A, %swap3A_367, %swap3A_368] : memref<2x8x1000xf32, #tpu.memory_space<vmem>> -> memref<1x8x1000xf32, #tpu.memory_space<vmem>>
      %swap3A_370 = tpu.memref_squeeze %swap3A_369 : memref<1x8x1000xf32, #tpu.memory_space<vmem>> -> memref<8x1000xf32, #tpu.memory_space<vmem>>
      %swap3A_371 = arith.index_cast %swap3A_366 : i32 to index
      %swap3A_372 = arith.index_cast %add3A_365 : i32 to index
      %swap3A_373 = tpu.vector_load %swap3A_370[%swap3A_371, %swap3A_372] {strides = array<i32>} : memref<8x1000xf32, #tpu.memory_space<vmem>>, vector<16xf32>,
      tpu.vector_store %swap3A_370[%swap3A_371, %swap3A_372], %broadcast_in_dim3A_10 {strides = array<i32>} : memref<8x1000xf32, #tpu.memory_space<vmem>>, vector<16xf32>,
      %add3A_374 = arith.constant 0 : i32
      %add3A_375 = arith.addi %add3A_213, %add3A_374 : i32
      %swap3A_376 = arith.constant 4 : i32
      %swap3A_377 = arith.constant 0 : i32
      %swap3A_378 = arith.constant 0 : i32
      %swap3A_379 = tpu.memref_slice %arg8[%scan3A, %swap3A_377, %swap3A_378] : memref<2x8x1000xf32, #tpu.memory_space<vmem>> -> memref<1x8x1000xf32, #tpu.memory_space<vmem>>
      %swap3A_380 = tpu.memref_squeeze %swap3A_379 : memref<1x8x1000xf32, #tpu.memory_space<vmem>> -> memref<8x1000xf32, #tpu.memory_space<vmem>>
      %swap3A_381 = arith.index_cast %swap3A_376 : i32 to index
      %swap3A_382 = arith.index_cast %add3A_375 : i32 to index
      %swap3A_383 = tpu.vector_load %swap3A_380[%swap3A_381, %swap3A_382] {strides = array<i32>} : memref<8x1000xf32, #tpu.memory_space<vmem>>, vector<16xf32>,
      tpu.vector_store %swap3A_380[%swap3A_381, %swap3A_382], %broadcast_in_dim3A_10 {strides = array<i32>} : memref<8x1000xf32, #tpu.memory_space<vmem>>, vector<16xf32>,
      %add3A_384 = arith.constant 16 : i32
      %add3A_385 = arith.addi %add3A_213, %add3A_384 : i32
      %swap3A_386 = arith.constant 4 : i32
      %swap3A_387 = arith.constant 0 : i32
      %swap3A_388 = arith.constant 0 : i32
      %swap3A_389 = tpu.memref_slice %arg8[%scan3A, %swap3A_387, %swap3A_388] : memref<2x8x1000xf32, #tpu.memory_space<vmem>> -> memref<1x8x1000xf32, #tpu.memory_space<vmem>>
      %swap3A_390 = tpu.memref_squeeze %swap3A_389 : memref<1x8x1000xf32, #tpu.memory_space<vmem>> -> memref<8x1000xf32, #tpu.memory_space<vmem>>
      %swap3A_391 = arith.index_cast %swap3A_386 : i32 to index
      %swap3A_392 = arith.index_cast %add3A_385 : i32 to index
      %swap3A_393 = tpu.vector_load %swap3A_390[%swap3A_391, %swap3A_392] {strides = array<i32>} : memref<8x1000xf32, #tpu.memory_space<vmem>>, vector<16xf32>,
      tpu.vector_store %swap3A_390[%swap3A_391, %swap3A_392], %broadcast_in_dim3A_10 {strides = array<i32>} : memref<8x1000xf32, #tpu.memory_space<vmem>>, vector<16xf32>,
      %add3A_394 = arith.constant 32 : i32
      %add3A_395 = arith.addi %add3A_213, %add3A_394 : i32
      %swap3A_396 = arith.constant 4 : i32
      %swap3A_397 = arith.constant 0 : i32
      %swap3A_398 = arith.constant 0 : i32
      %swap3A_399 = tpu.memref_slice %arg8[%scan3A, %swap3A_397, %swap3A_398] : memref<2x8x1000xf32, #tpu.memory_space<vmem>> -> memref<1x8x1000xf32, #tpu.memory_space<vmem>>
      %swap3A_400 = tpu.memref_squeeze %swap3A_399 : memref<1x8x1000xf32, #tpu.memory_space<vmem>> -> memref<8x1000xf32, #tpu.memory_space<vmem>>
      %swap3A_401 = arith.index_cast %swap3A_396 : i32 to index
      %swap3A_402 = arith.index_cast %add3A_395 : i32 to index
      %swap3A_403 = tpu.vector_load %swap3A_400[%swap3A_401, %swap3A_402] {strides = array<i32>} : memref<8x1000xf32, #tpu.memory_space<vmem>>, vector<16xf32>,
      tpu.vector_store %swap3A_400[%swap3A_401, %swap3A_402], %broadcast_in_dim3A_10 {strides = array<i32>} : memref<8x1000xf32, #tpu.memory_space<vmem>>, vector<16xf32>,
      %add3A_404 = arith.constant 48 : i32
      %add3A_405 = arith.addi %add3A_213, %add3A_404 : i32
      %swap3A_406 = arith.constant 4 : i32
      %swap3A_407 = arith.constant 0 : i32
      %swap3A_408 = arith.constant 0 : i32
      %swap3A_409 = tpu.memref_slice %arg8[%scan3A, %swap3A_407, %swap3A_408] : memref<2x8x1000xf32, #tpu.memory_space<vmem>> -> memref<1x8x1000xf32, #tpu.memory_space<vmem>>
      %swap3A_410 = tpu.memref_squeeze %swap3A_409 : memref<1x8x1000xf32, #tpu.memory_space<vmem>> -> memref<8x1000xf32, #tpu.memory_space<vmem>>
      %swap3A_411 = arith.index_cast %swap3A_406 : i32 to index
      %swap3A_412 = arith.index_cast %add3A_405 : i32 to index
      %swap3A_413 = tpu.vector_load %swap3A_410[%swap3A_411, %swap3A_412] {strides = array<i32>} : memref<8x1000xf32, #tpu.memory_space<vmem>>, vector<16xf32>,
      tpu.vector_store %swap3A_410[%swap3A_411, %swap3A_412], %broadcast_in_dim3A_10 {strides = array<i32>} : memref<8x1000xf32, #tpu.memory_space<vmem>>, vector<16xf32>,
      %add3A_414 = arith.constant 0 : i32
      %add3A_415 = arith.addi %add3A_213, %add3A_414 : i32
      %swap3A_416 = arith.constant 5 : i32
      %swap3A_417 = arith.constant 0 : i32
      %swap3A_418 = arith.constant 0 : i32
      %swap3A_419 = tpu.memref_slice %arg8[%scan3A, %swap3A_417, %swap3A_418] : memref<2x8x1000xf32, #tpu.memory_space<vmem>> -> memref<1x8x1000xf32, #tpu.memory_space<vmem>>
      %swap3A_420 = tpu.memref_squeeze %swap3A_419 : memref<1x8x1000xf32, #tpu.memory_space<vmem>> -> memref<8x1000xf32, #tpu.memory_space<vmem>>
      %swap3A_421 = arith.index_cast %swap3A_416 : i32 to index
      %swap3A_422 = arith.index_cast %add3A_415 : i32 to index
      %swap3A_423 = tpu.vector_load %swap3A_420[%swap3A_421, %swap3A_422] {strides = array<i32>} : memref<8x1000xf32, #tpu.memory_space<vmem>>, vector<16xf32>,
      tpu.vector_store %swap3A_420[%swap3A_421, %swap3A_422], %broadcast_in_dim3A_10 {strides = array<i32>} : memref<8x1000xf32, #tpu.memory_space<vmem>>, vector<16xf32>,
      %add3A_424 = arith.constant 16 : i32
      %add3A_425 = arith.addi %add3A_213, %add3A_424 : i32
      %swap3A_426 = arith.constant 5 : i32
      %swap3A_427 = arith.constant 0 : i32
      %swap3A_428 = arith.constant 0 : i32
      %swap3A_429 = tpu.memref_slice %arg8[%scan3A, %swap3A_427, %swap3A_428] : memref<2x8x1000xf32, #tpu.memory_space<vmem>> -> memref<1x8x1000xf32, #tpu.memory_space<vmem>>
      %swap3A_430 = tpu.memref_squeeze %swap3A_429 : memref<1x8x1000xf32, #tpu.memory_space<vmem>> -> memref<8x1000xf32, #tpu.memory_space<vmem>>
      %swap3A_431 = arith.index_cast %swap3A_426 : i32 to index
      %swap3A_432 = arith.index_cast %add3A_425 : i32 to index
      %swap3A_433 = tpu.vector_load %swap3A_430[%swap3A_431, %swap3A_432] {strides = array<i32>} : memref<8x1000xf32, #tpu.memory_space<vmem>>, vector<16xf32>,
      tpu.vector_store %swap3A_430[%swap3A_431, %swap3A_432], %broadcast_in_dim3A_10 {strides = array<i32>} : memref<8x1000xf32, #tpu.memory_space<vmem>>, vector<16xf32>,
      %add3A_434 = arith.constant 32 : i32
      %add3A_435 = arith.addi %add3A_213, %add3A_434 : i32
      %swap3A_436 = arith.constant 5 : i32
      %swap3A_437 = arith.constant 0 : i32
      %swap3A_438 = arith.constant 0 : i32
      %swap3A_439 = tpu.memref_slice %arg8[%scan3A, %swap3A_437, %swap3A_438] : memref<2x8x1000xf32, #tpu.memory_space<vmem>> -> memref<1x8x1000xf32, #tpu.memory_space<vmem>>
      %swap3A_440 = tpu.memref_squeeze %swap3A_439 : memref<1x8x1000xf32, #tpu.memory_space<vmem>> -> memref<8x1000xf32, #tpu.memory_space<vmem>>
      %swap3A_441 = arith.index_cast %swap3A_436 : i32 to index
      %swap3A_442 = arith.index_cast %add3A_435 : i32 to index
      %swap3A_443 = tpu.vector_load %swap3A_440[%swap3A_441, %swap3A_442] {strides = array<i32>} : memref<8x1000xf32, #tpu.memory_space<vmem>>, vector<16xf32>,
      tpu.vector_store %swap3A_440[%swap3A_441, %swap3A_442], %broadcast_in_dim3A_10 {strides = array<i32>} : memref<8x1000xf32, #tpu.memory_space<vmem>>, vector<16xf32>,
      %add3A_444 = arith.constant 48 : i32
      %add3A_445 = arith.addi %add3A_213, %add3A_444 : i32
      %swap3A_446 = arith.constant 5 : i32
      %swap3A_447 = arith.constant 0 : i32
      %swap3A_448 = arith.constant 0 : i32
      %swap3A_449 = tpu.memref_slice %arg8[%scan3A, %swap3A_447, %swap3A_448] : memref<2x8x1000xf32, #tpu.memory_space<vmem>> -> memref<1x8x1000xf32, #tpu.memory_space<vmem>>
      %swap3A_450 = tpu.memref_squeeze %swap3A_449 : memref<1x8x1000xf32, #tpu.memory_space<vmem>> -> memref<8x1000xf32, #tpu.memory_space<vmem>>
      %swap3A_451 = arith.index_cast %swap3A_446 : i32 to index
      %swap3A_452 = arith.index_cast %add3A_445 : i32 to index
      %swap3A_453 = tpu.vector_load %swap3A_450[%swap3A_451, %swap3A_452] {strides = array<i32>} : memref<8x1000xf32, #tpu.memory_space<vmem>>, vector<16xf32>,
      tpu.vector_store %swap3A_450[%swap3A_451, %swap3A_452], %broadcast_in_dim3A_10 {strides = array<i32>} : memref<8x1000xf32, #tpu.memory_space<vmem>>, vector<16xf32>,
      %add3A_454 = arith.constant 0 : i32
      %add3A_455 = arith.addi %add3A_213, %add3A_454 : i32
      %swap3A_456 = arith.constant 6 : i32
      %swap3A_457 = arith.constant 0 : i32
      %swap3A_458 = arith.constant 0 : i32
      %swap3A_459 = tpu.memref_slice %arg8[%scan3A, %swap3A_457, %swap3A_458] : memref<2x8x1000xf32, #tpu.memory_space<vmem>> -> memref<1x8x1000xf32, #tpu.memory_space<vmem>>
      %swap3A_460 = tpu.memref_squeeze %swap3A_459 : memref<1x8x1000xf32, #tpu.memory_space<vmem>> -> memref<8x1000xf32, #tpu.memory_space<vmem>>
      %swap3A_461 = arith.index_cast %swap3A_456 : i32 to index
      %swap3A_462 = arith.index_cast %add3A_455 : i32 to index
      %swap3A_463 = tpu.vector_load %swap3A_460[%swap3A_461, %swap3A_462] {strides = array<i32>} : memref<8x1000xf32, #tpu.memory_space<vmem>>, vector<16xf32>,
      tpu.vector_store %swap3A_460[%swap3A_461, %swap3A_462], %broadcast_in_dim3A_10 {strides = array<i32>} : memref<8x1000xf32, #tpu.memory_space<vmem>>, vector<16xf32>,
      %add3A_464 = arith.constant 16 : i32
      %add3A_465 = arith.addi %add3A_213, %add3A_464 : i32
      %swap3A_466 = arith.constant 6 : i32
      %swap3A_467 = arith.constant 0 : i32
      %swap3A_468 = arith.constant 0 : i32
      %swap3A_469 = tpu.memref_slice %arg8[%scan3A, %swap3A_467, %swap3A_468] : memref<2x8x1000xf32, #tpu.memory_space<vmem>> -> memref<1x8x1000xf32, #tpu.memory_space<vmem>>
      %swap3A_470 = tpu.memref_squeeze %swap3A_469 : memref<1x8x1000xf32, #tpu.memory_space<vmem>> -> memref<8x1000xf32, #tpu.memory_space<vmem>>
      %swap3A_471 = arith.index_cast %swap3A_466 : i32 to index
      %swap3A_472 = arith.index_cast %add3A_465 : i32 to index
      %swap3A_473 = tpu.vector_load %swap3A_470[%swap3A_471, %swap3A_472] {strides = array<i32>} : memref<8x1000xf32, #tpu.memory_space<vmem>>, vector<16xf32>,
      tpu.vector_store %swap3A_470[%swap3A_471, %swap3A_472], %broadcast_in_dim3A_10 {strides = array<i32>} : memref<8x1000xf32, #tpu.memory_space<vmem>>, vector<16xf32>,
      %add3A_474 = arith.constant 32 : i32
      %add3A_475 = arith.addi %add3A_213, %add3A_474 : i32
      %swap3A_476 = arith.constant 6 : i32
      %swap3A_477 = arith.constant 0 : i32
      %swap3A_478 = arith.constant 0 : i32
      %swap3A_479 = tpu.memref_slice %arg8[%scan3A, %swap3A_477, %swap3A_478] : memref<2x8x1000xf32, #tpu.memory_space<vmem>> -> memref<1x8x1000xf32, #tpu.memory_space<vmem>>
      %swap3A_480 = tpu.memref_squeeze %swap3A_479 : memref<1x8x1000xf32, #tpu.memory_space<vmem>> -> memref<8x1000xf32, #tpu.memory_space<vmem>>
      %swap3A_481 = arith.index_cast %swap3A_476 : i32 to index
      %swap3A_482 = arith.index_cast %add3A_475 : i32 to index
      %swap3A_483 = tpu.vector_load %swap3A_480[%swap3A_481, %swap3A_482] {strides = array<i32>} : memref<8x1000xf32, #tpu.memory_space<vmem>>, vector<16xf32>,
      tpu.vector_store %swap3A_480[%swap3A_481, %swap3A_482], %broadcast_in_dim3A_10 {strides = array<i32>} : memref<8x1000xf32, #tpu.memory_space<vmem>>, vector<16xf32>,
      %add3A_484 = arith.constant 48 : i32
      %add3A_485 = arith.addi %add3A_213, %add3A_484 : i32
      %swap3A_486 = arith.constant 6 : i32
      %swap3A_487 = arith.constant 0 : i32
      %swap3A_488 = arith.constant 0 : i32
      %swap3A_489 = tpu.memref_slice %arg8[%scan3A, %swap3A_487, %swap3A_488] : memref<2x8x1000xf32, #tpu.memory_space<vmem>> -> memref<1x8x1000xf32, #tpu.memory_space<vmem>>
      %swap3A_490 = tpu.memref_squeeze %swap3A_489 : memref<1x8x1000xf32, #tpu.memory_space<vmem>> -> memref<8x1000xf32, #tpu.memory_space<vmem>>
      %swap3A_491 = arith.index_cast %swap3A_486 : i32 to index
      %swap3A_492 = arith.index_cast %add3A_485 : i32 to index
      %swap3A_493 = tpu.vector_load %swap3A_490[%swap3A_491, %swap3A_492] {strides = array<i32>} : memref<8x1000xf32, #tpu.memory_space<vmem>>, vector<16xf32>,
      tpu.vector_store %swap3A_490[%swap3A_491, %swap3A_492], %broadcast_in_dim3A_10 {strides = array<i32>} : memref<8x1000xf32, #tpu.memory_space<vmem>>, vector<16xf32>,
      %add3A_494 = arith.constant 0 : i32
      %add3A_495 = arith.addi %add3A_213, %add3A_494 : i32
      %swap3A_496 = arith.constant 7 : i32
      %swap3A_497 = arith.constant 0 : i32
      %swap3A_498 = arith.constant 0 : i32
      %swap3A_499 = tpu.memref_slice %arg8[%scan3A, %swap3A_497, %swap3A_498] : memref<2x8x1000xf32, #tpu.memory_space<vmem>> -> memref<1x8x1000xf32, #tpu.memory_space<vmem>>
      %swap3A_500 = tpu.memref_squeeze %swap3A_499 : memref<1x8x1000xf32, #tpu.memory_space<vmem>> -> memref<8x1000xf32, #tpu.memory_space<vmem>>
      %swap3A_501 = arith.index_cast %swap3A_496 : i32 to index
      %swap3A_502 = arith.index_cast %add3A_495 : i32 to index
      %swap3A_503 = tpu.vector_load %swap3A_500[%swap3A_501, %swap3A_502] {strides = array<i32>} : memref<8x1000xf32, #tpu.memory_space<vmem>>, vector<16xf32>,
      tpu.vector_store %swap3A_500[%swap3A_501, %swap3A_502], %broadcast_in_dim3A_10 {strides = array<i32>} : memref<8x1000xf32, #tpu.memory_space<vmem>>, vector<16xf32>,
      %add3A_504 = arith.constant 16 : i32
      %add3A_505 = arith.addi %add3A_213, %add3A_504 : i32
      %swap3A_506 = arith.constant 7 : i32
      %swap3A_507 = arith.constant 0 : i32
      %swap3A_508 = arith.constant 0 : i32
      %swap3A_509 = tpu.memref_slice %arg8[%scan3A, %swap3A_507, %swap3A_508] : memref<2x8x1000xf32, #tpu.memory_space<vmem>> -> memref<1x8x1000xf32, #tpu.memory_space<vmem>>
      %swap3A_510 = tpu.memref_squeeze %swap3A_509 : memref<1x8x1000xf32, #tpu.memory_space<vmem>> -> memref<8x1000xf32, #tpu.memory_space<vmem>>
      %swap3A_511 = arith.index_cast %swap3A_506 : i32 to index
      %swap3A_512 = arith.index_cast %add3A_505 : i32 to index
      %swap3A_513 = tpu.vector_load %swap3A_510[%swap3A_511, %swap3A_512] {strides = array<i32>} : memref<8x1000xf32, #tpu.memory_space<vmem>>, vector<16xf32>,
      tpu.vector_store %swap3A_510[%swap3A_511, %swap3A_512], %broadcast_in_dim3A_10 {strides = array<i32>} : memref<8x1000xf32, #tpu.memory_space<vmem>>, vector<16xf32>,
      %add3A_514 = arith.constant 32 : i32
      %add3A_515 = arith.addi %add3A_213, %add3A_514 : i32
      %swap3A_516 = arith.constant 7 : i32
      %swap3A_517 = arith.constant 0 : i32
      %swap3A_518 = arith.constant 0 : i32
      %swap3A_519 = tpu.memref_slice %arg8[%scan3A, %swap3A_517, %swap3A_518] : memref<2x8x1000xf32, #tpu.memory_space<vmem>> -> memref<1x8x1000xf32, #tpu.memory_space<vmem>>
      %swap3A_520 = tpu.memref_squeeze %swap3A_519 : memref<1x8x1000xf32, #tpu.memory_space<vmem>> -> memref<8x1000xf32, #tpu.memory_space<vmem>>
      %swap3A_521 = arith.index_cast %swap3A_516 : i32 to index
      %swap3A_522 = arith.index_cast %add3A_515 : i32 to index
      %swap3A_523 = tpu.vector_load %swap3A_520[%swap3A_521, %swap3A_522] {strides = array<i32>} : memref<8x1000xf32, #tpu.memory_space<vmem>>, vector<16xf32>,
      tpu.vector_store %swap3A_520[%swap3A_521, %swap3A_522], %broadcast_in_dim3A_10 {strides = array<i32>} : memref<8x1000xf32, #tpu.memory_space<vmem>>, vector<16xf32>,
      %add3A_524 = arith.constant 48 : i32
      %add3A_525 = arith.addi %add3A_213, %add3A_524 : i32
      %swap3A_526 = arith.constant 7 : i32
      %swap3A_527 = arith.constant 0 : i32
      %swap3A_528 = arith.constant 0 : i32
      %swap3A_529 = tpu.memref_slice %arg8[%scan3A, %swap3A_527, %swap3A_528] : memref<2x8x1000xf32, #tpu.memory_space<vmem>> -> memref<1x8x1000xf32, #tpu.memory_space<vmem>>
      %swap3A_530 = tpu.memref_squeeze %swap3A_529 : memref<1x8x1000xf32, #tpu.memory_space<vmem>> -> memref<8x1000xf32, #tpu.memory_space<vmem>>
      %swap3A_531 = arith.index_cast %swap3A_526 : i32 to index
      %swap3A_532 = arith.index_cast %add3A_525 : i32 to index
      %swap3A_533 = tpu.vector_load %swap3A_530[%swap3A_531, %swap3A_532] {strides = array<i32>} : memref<8x1000xf32, #tpu.memory_space<vmem>>, vector<16xf32>,
      tpu.vector_store %swap3A_530[%swap3A_531, %swap3A_532], %broadcast_in_dim3A_10 {strides = array<i32>} : memref<8x1000xf32, #tpu.memory_space<vmem>>, vector<16xf32>,
    }
    %scan3A_17 = arith.constant 16 : i32
    %swap3A = arith.constant 0 : i32
    %swap3A_18 = arith.constant 0 : i32
    %swap3A_19 = arith.constant 0 : i32
    %swap3A_20 = arith.constant 0 : i32
    %swap3A_21 = tpu.memref_slice %arg8[%swap3A, %swap3A_19, %swap3A_20] : memref<2x8x1000xf32, #tpu.memory_space<vmem>> -> memref<1x8x1000xf32, #tpu.memory_space<vmem>>
    %swap3A_22 = tpu.memref_squeeze %swap3A_21 : memref<1x8x1000xf32, #tpu.memory_space<vmem>> -> memref<8x1000xf32, #tpu.memory_space<vmem>>
    %swap3A_23 = arith.index_cast %swap3A_18 : i32 to index
    %swap3A_24 = arith.constant 984 : index
    %swap3A_25 = tpu.vector_load %swap3A_22[%swap3A_23, %swap3A_24] {strides = array<i32>} : memref<8x1000xf32, #tpu.memory_space<vmem>>, vector<16xf32>,
    tpu.vector_store %swap3A_22[%swap3A_23, %swap3A_24], %broadcast_in_dim3A_10 {strides = array<i32>} : memref<8x1000xf32, #tpu.memory_space<vmem>>, vector<16xf32>,
    %swap3A_26 = arith.constant 0 : i32
    %swap3A_27 = arith.constant 1 : i32
    %swap3A_28 = arith.constant 0 : i32
    %swap3A_29 = arith.constant 0 : i32
    %swap3A_30 = tpu.memref_slice %arg8[%swap3A_26, %swap3A_28, %swap3A_29] : memref<2x8x1000xf32, #tpu.memory_space<vmem>> -> memref<1x8x1000xf32, #tpu.memory_space<vmem>>
    %swap3A_31 = tpu.memref_squeeze %swap3A_30 : memref<1x8x1000xf32, #tpu.memory_space<vmem>> -> memref<8x1000xf32, #tpu.memory_space<vmem>>
    %swap3A_32 = arith.index_cast %swap3A_27 : i32 to index
    %swap3A_33 = arith.constant 984 : index
    %swap3A_34 = tpu.vector_load %swap3A_31[%swap3A_32, %swap3A_33] {strides = array<i32>} : memref<8x1000xf32, #tpu.memory_space<vmem>>, vector<16xf32>,
    tpu.vector_store %swap3A_31[%swap3A_32, %swap3A_33], %broadcast_in_dim3A_10 {strides = array<i32>} : memref<8x1000xf32, #tpu.memory_space<vmem>>, vector<16xf32>,
    %swap3A_35 = arith.constant 0 : i32
    %swap3A_36 = arith.constant 2 : i32
    %swap3A_37 = arith.constant 0 : i32
    %swap3A_38 = arith.constant 0 : i32
    %swap3A_39 = tpu.memref_slice %arg8[%swap3A_35, %swap3A_37, %swap3A_38] : memref<2x8x1000xf32, #tpu.memory_space<vmem>> -> memref<1x8x1000xf32, #tpu.memory_space<vmem>>
    %swap3A_40 = tpu.memref_squeeze %swap3A_39 : memref<1x8x1000xf32, #tpu.memory_space<vmem>> -> memref<8x1000xf32, #tpu.memory_space<vmem>>
    %swap3A_41 = arith.index_cast %swap3A_36 : i32 to index
    %swap3A_42 = arith.constant 984 : index
    %swap3A_43 = tpu.vector_load %swap3A_40[%swap3A_41, %swap3A_42] {strides = array<i32>} : memref<8x1000xf32, #tpu.memory_space<vmem>>, vector<16xf32>,
    tpu.vector_store %swap3A_40[%swap3A_41, %swap3A_42], %broadcast_in_dim3A_10 {strides = array<i32>} : memref<8x1000xf32, #tpu.memory_space<vmem>>, vector<16xf32>,
    %swap3A_44 = arith.constant 0 : i32
    %swap3A_45 = arith.constant 3 : i32
    %swap3A_46 = arith.constant 0 : i32
    %swap3A_47 = arith.constant 0 : i32
    %swap3A_48 = tpu.memref_slice %arg8[%swap3A_44, %swap3A_46, %swap3A_47] : memref<2x8x1000xf32, #tpu.memory_space<vmem>> -> memref<1x8x1000xf32, #tpu.memory_space<vmem>>
    %swap3A_49 = tpu.memref_squeeze %swap3A_48 : memref<1x8x1000xf32, #tpu.memory_space<vmem>> -> memref<8x1000xf32, #tpu.memory_space<vmem>>
    %swap3A_50 = arith.index_cast %swap3A_45 : i32 to index
    %swap3A_51 = arith.constant 984 : index
    %swap3A_52 = tpu.vector_load %swap3A_49[%swap3A_50, %swap3A_51] {strides = array<i32>} : memref<8x1000xf32, #tpu.memory_space<vmem>>, vector<16xf32>,
    tpu.vector_store %swap3A_49[%swap3A_50, %swap3A_51], %broadcast_in_dim3A_10 {strides = array<i32>} : memref<8x1000xf32, #tpu.memory_space<vmem>>, vector<16xf32>,
    %swap3A_53 = arith.constant 0 : i32
    %swap3A_54 = arith.constant 4 : i32
    %swap3A_55 = arith.constant 0 : i32
    %swap3A_56 = arith.constant 0 : i32
    %swap3A_57 = tpu.memref_slice %arg8[%swap3A_53, %swap3A_55, %swap3A_56] : memref<2x8x1000xf32, #tpu.memory_space<vmem>> -> memref<1x8x1000xf32, #tpu.memory_space<vmem>>
    %swap3A_58 = tpu.memref_squeeze %swap3A_57 : memref<1x8x1000xf32, #tpu.memory_space<vmem>> -> memref<8x1000xf32, #tpu.memory_space<vmem>>
    %swap3A_59 = arith.index_cast %swap3A_54 : i32 to index
    %swap3A_60 = arith.constant 984 : index
    %swap3A_61 = tpu.vector_load %swap3A_58[%swap3A_59, %swap3A_60] {strides = array<i32>} : memref<8x1000xf32, #tpu.memory_space<vmem>>, vector<16xf32>,
    tpu.vector_store %swap3A_58[%swap3A_59, %swap3A_60], %broadcast_in_dim3A_10 {strides = array<i32>} : memref<8x1000xf32, #tpu.memory_space<vmem>>, vector<16xf32>,
    %swap3A_62 = arith.constant 0 : i32
    %swap3A_63 = arith.constant 5 : i32
    %swap3A_64 = arith.constant 0 : i32
    %swap3A_65 = arith.constant 0 : i32
    %swap3A_66 = tpu.memref_slice %arg8[%swap3A_62, %swap3A_64, %swap3A_65] : memref<2x8x1000xf32, #tpu.memory_space<vmem>> -> memref<1x8x1000xf32, #tpu.memory_space<vmem>>
    %swap3A_67 = tpu.memref_squeeze %swap3A_66 : memref<1x8x1000xf32, #tpu.memory_space<vmem>> -> memref<8x1000xf32, #tpu.memory_space<vmem>>
    %swap3A_68 = arith.index_cast %swap3A_63 : i32 to index
    %swap3A_69 = arith.constant 984 : index
    %swap3A_70 = tpu.vector_load %swap3A_67[%swap3A_68, %swap3A_69] {strides = array<i32>} : memref<8x1000xf32, #tpu.memory_space<vmem>>, vector<16xf32>,
    tpu.vector_store %swap3A_67[%swap3A_68, %swap3A_69], %broadcast_in_dim3A_10 {strides = array<i32>} : memref<8x1000xf32, #tpu.memory_space<vmem>>, vector<16xf32>,
    %swap3A_71 = arith.constant 0 : i32
    %swap3A_72 = arith.constant 6 : i32
    %swap3A_73 = arith.constant 0 : i32
    %swap3A_74 = arith.constant 0 : i32
    %swap3A_75 = tpu.memref_slice %arg8[%swap3A_71, %swap3A_73, %swap3A_74] : memref<2x8x1000xf32, #tpu.memory_space<vmem>> -> memref<1x8x1000xf32, #tpu.memory_space<vmem>>
    %swap3A_76 = tpu.memref_squeeze %swap3A_75 : memref<1x8x1000xf32, #tpu.memory_space<vmem>> -> memref<8x1000xf32, #tpu.memory_space<vmem>>
    %swap3A_77 = arith.index_cast %swap3A_72 : i32 to index
    %swap3A_78 = arith.constant 984 : index
    %swap3A_79 = tpu.vector_load %swap3A_76[%swap3A_77, %swap3A_78] {strides = array<i32>} : memref<8x1000xf32, #tpu.memory_space<vmem>>, vector<16xf32>,
    tpu.vector_store %swap3A_76[%swap3A_77, %swap3A_78], %broadcast_in_dim3A_10 {strides = array<i32>} : memref<8x1000xf32, #tpu.memory_space<vmem>>, vector<16xf32>,
    %swap3A_80 = arith.constant 0 : i32
    %swap3A_81 = arith.constant 7 : i32
    %swap3A_82 = arith.constant 0 : i32
    %swap3A_83 = arith.constant 0 : i32
    %swap3A_84 = tpu.memref_slice %arg8[%swap3A_80, %swap3A_82, %swap3A_83] : memref<2x8x1000xf32, #tpu.memory_space<vmem>> -> memref<1x8x1000xf32, #tpu.memory_space<vmem>>
    %swap3A_85 = tpu.memref_squeeze %swap3A_84 : memref<1x8x1000xf32, #tpu.memory_space<vmem>> -> memref<8x1000xf32, #tpu.memory_space<vmem>>
    %swap3A_86 = arith.index_cast %swap3A_81 : i32 to index
    %swap3A_87 = arith.constant 984 : index
    %swap3A_88 = tpu.vector_load %swap3A_85[%swap3A_86, %swap3A_87] {strides = array<i32>} : memref<8x1000xf32, #tpu.memory_space<vmem>>, vector<16xf32>,
    tpu.vector_store %swap3A_85[%swap3A_86, %swap3A_87], %broadcast_in_dim3A_10 {strides = array<i32>} : memref<8x1000xf32, #tpu.memory_space<vmem>>, vector<16xf32>,
    %scan3A_89 = arith.constant 1 : i32
    %scan3A_90 = arith.constant 0 : i32
    %scan3A_91 = arith.constant 16 : i32
    %scan3A_92 = arith.addi %scan3A_90, %scan3A_91 : i32
    %scan3A_93 = arith.constant 1 : i32
    scf.for %scan3A_209 = %scan3A_90 to %scan3A_92 step %scan3A_93  : i32 {
      %mul3A_210 = arith.constant 64 : i32
      %mul3A_211 = arith.muli %scan3A_209, %mul3A_210 : i32
      %add3A_212 = arith.constant 0 : i32
      %add3A_213 = arith.addi %add3A_212, %mul3A_211 : i32
      %add3A_214 = arith.constant 0 : i32
      %add3A_215 = arith.addi %add3A_213, %add3A_214 : i32
      %swap3A_216 = arith.constant 0 : i32
      %swap3A_217 = arith.constant 0 : i32
      %swap3A_218 = arith.constant 0 : i32
      %swap3A_219 = tpu.memref_slice %arg8[%scan3A_89, %swap3A_217, %swap3A_218] : memref<2x8x1000xf32, #tpu.memory_space<vmem>> -> memref<1x8x1000xf32, #tpu.memory_space<vmem>>
      %swap3A_220 = tpu.memref_squeeze %swap3A_219 : memref<1x8x1000xf32, #tpu.memory_space<vmem>> -> memref<8x1000xf32, #tpu.memory_space<vmem>>
      %swap3A_221 = arith.index_cast %swap3A_216 : i32 to index
      %swap3A_222 = arith.index_cast %add3A_215 : i32 to index
      %swap3A_223 = tpu.vector_load %swap3A_220[%swap3A_221, %swap3A_222] {strides = array<i32>} : memref<8x1000xf32, #tpu.memory_space<vmem>>, vector<16xf32>,
      tpu.vector_store %swap3A_220[%swap3A_221, %swap3A_222], %broadcast_in_dim3A_10 {strides = array<i32>} : memref<8x1000xf32, #tpu.memory_space<vmem>>, vector<16xf32>,
      %add3A_224 = arith.constant 16 : i32
      %add3A_225 = arith.addi %add3A_213, %add3A_224 : i32
      %swap3A_226 = arith.constant 0 : i32
      %swap3A_227 = arith.constant 0 : i32
      %swap3A_228 = arith.constant 0 : i32
      %swap3A_229 = tpu.memref_slice %arg8[%scan3A_89, %swap3A_227, %swap3A_228] : memref<2x8x1000xf32, #tpu.memory_space<vmem>> -> memref<1x8x1000xf32, #tpu.memory_space<vmem>>
      %swap3A_230 = tpu.memref_squeeze %swap3A_229 : memref<1x8x1000xf32, #tpu.memory_space<vmem>> -> memref<8x1000xf32, #tpu.memory_space<vmem>>
      %swap3A_231 = arith.index_cast %swap3A_226 : i32 to index
      %swap3A_232 = arith.index_cast %add3A_225 : i32 to index
      %swap3A_233 = tpu.vector_load %swap3A_230[%swap3A_231, %swap3A_232] {strides = array<i32>} : memref<8x1000xf32, #tpu.memory_space<vmem>>, vector<16xf32>,
      tpu.vector_store %swap3A_230[%swap3A_231, %swap3A_232], %broadcast_in_dim3A_10 {strides = array<i32>} : memref<8x1000xf32, #tpu.memory_space<vmem>>, vector<16xf32>,
      %add3A_234 = arith.constant 32 : i32
      %add3A_235 = arith.addi %add3A_213, %add3A_234 : i32
      %swap3A_236 = arith.constant 0 : i32
      %swap3A_237 = arith.constant 0 : i32
      %swap3A_238 = arith.constant 0 : i32
      %swap3A_239 = tpu.memref_slice %arg8[%scan3A_89, %swap3A_237, %swap3A_238] : memref<2x8x1000xf32, #tpu.memory_space<vmem>> -> memref<1x8x1000xf32, #tpu.memory_space<vmem>>
      %swap3A_240 = tpu.memref_squeeze %swap3A_239 : memref<1x8x1000xf32, #tpu.memory_space<vmem>> -> memref<8x1000xf32, #tpu.memory_space<vmem>>
      %swap3A_241 = arith.index_cast %swap3A_236 : i32 to index
      %swap3A_242 = arith.index_cast %add3A_235 : i32 to index
      %swap3A_243 = tpu.vector_load %swap3A_240[%swap3A_241, %swap3A_242] {strides = array<i32>} : memref<8x1000xf32, #tpu.memory_space<vmem>>, vector<16xf32>,
      tpu.vector_store %swap3A_240[%swap3A_241, %swap3A_242], %broadcast_in_dim3A_10 {strides = array<i32>} : memref<8x1000xf32, #tpu.memory_space<vmem>>, vector<16xf32>,
      %add3A_244 = arith.constant 48 : i32
      %add3A_245 = arith.addi %add3A_213, %add3A_244 : i32
      %swap3A_246 = arith.constant 0 : i32
      %swap3A_247 = arith.constant 0 : i32
      %swap3A_248 = arith.constant 0 : i32
      %swap3A_249 = tpu.memref_slice %arg8[%scan3A_89, %swap3A_247, %swap3A_248] : memref<2x8x1000xf32, #tpu.memory_space<vmem>> -> memref<1x8x1000xf32, #tpu.memory_space<vmem>>
      %swap3A_250 = tpu.memref_squeeze %swap3A_249 : memref<1x8x1000xf32, #tpu.memory_space<vmem>> -> memref<8x1000xf32, #tpu.memory_space<vmem>>
      %swap3A_251 = arith.index_cast %swap3A_246 : i32 to index
      %swap3A_252 = arith.index_cast %add3A_245 : i32 to index
      %swap3A_253 = tpu.vector_load %swap3A_250[%swap3A_251, %swap3A_252] {strides = array<i32>} : memref<8x1000xf32, #tpu.memory_space<vmem>>, vector<16xf32>,
      tpu.vector_store %swap3A_250[%swap3A_251, %swap3A_252], %broadcast_in_dim3A_10 {strides = array<i32>} : memref<8x1000xf32, #tpu.memory_space<vmem>>, vector<16xf32>,
      %add3A_254 = arith.constant 0 : i32
      %add3A_255 = arith.addi %add3A_213, %add3A_254 : i32
      %swap3A_256 = arith.constant 1 : i32
      %swap3A_257 = arith.constant 0 : i32
      %swap3A_258 = arith.constant 0 : i32
      %swap3A_259 = tpu.memref_slice %arg8[%scan3A_89, %swap3A_257, %swap3A_258] : memref<2x8x1000xf32, #tpu.memory_space<vmem>> -> memref<1x8x1000xf32, #tpu.memory_space<vmem>>
      %swap3A_260 = tpu.memref_squeeze %swap3A_259 : memref<1x8x1000xf32, #tpu.memory_space<vmem>> -> memref<8x1000xf32, #tpu.memory_space<vmem>>
      %swap3A_261 = arith.index_cast %swap3A_256 : i32 to index
      %swap3A_262 = arith.index_cast %add3A_255 : i32 to index
      %swap3A_263 = tpu.vector_load %swap3A_260[%swap3A_261, %swap3A_262] {strides = array<i32>} : memref<8x1000xf32, #tpu.memory_space<vmem>>, vector<16xf32>,
      tpu.vector_store %swap3A_260[%swap3A_261, %swap3A_262], %broadcast_in_dim3A_10 {strides = array<i32>} : memref<8x1000xf32, #tpu.memory_space<vmem>>, vector<16xf32>,
      %add3A_264 = arith.constant 16 : i32
      %add3A_265 = arith.addi %add3A_213, %add3A_264 : i32
      %swap3A_266 = arith.constant 1 : i32
      %swap3A_267 = arith.constant 0 : i32
      %swap3A_268 = arith.constant 0 : i32
      %swap3A_269 = tpu.memref_slice %arg8[%scan3A_89, %swap3A_267, %swap3A_268] : memref<2x8x1000xf32, #tpu.memory_space<vmem>> -> memref<1x8x1000xf32, #tpu.memory_space<vmem>>
      %swap3A_270 = tpu.memref_squeeze %swap3A_269 : memref<1x8x1000xf32, #tpu.memory_space<vmem>> -> memref<8x1000xf32, #tpu.memory_space<vmem>>
      %swap3A_271 = arith.index_cast %swap3A_266 : i32 to index
      %swap3A_272 = arith.index_cast %add3A_265 : i32 to index
      %swap3A_273 = tpu.vector_load %swap3A_270[%swap3A_271, %swap3A_272] {strides = array<i32>} : memref<8x1000xf32, #tpu.memory_space<vmem>>, vector<16xf32>,
      tpu.vector_store %swap3A_270[%swap3A_271, %swap3A_272], %broadcast_in_dim3A_10 {strides = array<i32>} : memref<8x1000xf32, #tpu.memory_space<vmem>>, vector<16xf32>,
      %add3A_274 = arith.constant 32 : i32
      %add3A_275 = arith.addi %add3A_213, %add3A_274 : i32
      %swap3A_276 = arith.constant 1 : i32
      %swap3A_277 = arith.constant 0 : i32
      %swap3A_278 = arith.constant 0 : i32
      %swap3A_279 = tpu.memref_slice %arg8[%scan3A_89, %swap3A_277, %swap3A_278] : memref<2x8x1000xf32, #tpu.memory_space<vmem>> -> memref<1x8x1000xf32, #tpu.memory_space<vmem>>
      %swap3A_280 = tpu.memref_squeeze %swap3A_279 : memref<1x8x1000xf32, #tpu.memory_space<vmem>> -> memref<8x1000xf32, #tpu.memory_space<vmem>>
      %swap3A_281 = arith.index_cast %swap3A_276 : i32 to index
      %swap3A_282 = arith.index_cast %add3A_275 : i32 to index
      %swap3A_283 = tpu.vector_load %swap3A_280[%swap3A_281, %swap3A_282] {strides = array<i32>} : memref<8x1000xf32, #tpu.memory_space<vmem>>, vector<16xf32>,
      tpu.vector_store %swap3A_280[%swap3A_281, %swap3A_282], %broadcast_in_dim3A_10 {strides = array<i32>} : memref<8x1000xf32, #tpu.memory_space<vmem>>, vector<16xf32>,
      %add3A_284 = arith.constant 48 : i32
      %add3A_285 = arith.addi %add3A_213, %add3A_284 : i32
      %swap3A_286 = arith.constant 1 : i32
      %swap3A_287 = arith.constant 0 : i32
      %swap3A_288 = arith.constant 0 : i32
      %swap3A_289 = tpu.memref_slice %arg8[%scan3A_89, %swap3A_287, %swap3A_288] : memref<2x8x1000xf32, #tpu.memory_space<vmem>> -> memref<1x8x1000xf32, #tpu.memory_space<vmem>>
      %swap3A_290 = tpu.memref_squeeze %swap3A_289 : memref<1x8x1000xf32, #tpu.memory_space<vmem>> -> memref<8x1000xf32, #tpu.memory_space<vmem>>
      %swap3A_291 = arith.index_cast %swap3A_286 : i32 to index
      %swap3A_292 = arith.index_cast %add3A_285 : i32 to index
      %swap3A_293 = tpu.vector_load %swap3A_290[%swap3A_291, %swap3A_292] {strides = array<i32>} : memref<8x1000xf32, #tpu.memory_space<vmem>>, vector<16xf32>,
      tpu.vector_store %swap3A_290[%swap3A_291, %swap3A_292], %broadcast_in_dim3A_10 {strides = array<i32>} : memref<8x1000xf32, #tpu.memory_space<vmem>>, vector<16xf32>,
      %add3A_294 = arith.constant 0 : i32
      %add3A_295 = arith.addi %add3A_213, %add3A_294 : i32
      %swap3A_296 = arith.constant 2 : i32
      %swap3A_297 = arith.constant 0 : i32
      %swap3A_298 = arith.constant 0 : i32
      %swap3A_299 = tpu.memref_slice %arg8[%scan3A_89, %swap3A_297, %swap3A_298] : memref<2x8x1000xf32, #tpu.memory_space<vmem>> -> memref<1x8x1000xf32, #tpu.memory_space<vmem>>
      %swap3A_300 = tpu.memref_squeeze %swap3A_299 : memref<1x8x1000xf32, #tpu.memory_space<vmem>> -> memref<8x1000xf32, #tpu.memory_space<vmem>>
      %swap3A_301 = arith.index_cast %swap3A_296 : i32 to index
      %swap3A_302 = arith.index_cast %add3A_295 : i32 to index
      %swap3A_303 = tpu.vector_load %swap3A_300[%swap3A_301, %swap3A_302] {strides = array<i32>} : memref<8x1000xf32, #tpu.memory_space<vmem>>, vector<16xf32>,
      tpu.vector_store %swap3A_300[%swap3A_301, %swap3A_302], %broadcast_in_dim3A_10 {strides = array<i32>} : memref<8x1000xf32, #tpu.memory_space<vmem>>, vector<16xf32>,
      %add3A_304 = arith.constant 16 : i32
      %add3A_305 = arith.addi %add3A_213, %add3A_304 : i32
      %swap3A_306 = arith.constant 2 : i32
      %swap3A_307 = arith.constant 0 : i32
      %swap3A_308 = arith.constant 0 : i32
      %swap3A_309 = tpu.memref_slice %arg8[%scan3A_89, %swap3A_307, %swap3A_308] : memref<2x8x1000xf32, #tpu.memory_space<vmem>> -> memref<1x8x1000xf32, #tpu.memory_space<vmem>>
      %swap3A_310 = tpu.memref_squeeze %swap3A_309 : memref<1x8x1000xf32, #tpu.memory_space<vmem>> -> memref<8x1000xf32, #tpu.memory_space<vmem>>
      %swap3A_311 = arith.index_cast %swap3A_306 : i32 to index
      %swap3A_312 = arith.index_cast %add3A_305 : i32 to index
      %swap3A_313 = tpu.vector_load %swap3A_310[%swap3A_311, %swap3A_312] {strides = array<i32>} : memref<8x1000xf32, #tpu.memory_space<vmem>>, vector<16xf32>,
      tpu.vector_store %swap3A_310[%swap3A_311, %swap3A_312], %broadcast_in_dim3A_10 {strides = array<i32>} : memref<8x1000xf32, #tpu.memory_space<vmem>>, vector<16xf32>,
      %add3A_314 = arith.constant 32 : i32
      %add3A_315 = arith.addi %add3A_213, %add3A_314 : i32
      %swap3A_316 = arith.constant 2 : i32
      %swap3A_317 = arith.constant 0 : i32
      %swap3A_318 = arith.constant 0 : i32
      %swap3A_319 = tpu.memref_slice %arg8[%scan3A_89, %swap3A_317, %swap3A_318] : memref<2x8x1000xf32, #tpu.memory_space<vmem>> -> memref<1x8x1000xf32, #tpu.memory_space<vmem>>
      %swap3A_320 = tpu.memref_squeeze %swap3A_319 : memref<1x8x1000xf32, #tpu.memory_space<vmem>> -> memref<8x1000xf32, #tpu.memory_space<vmem>>
      %swap3A_321 = arith.index_cast %swap3A_316 : i32 to index
      %swap3A_322 = arith.index_cast %add3A_315 : i32 to index
      %swap3A_323 = tpu.vector_load %swap3A_320[%swap3A_321, %swap3A_322] {strides = array<i32>} : memref<8x1000xf32, #tpu.memory_space<vmem>>, vector<16xf32>,
      tpu.vector_store %swap3A_320[%swap3A_321, %swap3A_322], %broadcast_in_dim3A_10 {strides = array<i32>} : memref<8x1000xf32, #tpu.memory_space<vmem>>, vector<16xf32>,
      %add3A_324 = arith.constant 48 : i32
      %add3A_325 = arith.addi %add3A_213, %add3A_324 : i32
      %swap3A_326 = arith.constant 2 : i32
      %swap3A_327 = arith.constant 0 : i32
      %swap3A_328 = arith.constant 0 : i32
      %swap3A_329 = tpu.memref_slice %arg8[%scan3A_89, %swap3A_327, %swap3A_328] : memref<2x8x1000xf32, #tpu.memory_space<vmem>> -> memref<1x8x1000xf32, #tpu.memory_space<vmem>>
      %swap3A_330 = tpu.memref_squeeze %swap3A_329 : memref<1x8x1000xf32, #tpu.memory_space<vmem>> -> memref<8x1000xf32, #tpu.memory_space<vmem>>
      %swap3A_331 = arith.index_cast %swap3A_326 : i32 to index
      %swap3A_332 = arith.index_cast %add3A_325 : i32 to index
      %swap3A_333 = tpu.vector_load %swap3A_330[%swap3A_331, %swap3A_332] {strides = array<i32>} : memref<8x1000xf32, #tpu.memory_space<vmem>>, vector<16xf32>,
      tpu.vector_store %swap3A_330[%swap3A_331, %swap3A_332], %broadcast_in_dim3A_10 {strides = array<i32>} : memref<8x1000xf32, #tpu.memory_space<vmem>>, vector<16xf32>,
      %add3A_334 = arith.constant 0 : i32
      %add3A_335 = arith.addi %add3A_213, %add3A_334 : i32
      %swap3A_336 = arith.constant 3 : i32
      %swap3A_337 = arith.constant 0 : i32
      %swap3A_338 = arith.constant 0 : i32
      %swap3A_339 = tpu.memref_slice %arg8[%scan3A_89, %swap3A_337, %swap3A_338] : memref<2x8x1000xf32, #tpu.memory_space<vmem>> -> memref<1x8x1000xf32, #tpu.memory_space<vmem>>
      %swap3A_340 = tpu.memref_squeeze %swap3A_339 : memref<1x8x1000xf32, #tpu.memory_space<vmem>> -> memref<8x1000xf32, #tpu.memory_space<vmem>>
      %swap3A_341 = arith.index_cast %swap3A_336 : i32 to index
      %swap3A_342 = arith.index_cast %add3A_335 : i32 to index
      %swap3A_343 = tpu.vector_load %swap3A_340[%swap3A_341, %swap3A_342] {strides = array<i32>} : memref<8x1000xf32, #tpu.memory_space<vmem>>, vector<16xf32>,
      tpu.vector_store %swap3A_340[%swap3A_341, %swap3A_342], %broadcast_in_dim3A_10 {strides = array<i32>} : memref<8x1000xf32, #tpu.memory_space<vmem>>, vector<16xf32>,
      %add3A_344 = arith.constant 16 : i32
      %add3A_345 = arith.addi %add3A_213, %add3A_344 : i32
      %swap3A_346 = arith.constant 3 : i32
      %swap3A_347 = arith.constant 0 : i32
      %swap3A_348 = arith.constant 0 : i32
      %swap3A_349 = tpu.memref_slice %arg8[%scan3A_89, %swap3A_347, %swap3A_348] : memref<2x8x1000xf32, #tpu.memory_space<vmem>> -> memref<1x8x1000xf32, #tpu.memory_space<vmem>>
      %swap3A_350 = tpu.memref_squeeze %swap3A_349 : memref<1x8x1000xf32, #tpu.memory_space<vmem>> -> memref<8x1000xf32, #tpu.memory_space<vmem>>
      %swap3A_351 = arith.index_cast %swap3A_346 : i32 to index
      %swap3A_352 = arith.index_cast %add3A_345 : i32 to index
      %swap3A_353 = tpu.vector_load %swap3A_350[%swap3A_351, %swap3A_352] {strides = array<i32>} : memref<8x1000xf32, #tpu.memory_space<vmem>>, vector<16xf32>,
      tpu.vector_store %swap3A_350[%swap3A_351, %swap3A_352], %broadcast_in_dim3A_10 {strides = array<i32>} : memref<8x1000xf32, #tpu.memory_space<vmem>>, vector<16xf32>,
      %add3A_354 = arith.constant 32 : i32
      %add3A_355 = arith.addi %add3A_213, %add3A_354 : i32
      %swap3A_356 = arith.constant 3 : i32
      %swap3A_357 = arith.constant 0 : i32
      %swap3A_358 = arith.constant 0 : i32
      %swap3A_359 = tpu.memref_slice %arg8[%scan3A_89, %swap3A_357, %swap3A_358] : memref<2x8x1000xf32, #tpu.memory_space<vmem>> -> memref<1x8x1000xf32, #tpu.memory_space<vmem>>
      %swap3A_360 = tpu.memref_squeeze %swap3A_359 : memref<1x8x1000xf32, #tpu.memory_space<vmem>> -> memref<8x1000xf32, #tpu.memory_space<vmem>>
      %swap3A_361 = arith.index_cast %swap3A_356 : i32 to index
      %swap3A_362 = arith.index_cast %add3A_355 : i32 to index
      %swap3A_363 = tpu.vector_load %swap3A_360[%swap3A_361, %swap3A_362] {strides = array<i32>} : memref<8x1000xf32, #tpu.memory_space<vmem>>, vector<16xf32>,
      tpu.vector_store %swap3A_360[%swap3A_361, %swap3A_362], %broadcast_in_dim3A_10 {strides = array<i32>} : memref<8x1000xf32, #tpu.memory_space<vmem>>, vector<16xf32>,
      %add3A_364 = arith.constant 48 : i32
      %add3A_365 = arith.addi %add3A_213, %add3A_364 : i32
      %swap3A_366 = arith.constant 3 : i32
      %swap3A_367 = arith.constant 0 : i32
      %swap3A_368 = arith.constant 0 : i32
      %swap3A_369 = tpu.memref_slice %arg8[%scan3A_89, %swap3A_367, %swap3A_368] : memref<2x8x1000xf32, #tpu.memory_space<vmem>> -> memref<1x8x1000xf32, #tpu.memory_space<vmem>>
      %swap3A_370 = tpu.memref_squeeze %swap3A_369 : memref<1x8x1000xf32, #tpu.memory_space<vmem>> -> memref<8x1000xf32, #tpu.memory_space<vmem>>
      %swap3A_371 = arith.index_cast %swap3A_366 : i32 to index
      %swap3A_372 = arith.index_cast %add3A_365 : i32 to index
      %swap3A_373 = tpu.vector_load %swap3A_370[%swap3A_371, %swap3A_372] {strides = array<i32>} : memref<8x1000xf32, #tpu.memory_space<vmem>>, vector<16xf32>,
      tpu.vector_store %swap3A_370[%swap3A_371, %swap3A_372], %broadcast_in_dim3A_10 {strides = array<i32>} : memref<8x1000xf32, #tpu.memory_space<vmem>>, vector<16xf32>,
      %add3A_374 = arith.constant 0 : i32
      %add3A_375 = arith.addi %add3A_213, %add3A_374 : i32
      %swap3A_376 = arith.constant 4 : i32
      %swap3A_377 = arith.constant 0 : i32
      %swap3A_378 = arith.constant 0 : i32
      %swap3A_379 = tpu.memref_slice %arg8[%scan3A_89, %swap3A_377, %swap3A_378] : memref<2x8x1000xf32, #tpu.memory_space<vmem>> -> memref<1x8x1000xf32, #tpu.memory_space<vmem>>
      %swap3A_380 = tpu.memref_squeeze %swap3A_379 : memref<1x8x1000xf32, #tpu.memory_space<vmem>> -> memref<8x1000xf32, #tpu.memory_space<vmem>>
      %swap3A_381 = arith.index_cast %swap3A_376 : i32 to index
      %swap3A_382 = arith.index_cast %add3A_375 : i32 to index
      %swap3A_383 = tpu.vector_load %swap3A_380[%swap3A_381, %swap3A_382] {strides = array<i32>} : memref<8x1000xf32, #tpu.memory_space<vmem>>, vector<16xf32>,
      tpu.vector_store %swap3A_380[%swap3A_381, %swap3A_382], %broadcast_in_dim3A_10 {strides = array<i32>} : memref<8x1000xf32, #tpu.memory_space<vmem>>, vector<16xf32>,
      %add3A_384 = arith.constant 16 : i32
      %add3A_385 = arith.addi %add3A_213, %add3A_384 : i32
      %swap3A_386 = arith.constant 4 : i32
      %swap3A_387 = arith.constant 0 : i32
      %swap3A_388 = arith.constant 0 : i32
      %swap3A_389 = tpu.memref_slice %arg8[%scan3A_89, %swap3A_387, %swap3A_388] : memref<2x8x1000xf32, #tpu.memory_space<vmem>> -> memref<1x8x1000xf32, #tpu.memory_space<vmem>>
      %swap3A_390 = tpu.memref_squeeze %swap3A_389 : memref<1x8x1000xf32, #tpu.memory_space<vmem>> -> memref<8x1000xf32, #tpu.memory_space<vmem>>
      %swap3A_391 = arith.index_cast %swap3A_386 : i32 to index
      %swap3A_392 = arith.index_cast %add3A_385 : i32 to index
      %swap3A_393 = tpu.vector_load %swap3A_390[%swap3A_391, %swap3A_392] {strides = array<i32>} : memref<8x1000xf32, #tpu.memory_space<vmem>>, vector<16xf32>,
      tpu.vector_store %swap3A_390[%swap3A_391, %swap3A_392], %broadcast_in_dim3A_10 {strides = array<i32>} : memref<8x1000xf32, #tpu.memory_space<vmem>>, vector<16xf32>,
      %add3A_394 = arith.constant 32 : i32
      %add3A_395 = arith.addi %add3A_213, %add3A_394 : i32
      %swap3A_396 = arith.constant 4 : i32
      %swap3A_397 = arith.constant 0 : i32
      %swap3A_398 = arith.constant 0 : i32
      %swap3A_399 = tpu.memref_slice %arg8[%scan3A_89, %swap3A_397, %swap3A_398] : memref<2x8x1000xf32, #tpu.memory_space<vmem>> -> memref<1x8x1000xf32, #tpu.memory_space<vmem>>
      %swap3A_400 = tpu.memref_squeeze %swap3A_399 : memref<1x8x1000xf32, #tpu.memory_space<vmem>> -> memref<8x1000xf32, #tpu.memory_space<vmem>>
      %swap3A_401 = arith.index_cast %swap3A_396 : i32 to index
      %swap3A_402 = arith.index_cast %add3A_395 : i32 to index
      %swap3A_403 = tpu.vector_load %swap3A_400[%swap3A_401, %swap3A_402] {strides = array<i32>} : memref<8x1000xf32, #tpu.memory_space<vmem>>, vector<16xf32>,
      tpu.vector_store %swap3A_400[%swap3A_401, %swap3A_402], %broadcast_in_dim3A_10 {strides = array<i32>} : memref<8x1000xf32, #tpu.memory_space<vmem>>, vector<16xf32>,
      %add3A_404 = arith.constant 48 : i32
      %add3A_405 = arith.addi %add3A_213, %add3A_404 : i32
      %swap3A_406 = arith.constant 4 : i32
      %swap3A_407 = arith.constant 0 : i32
      %swap3A_408 = arith.constant 0 : i32
      %swap3A_409 = tpu.memref_slice %arg8[%scan3A_89, %swap3A_407, %swap3A_408] : memref<2x8x1000xf32, #tpu.memory_space<vmem>> -> memref<1x8x1000xf32, #tpu.memory_space<vmem>>
      %swap3A_410 = tpu.memref_squeeze %swap3A_409 : memref<1x8x1000xf32, #tpu.memory_space<vmem>> -> memref<8x1000xf32, #tpu.memory_space<vmem>>
      %swap3A_411 = arith.index_cast %swap3A_406 : i32 to index
      %swap3A_412 = arith.index_cast %add3A_405 : i32 to index
      %swap3A_413 = tpu.vector_load %swap3A_410[%swap3A_411, %swap3A_412] {strides = array<i32>} : memref<8x1000xf32, #tpu.memory_space<vmem>>, vector<16xf32>,
      tpu.vector_store %swap3A_410[%swap3A_411, %swap3A_412], %broadcast_in_dim3A_10 {strides = array<i32>} : memref<8x1000xf32, #tpu.memory_space<vmem>>, vector<16xf32>,
      %add3A_414 = arith.constant 0 : i32
      %add3A_415 = arith.addi %add3A_213, %add3A_414 : i32
      %swap3A_416 = arith.constant 5 : i32
      %swap3A_417 = arith.constant 0 : i32
      %swap3A_418 = arith.constant 0 : i32
      %swap3A_419 = tpu.memref_slice %arg8[%scan3A_89, %swap3A_417, %swap3A_418] : memref<2x8x1000xf32, #tpu.memory_space<vmem>> -> memref<1x8x1000xf32, #tpu.memory_space<vmem>>
      %swap3A_420 = tpu.memref_squeeze %swap3A_419 : memref<1x8x1000xf32, #tpu.memory_space<vmem>> -> memref<8x1000xf32, #tpu.memory_space<vmem>>
      %swap3A_421 = arith.index_cast %swap3A_416 : i32 to index
      %swap3A_422 = arith.index_cast %add3A_415 : i32 to index
      %swap3A_423 = tpu.vector_load %swap3A_420[%swap3A_421, %swap3A_422] {strides = array<i32>} : memref<8x1000xf32, #tpu.memory_space<vmem>>, vector<16xf32>,
      tpu.vector_store %swap3A_420[%swap3A_421, %swap3A_422], %broadcast_in_dim3A_10 {strides = array<i32>} : memref<8x1000xf32, #tpu.memory_space<vmem>>, vector<16xf32>,
      %add3A_424 = arith.constant 16 : i32
      %add3A_425 = arith.addi %add3A_213, %add3A_424 : i32
      %swap3A_426 = arith.constant 5 : i32
      %swap3A_427 = arith.constant 0 : i32
      %swap3A_428 = arith.constant 0 : i32
      %swap3A_429 = tpu.memref_slice %arg8[%scan3A_89, %swap3A_427, %swap3A_428] : memref<2x8x1000xf32, #tpu.memory_space<vmem>> -> memref<1x8x1000xf32, #tpu.memory_space<vmem>>
      %swap3A_430 = tpu.memref_squeeze %swap3A_429 : memref<1x8x1000xf32, #tpu.memory_space<vmem>> -> memref<8x1000xf32, #tpu.memory_space<vmem>>
      %swap3A_431 = arith.index_cast %swap3A_426 : i32 to index
      %swap3A_432 = arith.index_cast %add3A_425 : i32 to index
      %swap3A_433 = tpu.vector_load %swap3A_430[%swap3A_431, %swap3A_432] {strides = array<i32>} : memref<8x1000xf32, #tpu.memory_space<vmem>>, vector<16xf32>,
      tpu.vector_store %swap3A_430[%swap3A_431, %swap3A_432], %broadcast_in_dim3A_10 {strides = array<i32>} : memref<8x1000xf32, #tpu.memory_space<vmem>>, vector<16xf32>,
      %add3A_434 = arith.constant 32 : i32
      %add3A_435 = arith.addi %add3A_213, %add3A_434 : i32
      %swap3A_436 = arith.constant 5 : i32
      %swap3A_437 = arith.constant 0 : i32
      %swap3A_438 = arith.constant 0 : i32
      %swap3A_439 = tpu.memref_slice %arg8[%scan3A_89, %swap3A_437, %swap3A_438] : memref<2x8x1000xf32, #tpu.memory_space<vmem>> -> memref<1x8x1000xf32, #tpu.memory_space<vmem>>
      %swap3A_440 = tpu.memref_squeeze %swap3A_439 : memref<1x8x1000xf32, #tpu.memory_space<vmem>> -> memref<8x1000xf32, #tpu.memory_space<vmem>>
      %swap3A_441 = arith.index_cast %swap3A_436 : i32 to index
      %swap3A_442 = arith.index_cast %add3A_435 : i32 to index
      %swap3A_443 = tpu.vector_load %swap3A_440[%swap3A_441, %swap3A_442] {strides = array<i32>} : memref<8x1000xf32, #tpu.memory_space<vmem>>, vector<16xf32>,
      tpu.vector_store %swap3A_440[%swap3A_441, %swap3A_442], %broadcast_in_dim3A_10 {strides = array<i32>} : memref<8x1000xf32, #tpu.memory_space<vmem>>, vector<16xf32>,
      %add3A_444 = arith.constant 48 : i32
      %add3A_445 = arith.addi %add3A_213, %add3A_444 : i32
      %swap3A_446 = arith.constant 5 : i32
      %swap3A_447 = arith.constant 0 : i32
      %swap3A_448 = arith.constant 0 : i32
      %swap3A_449 = tpu.memref_slice %arg8[%scan3A_89, %swap3A_447, %swap3A_448] : memref<2x8x1000xf32, #tpu.memory_space<vmem>> -> memref<1x8x1000xf32, #tpu.memory_space<vmem>>
      %swap3A_450 = tpu.memref_squeeze %swap3A_449 : memref<1x8x1000xf32, #tpu.memory_space<vmem>> -> memref<8x1000xf32, #tpu.memory_space<vmem>>
      %swap3A_451 = arith.index_cast %swap3A_446 : i32 to index
      %swap3A_452 = arith.index_cast %add3A_445 : i32 to index
      %swap3A_453 = tpu.vector_load %swap3A_450[%swap3A_451, %swap3A_452] {strides = array<i32>} : memref<8x1000xf32, #tpu.memory_space<vmem>>, vector<16xf32>,
      tpu.vector_store %swap3A_450[%swap3A_451, %swap3A_452], %broadcast_in_dim3A_10 {strides = array<i32>} : memref<8x1000xf32, #tpu.memory_space<vmem>>, vector<16xf32>,
      %add3A_454 = arith.constant 0 : i32
      %add3A_455 = arith.addi %add3A_213, %add3A_454 : i32
      %swap3A_456 = arith.constant 6 : i32
      %swap3A_457 = arith.constant 0 : i32
      %swap3A_458 = arith.constant 0 : i32
      %swap3A_459 = tpu.memref_slice %arg8[%scan3A_89, %swap3A_457, %swap3A_458] : memref<2x8x1000xf32, #tpu.memory_space<vmem>> -> memref<1x8x1000xf32, #tpu.memory_space<vmem>>
      %swap3A_460 = tpu.memref_squeeze %swap3A_459 : memref<1x8x1000xf32, #tpu.memory_space<vmem>> -> memref<8x1000xf32, #tpu.memory_space<vmem>>
      %swap3A_461 = arith.index_cast %swap3A_456 : i32 to index
      %swap3A_462 = arith.index_cast %add3A_455 : i32 to index
      %swap3A_463 = tpu.vector_load %swap3A_460[%swap3A_461, %swap3A_462] {strides = array<i32>} : memref<8x1000xf32, #tpu.memory_space<vmem>>, vector<16xf32>,
      tpu.vector_store %swap3A_460[%swap3A_461, %swap3A_462], %broadcast_in_dim3A_10 {strides = array<i32>} : memref<8x1000xf32, #tpu.memory_space<vmem>>, vector<16xf32>,
      %add3A_464 = arith.constant 16 : i32
      %add3A_465 = arith.addi %add3A_213, %add3A_464 : i32
      %swap3A_466 = arith.constant 6 : i32
      %swap3A_467 = arith.constant 0 : i32
      %swap3A_468 = arith.constant 0 : i32
      %swap3A_469 = tpu.memref_slice %arg8[%scan3A_89, %swap3A_467, %swap3A_468] : memref<2x8x1000xf32, #tpu.memory_space<vmem>> -> memref<1x8x1000xf32, #tpu.memory_space<vmem>>
      %swap3A_470 = tpu.memref_squeeze %swap3A_469 : memref<1x8x1000xf32, #tpu.memory_space<vmem>> -> memref<8x1000xf32, #tpu.memory_space<vmem>>
      %swap3A_471 = arith.index_cast %swap3A_466 : i32 to index
      %swap3A_472 = arith.index_cast %add3A_465 : i32 to index
      %swap3A_473 = tpu.vector_load %swap3A_470[%swap3A_471, %swap3A_472] {strides = array<i32>} : memref<8x1000xf32, #tpu.memory_space<vmem>>, vector<16xf32>,
      tpu.vector_store %swap3A_470[%swap3A_471, %swap3A_472], %broadcast_in_dim3A_10 {strides = array<i32>} : memref<8x1000xf32, #tpu.memory_space<vmem>>, vector<16xf32>,
      %add3A_474 = arith.constant 32 : i32
      %add3A_475 = arith.addi %add3A_213, %add3A_474 : i32
      %swap3A_476 = arith.constant 6 : i32
      %swap3A_477 = arith.constant 0 : i32
      %swap3A_478 = arith.constant 0 : i32
      %swap3A_479 = tpu.memref_slice %arg8[%scan3A_89, %swap3A_477, %swap3A_478] : memref<2x8x1000xf32, #tpu.memory_space<vmem>> -> memref<1x8x1000xf32, #tpu.memory_space<vmem>>
      %swap3A_480 = tpu.memref_squeeze %swap3A_479 : memref<1x8x1000xf32, #tpu.memory_space<vmem>> -> memref<8x1000xf32, #tpu.memory_space<vmem>>
      %swap3A_481 = arith.index_cast %swap3A_476 : i32 to index
      %swap3A_482 = arith.index_cast %add3A_475 : i32 to index
      %swap3A_483 = tpu.vector_load %swap3A_480[%swap3A_481, %swap3A_482] {strides = array<i32>} : memref<8x1000xf32, #tpu.memory_space<vmem>>, vector<16xf32>,
      tpu.vector_store %swap3A_480[%swap3A_481, %swap3A_482], %broadcast_in_dim3A_10 {strides = array<i32>} : memref<8x1000xf32, #tpu.memory_space<vmem>>, vector<16xf32>,
      %add3A_484 = arith.constant 48 : i32
      %add3A_485 = arith.addi %add3A_213, %add3A_484 : i32
      %swap3A_486 = arith.constant 6 : i32
      %swap3A_487 = arith.constant 0 : i32
      %swap3A_488 = arith.constant 0 : i32
      %swap3A_489 = tpu.memref_slice %arg8[%scan3A_89, %swap3A_487, %swap3A_488] : memref<2x8x1000xf32, #tpu.memory_space<vmem>> -> memref<1x8x1000xf32, #tpu.memory_space<vmem>>
      %swap3A_490 = tpu.memref_squeeze %swap3A_489 : memref<1x8x1000xf32, #tpu.memory_space<vmem>> -> memref<8x1000xf32, #tpu.memory_space<vmem>>
      %swap3A_491 = arith.index_cast %swap3A_486 : i32 to index
      %swap3A_492 = arith.index_cast %add3A_485 : i32 to index
      %swap3A_493 = tpu.vector_load %swap3A_490[%swap3A_491, %swap3A_492] {strides = array<i32>} : memref<8x1000xf32, #tpu.memory_space<vmem>>, vector<16xf32>,
      tpu.vector_store %swap3A_490[%swap3A_491, %swap3A_492], %broadcast_in_dim3A_10 {strides = array<i32>} : memref<8x1000xf32, #tpu.memory_space<vmem>>, vector<16xf32>,
      %add3A_494 = arith.constant 0 : i32
      %add3A_495 = arith.addi %add3A_213, %add3A_494 : i32
      %swap3A_496 = arith.constant 7 : i32
      %swap3A_497 = arith.constant 0 : i32
      %swap3A_498 = arith.constant 0 : i32
      %swap3A_499 = tpu.memref_slice %arg8[%scan3A_89, %swap3A_497, %swap3A_498] : memref<2x8x1000xf32, #tpu.memory_space<vmem>> -> memref<1x8x1000xf32, #tpu.memory_space<vmem>>
      %swap3A_500 = tpu.memref_squeeze %swap3A_499 : memref<1x8x1000xf32, #tpu.memory_space<vmem>> -> memref<8x1000xf32, #tpu.memory_space<vmem>>
      %swap3A_501 = arith.index_cast %swap3A_496 : i32 to index
      %swap3A_502 = arith.index_cast %add3A_495 : i32 to index
      %swap3A_503 = tpu.vector_load %swap3A_500[%swap3A_501, %swap3A_502] {strides = array<i32>} : memref<8x1000xf32, #tpu.memory_space<vmem>>, vector<16xf32>,
      tpu.vector_store %swap3A_500[%swap3A_501, %swap3A_502], %broadcast_in_dim3A_10 {strides = array<i32>} : memref<8x1000xf32, #tpu.memory_space<vmem>>, vector<16xf32>,
      %add3A_504 = arith.constant 16 : i32
      %add3A_505 = arith.addi %add3A_213, %add3A_504 : i32
      %swap3A_506 = arith.constant 7 : i32
      %swap3A_507 = arith.constant 0 : i32
      %swap3A_508 = arith.constant 0 : i32
      %swap3A_509 = tpu.memref_slice %arg8[%scan3A_89, %swap3A_507, %swap3A_508] : memref<2x8x1000xf32, #tpu.memory_space<vmem>> -> memref<1x8x1000xf32, #tpu.memory_space<vmem>>
      %swap3A_510 = tpu.memref_squeeze %swap3A_509 : memref<1x8x1000xf32, #tpu.memory_space<vmem>> -> memref<8x1000xf32, #tpu.memory_space<vmem>>
      %swap3A_511 = arith.index_cast %swap3A_506 : i32 to index
      %swap3A_512 = arith.index_cast %add3A_505 : i32 to index
      %swap3A_513 = tpu.vector_load %swap3A_510[%swap3A_511, %swap3A_512] {strides = array<i32>} : memref<8x1000xf32, #tpu.memory_space<vmem>>, vector<16xf32>,
      tpu.vector_store %swap3A_510[%swap3A_511, %swap3A_512], %broadcast_in_dim3A_10 {strides = array<i32>} : memref<8x1000xf32, #tpu.memory_space<vmem>>, vector<16xf32>,
      %add3A_514 = arith.constant 32 : i32
      %add3A_515 = arith.addi %add3A_213, %add3A_514 : i32
      %swap3A_516 = arith.constant 7 : i32
      %swap3A_517 = arith.constant 0 : i32
      %swap3A_518 = arith.constant 0 : i32
      %swap3A_519 = tpu.memref_slice %arg8[%scan3A_89, %swap3A_517, %swap3A_518] : memref<2x8x1000xf32, #tpu.memory_space<vmem>> -> memref<1x8x1000xf32, #tpu.memory_space<vmem>>
      %swap3A_520 = tpu.memref_squeeze %swap3A_519 : memref<1x8x1000xf32, #tpu.memory_space<vmem>> -> memref<8x1000xf32, #tpu.memory_space<vmem>>
      %swap3A_521 = arith.index_cast %swap3A_516 : i32 to index
      %swap3A_522 = arith.index_cast %add3A_515 : i32 to index
      %swap3A_523 = tpu.vector_load %swap3A_520[%swap3A_521, %swap3A_522] {strides = array<i32>} : memref<8x1000xf32, #tpu.memory_space<vmem>>, vector<16xf32>,
      tpu.vector_store %swap3A_520[%swap3A_521, %swap3A_522], %broadcast_in_dim3A_10 {strides = array<i32>} : memref<8x1000xf32, #tpu.memory_space<vmem>>, vector<16xf32>,
      %add3A_524 = arith.constant 48 : i32
      %add3A_525 = arith.addi %add3A_213, %add3A_524 : i32
      %swap3A_526 = arith.constant 7 : i32
      %swap3A_527 = arith.constant 0 : i32
      %swap3A_528 = arith.constant 0 : i32
      %swap3A_529 = tpu.memref_slice %arg8[%scan3A_89, %swap3A_527, %swap3A_528] : memref<2x8x1000xf32, #tpu.memory_space<vmem>> -> memref<1x8x1000xf32, #tpu.memory_space<vmem>>
      %swap3A_530 = tpu.memref_squeeze %swap3A_529 : memref<1x8x1000xf32, #tpu.memory_space<vmem>> -> memref<8x1000xf32, #tpu.memory_space<vmem>>
      %swap3A_531 = arith.index_cast %swap3A_526 : i32 to index
      %swap3A_532 = arith.index_cast %add3A_525 : i32 to index
      %swap3A_533 = tpu.vector_load %swap3A_530[%swap3A_531, %swap3A_532] {strides = array<i32>} : memref<8x1000xf32, #tpu.memory_space<vmem>>, vector<16xf32>,
      tpu.vector_store %swap3A_530[%swap3A_531, %swap3A_532], %broadcast_in_dim3A_10 {strides = array<i32>} : memref<8x1000xf32, #tpu.memory_space<vmem>>, vector<16xf32>,
    }
    %scan3A_94 = arith.constant 16 : i32
    %swap3A_95 = arith.constant 1 : i32
    %swap3A_96 = arith.constant 0 : i32
    %swap3A_97 = arith.constant 0 : i32
    %swap3A_98 = arith.constant 0 : i32
    %swap3A_99 = tpu.memref_slice %arg8[%swap3A_95, %swap3A_97, %swap3A_98] : memref<2x8x1000xf32, #tpu.memory_space<vmem>> -> memref<1x8x1000xf32, #tpu.memory_space<vmem>>
    %swap3A_100 = tpu.memref_squeeze %swap3A_99 : memref<1x8x1000xf32, #tpu.memory_space<vmem>> -> memref<8x1000xf32, #tpu.memory_space<vmem>>
    %swap3A_101 = arith.index_cast %swap3A_96 : i32 to index
    %swap3A_102 = arith.constant 984 : index
    %swap3A_103 = tpu.vector_load %swap3A_100[%swap3A_101, %swap3A_102] {strides = array<i32>} : memref<8x1000xf32, #tpu.memory_space<vmem>>, vector<16xf32>,
    tpu.vector_store %swap3A_100[%swap3A_101, %swap3A_102], %broadcast_in_dim3A_10 {strides = array<i32>} : memref<8x1000xf32, #tpu.memory_space<vmem>>, vector<16xf32>,
    %swap3A_104 = arith.constant 1 : i32
    %swap3A_105 = arith.constant 1 : i32
    %swap3A_106 = arith.constant 0 : i32
    %swap3A_107 = arith.constant 0 : i32
    %swap3A_108 = tpu.memref_slice %arg8[%swap3A_104, %swap3A_106, %swap3A_107] : memref<2x8x1000xf32, #tpu.memory_space<vmem>> -> memref<1x8x1000xf32, #tpu.memory_space<vmem>>
    %swap3A_109 = tpu.memref_squeeze %swap3A_108 : memref<1x8x1000xf32, #tpu.memory_space<vmem>> -> memref<8x1000xf32, #tpu.memory_space<vmem>>
    %swap3A_110 = arith.index_cast %swap3A_105 : i32 to index
    %swap3A_111 = arith.constant 984 : index
    %swap3A_112 = tpu.vector_load %swap3A_109[%swap3A_110, %swap3A_111] {strides = array<i32>} : memref<8x1000xf32, #tpu.memory_space<vmem>>, vector<16xf32>,
    tpu.vector_store %swap3A_109[%swap3A_110, %swap3A_111], %broadcast_in_dim3A_10 {strides = array<i32>} : memref<8x1000xf32, #tpu.memory_space<vmem>>, vector<16xf32>,
    %swap3A_113 = arith.constant 1 : i32
    %swap3A_114 = arith.constant 2 : i32
    %swap3A_115 = arith.constant 0 : i32
    %swap3A_116 = arith.constant 0 : i32
    %swap3A_117 = tpu.memref_slice %arg8[%swap3A_113, %swap3A_115, %swap3A_116] : memref<2x8x1000xf32, #tpu.memory_space<vmem>> -> memref<1x8x1000xf32, #tpu.memory_space<vmem>>
    %swap3A_118 = tpu.memref_squeeze %swap3A_117 : memref<1x8x1000xf32, #tpu.memory_space<vmem>> -> memref<8x1000xf32, #tpu.memory_space<vmem>>
    %swap3A_119 = arith.index_cast %swap3A_114 : i32 to index
    %swap3A_120 = arith.constant 984 : index
    %swap3A_121 = tpu.vector_load %swap3A_118[%swap3A_119, %swap3A_120] {strides = array<i32>} : memref<8x1000xf32, #tpu.memory_space<vmem>>, vector<16xf32>,
    tpu.vector_store %swap3A_118[%swap3A_119, %swap3A_120], %broadcast_in_dim3A_10 {strides = array<i32>} : memref<8x1000xf32, #tpu.memory_space<vmem>>, vector<16xf32>,
    %swap3A_122 = arith.constant 1 : i32
    %swap3A_123 = arith.constant 3 : i32
    %swap3A_124 = arith.constant 0 : i32
    %swap3A_125 = arith.constant 0 : i32
    %swap3A_126 = tpu.memref_slice %arg8[%swap3A_122, %swap3A_124, %swap3A_125] : memref<2x8x1000xf32, #tpu.memory_space<vmem>> -> memref<1x8x1000xf32, #tpu.memory_space<vmem>>
    %swap3A_127 = tpu.memref_squeeze %swap3A_126 : memref<1x8x1000xf32, #tpu.memory_space<vmem>> -> memref<8x1000xf32, #tpu.memory_space<vmem>>
    %swap3A_128 = arith.index_cast %swap3A_123 : i32 to index
    %swap3A_129 = arith.constant 984 : index
    %swap3A_130 = tpu.vector_load %swap3A_127[%swap3A_128, %swap3A_129] {strides = array<i32>} : memref<8x1000xf32, #tpu.memory_space<vmem>>, vector<16xf32>,
    tpu.vector_store %swap3A_127[%swap3A_128, %swap3A_129], %broadcast_in_dim3A_10 {strides = array<i32>} : memref<8x1000xf32, #tpu.memory_space<vmem>>, vector<16xf32>,
    %swap3A_131 = arith.constant 1 : i32
    %swap3A_132 = arith.constant 4 : i32
    %swap3A_133 = arith.constant 0 : i32
    %swap3A_134 = arith.constant 0 : i32
    %swap3A_135 = tpu.memref_slice %arg8[%swap3A_131, %swap3A_133, %swap3A_134] : memref<2x8x1000xf32, #tpu.memory_space<vmem>> -> memref<1x8x1000xf32, #tpu.memory_space<vmem>>
    %swap3A_136 = tpu.memref_squeeze %swap3A_135 : memref<1x8x1000xf32, #tpu.memory_space<vmem>> -> memref<8x1000xf32, #tpu.memory_space<vmem>>
    %swap3A_137 = arith.index_cast %swap3A_132 : i32 to index
    %swap3A_138 = arith.constant 984 : index
    %swap3A_139 = tpu.vector_load %swap3A_136[%swap3A_137, %swap3A_138] {strides = array<i32>} : memref<8x1000xf32, #tpu.memory_space<vmem>>, vector<16xf32>,
    tpu.vector_store %swap3A_136[%swap3A_137, %swap3A_138], %broadcast_in_dim3A_10 {strides = array<i32>} : memref<8x1000xf32, #tpu.memory_space<vmem>>, vector<16xf32>,
    %swap3A_140 = arith.constant 1 : i32
    %swap3A_141 = arith.constant 5 : i32
    %swap3A_142 = arith.constant 0 : i32
    %swap3A_143 = arith.constant 0 : i32
    %swap3A_144 = tpu.memref_slice %arg8[%swap3A_140, %swap3A_142, %swap3A_143] : memref<2x8x1000xf32, #tpu.memory_space<vmem>> -> memref<1x8x1000xf32, #tpu.memory_space<vmem>>
    %swap3A_145 = tpu.memref_squeeze %swap3A_144 : memref<1x8x1000xf32, #tpu.memory_space<vmem>> -> memref<8x1000xf32, #tpu.memory_space<vmem>>
    %swap3A_146 = arith.index_cast %swap3A_141 : i32 to index
    %swap3A_147 = arith.constant 984 : index
    %swap3A_148 = tpu.vector_load %swap3A_145[%swap3A_146, %swap3A_147] {strides = array<i32>} : memref<8x1000xf32, #tpu.memory_space<vmem>>, vector<16xf32>,
    tpu.vector_store %swap3A_145[%swap3A_146, %swap3A_147], %broadcast_in_dim3A_10 {strides = array<i32>} : memref<8x1000xf32, #tpu.memory_space<vmem>>, vector<16xf32>,
    %swap3A_149 = arith.constant 1 : i32
    %swap3A_150 = arith.constant 6 : i32
    %swap3A_151 = arith.constant 0 : i32
    %swap3A_152 = arith.constant 0 : i32
    %swap3A_153 = tpu.memref_slice %arg8[%swap3A_149, %swap3A_151, %swap3A_152] : memref<2x8x1000xf32, #tpu.memory_space<vmem>> -> memref<1x8x1000xf32, #tpu.memory_space<vmem>>
    %swap3A_154 = tpu.memref_squeeze %swap3A_153 : memref<1x8x1000xf32, #tpu.memory_space<vmem>> -> memref<8x1000xf32, #tpu.memory_space<vmem>>
    %swap3A_155 = arith.index_cast %swap3A_150 : i32 to index
    %swap3A_156 = arith.constant 984 : index
    %swap3A_157 = tpu.vector_load %swap3A_154[%swap3A_155, %swap3A_156] {strides = array<i32>} : memref<8x1000xf32, #tpu.memory_space<vmem>>, vector<16xf32>,
    tpu.vector_store %swap3A_154[%swap3A_155, %swap3A_156], %broadcast_in_dim3A_10 {strides = array<i32>} : memref<8x1000xf32, #tpu.memory_space<vmem>>, vector<16xf32>,
    %swap3A_158 = arith.constant 1 : i32
    %swap3A_159 = arith.constant 7 : i32
    %swap3A_160 = arith.constant 0 : i32
    %swap3A_161 = arith.constant 0 : i32
    %swap3A_162 = tpu.memref_slice %arg8[%swap3A_158, %swap3A_160, %swap3A_161] : memref<2x8x1000xf32, #tpu.memory_space<vmem>> -> memref<1x8x1000xf32, #tpu.memory_space<vmem>>
    %swap3A_163 = tpu.memref_squeeze %swap3A_162 : memref<1x8x1000xf32, #tpu.memory_space<vmem>> -> memref<8x1000xf32, #tpu.memory_space<vmem>>
    %swap3A_164 = arith.index_cast %swap3A_159 : i32 to index
    %swap3A_165 = arith.constant 984 : index
    %swap3A_166 = tpu.vector_load %swap3A_163[%swap3A_164, %swap3A_165] {strides = array<i32>} : memref<8x1000xf32, #tpu.memory_space<vmem>>, vector<16xf32>,
    tpu.vector_store %swap3A_163[%swap3A_164, %swap3A_165], %broadcast_in_dim3A_10 {strides = array<i32>} : memref<8x1000xf32, #tpu.memory_space<vmem>>, vector<16xf32>,
    %dma_wait3A = arith.constant 0 : i32
    %dma_wait3A_167 = tpu.memref_slice %arg2[%mul3A_2, %dma_wait3A] : memref<4096x200xi32, #tpu.memory_space<hbm>> -> memref<128x200xi32, #tpu.memory_space<hbm>>
    %dma_wait3A_168 = arith.constant 0 : i32
    %dma_wait3A_169 = tpu.memref_slice %arg2[%mul3A_2, %dma_wait3A_168] : memref<4096x200xi32, #tpu.memory_space<hbm>> -> memref<128x200xi32, #tpu.memory_space<hbm>>
    tpu.wait_dma2 semaphore(%arg12 : memref<!tpu.dma_semaphore, #tpu.memory_space<semaphore_mem>>) src(%dma_wait3A_169 : memref<128x200xi32, #tpu.memory_space<hbm>>) dst(%arg6 : memref<128x200xi32, #tpu.memory_space<vmem>>)
    %dma_wait3A_170 = arith.constant 0 : i32
    %dma_wait3A_171 = tpu.memref_slice %arg3[%mul3A_2, %dma_wait3A_170] : memref<4096x200xf32, #tpu.memory_space<hbm>> -> memref<128x200xf32, #tpu.memory_space<hbm>>
    %dma_wait3A_172 = arith.constant 0 : i32
    %dma_wait3A_173 = tpu.memref_slice %arg3[%mul3A_2, %dma_wait3A_172] : memref<4096x200xf32, #tpu.memory_space<hbm>> -> memref<128x200xf32, #tpu.memory_space<hbm>>
    tpu.wait_dma2 semaphore(%arg12 : memref<!tpu.dma_semaphore, #tpu.memory_space<semaphore_mem>>) src(%dma_wait3A_173 : memref<128x200xf32, #tpu.memory_space<hbm>>) dst(%arg7 : memref<128x200xf32, #tpu.memory_space<vmem>>)
    tpu.wait_dma2 semaphore(%arg12 : memref<!tpu.dma_semaphore, #tpu.memory_space<semaphore_mem>>) src(%arg4 : memref<256xf32, #tpu.memory_space<hbm>>) dst(%arg9 : memref<256xf32, #tpu.memory_space<vmem>>)
    %scan3A_174 = arith.constant 0 : i32
    %scan3A_175 = arith.constant 8 : i32
    %scan3A_176 = arith.addi %scan3A_174, %scan3A_175 : i32
    %scan3A_177 = arith.constant 1 : i32
    scf.for %scan3A_209 = %scan3A_174 to %scan3A_176 step %scan3A_177  : i32 {
      %mul3A_210 = arith.constant 2 : i32
      %mul3A_211 = arith.muli %scan3A_209, %mul3A_210 : i32
      %add3A_212 = arith.constant 0 : i32
      %add3A_213 = arith.addi %add3A_212, %mul3A_211 : i32
      %add3A_214 = arith.constant 0 : i32
      %add3A_215 = arith.addi %add3A_213, %add3A_214 : i32
      %ge3A_216 = arith.constant 2 : i32
      %ge3A_217 = arith.cmpi sge, %add3A_215, %ge3A_216 : i32
      %convert_element_type3A = arith.extui %ge3A_217 : i1 to i32
      %cond3A = arith.constant 0 : i32
      %cond3A_218 = arith.constant 0 : i32
      %cond3A_219 = arith.cmpi ne, %convert_element_type3A, %cond3A_218 : i32
      scf.if %cond3A_219 {
        %sub3A = arith.constant 2 : i32
        %sub3A_272 = arith.subi %add3A_215, %sub3A : i32
        %mul3A_273 = arith.constant 8 : i32
        %mul3A_274 = arith.muli %sub3A_272, %mul3A_273 : i32
        %add3A_275 = arith.addi %mul3A_2, %mul3A_274 : i32
        %dma_wait3A_276 = arith.constant 0 : i32
        %dma_wait3A_277 = arith.constant 0 : i32
        %dma_wait3A_278 = tpu.memref_slice %arg8[%cond3A, %dma_wait3A_276, %dma_wait3A_277] : memref<2x8x1000xf32, #tpu.memory_space<vmem>> -> memref<1x8x1000xf32, #tpu.memory_space<vmem>>
        %dma_wait3A_279 = tpu.memref_squeeze %dma_wait3A_278 : memref<1x8x1000xf32, #tpu.memory_space<vmem>> -> memref<8x1000xf32, #tpu.memory_space<vmem>>
        %dma_wait3A_280 = arith.constant 0 : i32
        %dma_wait3A_281 = tpu.memref_slice %arg5[%add3A_275, %dma_wait3A_280] : memref<4096x1000xf32, #tpu.memory_space<hbm>> -> memref<8x1000xf32, #tpu.memory_space<hbm>>
        %dma_wait3A_282 = arith.constant 0 : i32
        %dma_wait3A_283 = tpu.memref_slice %arg5[%add3A_275, %dma_wait3A_282] : memref<4096x1000xf32, #tpu.memory_space<hbm>> -> memref<8x1000xf32, #tpu.memory_space<hbm>>
        %dma_wait3A_284 = arith.constant 0 : i32
        %dma_wait3A_285 = arith.constant 0 : i32
        %dma_wait3A_286 = tpu.memref_slice %arg8[%cond3A, %dma_wait3A_284, %dma_wait3A_285] : memref<2x8x1000xf32, #tpu.memory_space<vmem>> -> memref<1x8x1000xf32, #tpu.memory_space<vmem>>
        %dma_wait3A_287 = tpu.memref_squeeze %dma_wait3A_286 : memref<1x8x1000xf32, #tpu.memory_space<vmem>> -> memref<8x1000xf32, #tpu.memory_space<vmem>>
        tpu.wait_dma2 semaphore(%arg10 : memref<!tpu.dma_semaphore, #tpu.memory_space<semaphore_mem>>) src(%dma_wait3A_287 : memref<8x1000xf32, #tpu.memory_space<vmem>>) dst(%dma_wait3A_283 : memref<8x1000xf32, #tpu.memory_space<hbm>>)
        %scan3A_288 = arith.constant 0 : i32
        %scan3A_289 = arith.constant 16 : i32
        %scan3A_290 = arith.addi %scan3A_288, %scan3A_289 : i32
        %scan3A_291 = arith.constant 1 : i32
        scf.for %scan3A_357 = %scan3A_288 to %scan3A_290 step %scan3A_291  : i32 {
          %mul3A_358 = arith.constant 64 : i32
          %mul3A_359 = arith.muli %scan3A_357, %mul3A_358 : i32
          %add3A_360 = arith.constant 0 : i32
          %add3A_361 = arith.addi %add3A_360, %mul3A_359 : i32
          %add3A_362 = arith.constant 0 : i32
          %add3A_363 = arith.addi %add3A_361, %add3A_362 : i32
          %swap3A_364 = arith.constant 0 : i32
          %swap3A_365 = arith.constant 0 : i32
          %swap3A_366 = arith.constant 0 : i32
          %swap3A_367 = tpu.memref_slice %arg8[%cond3A, %swap3A_365, %swap3A_366] : memref<2x8x1000xf32, #tpu.memory_space<vmem>> -> memref<1x8x1000xf32, #tpu.memory_space<vmem>>
          %swap3A_368 = tpu.memref_squeeze %swap3A_367 : memref<1x8x1000xf32, #tpu.memory_space<vmem>> -> memref<8x1000xf32, #tpu.memory_space<vmem>>
          %swap3A_369 = arith.index_cast %swap3A_364 : i32 to index
          %swap3A_370 = arith.index_cast %add3A_363 : i32 to index
          %swap3A_371 = tpu.vector_load %swap3A_368[%swap3A_369, %swap3A_370] {strides = array<i32>} : memref<8x1000xf32, #tpu.memory_space<vmem>>, vector<16xf32>,
          tpu.vector_store %swap3A_368[%swap3A_369, %swap3A_370], %broadcast_in_dim3A_10 {strides = array<i32>} : memref<8x1000xf32, #tpu.memory_space<vmem>>, vector<16xf32>,
          %add3A_372 = arith.constant 16 : i32
          %add3A_373 = arith.addi %add3A_361, %add3A_372 : i32
          %swap3A_374 = arith.constant 0 : i32
          %swap3A_375 = arith.constant 0 : i32
          %swap3A_376 = arith.constant 0 : i32
          %swap3A_377 = tpu.memref_slice %arg8[%cond3A, %swap3A_375, %swap3A_376] : memref<2x8x1000xf32, #tpu.memory_space<vmem>> -> memref<1x8x1000xf32, #tpu.memory_space<vmem>>
          %swap3A_378 = tpu.memref_squeeze %swap3A_377 : memref<1x8x1000xf32, #tpu.memory_space<vmem>> -> memref<8x1000xf32, #tpu.memory_space<vmem>>
          %swap3A_379 = arith.index_cast %swap3A_374 : i32 to index
          %swap3A_380 = arith.index_cast %add3A_373 : i32 to index
          %swap3A_381 = tpu.vector_load %swap3A_378[%swap3A_379, %swap3A_380] {strides = array<i32>} : memref<8x1000xf32, #tpu.memory_space<vmem>>, vector<16xf32>,
          tpu.vector_store %swap3A_378[%swap3A_379, %swap3A_380], %broadcast_in_dim3A_10 {strides = array<i32>} : memref<8x1000xf32, #tpu.memory_space<vmem>>, vector<16xf32>,
          %add3A_382 = arith.constant 32 : i32
          %add3A_383 = arith.addi %add3A_361, %add3A_382 : i32
          %swap3A_384 = arith.constant 0 : i32
          %swap3A_385 = arith.constant 0 : i32
          %swap3A_386 = arith.constant 0 : i32
          %swap3A_387 = tpu.memref_slice %arg8[%cond3A, %swap3A_385, %swap3A_386] : memref<2x8x1000xf32, #tpu.memory_space<vmem>> -> memref<1x8x1000xf32, #tpu.memory_space<vmem>>
          %swap3A_388 = tpu.memref_squeeze %swap3A_387 : memref<1x8x1000xf32, #tpu.memory_space<vmem>> -> memref<8x1000xf32, #tpu.memory_space<vmem>>
          %swap3A_389 = arith.index_cast %swap3A_384 : i32 to index
          %swap3A_390 = arith.index_cast %add3A_383 : i32 to index
          %swap3A_391 = tpu.vector_load %swap3A_388[%swap3A_389, %swap3A_390] {strides = array<i32>} : memref<8x1000xf32, #tpu.memory_space<vmem>>, vector<16xf32>,
          tpu.vector_store %swap3A_388[%swap3A_389, %swap3A_390], %broadcast_in_dim3A_10 {strides = array<i32>} : memref<8x1000xf32, #tpu.memory_space<vmem>>, vector<16xf32>,
          %add3A_392 = arith.constant 48 : i32
          %add3A_393 = arith.addi %add3A_361, %add3A_392 : i32
          %swap3A_394 = arith.constant 0 : i32
          %swap3A_395 = arith.constant 0 : i32
          %swap3A_396 = arith.constant 0 : i32
          %swap3A_397 = tpu.memref_slice %arg8[%cond3A, %swap3A_395, %swap3A_396] : memref<2x8x1000xf32, #tpu.memory_space<vmem>> -> memref<1x8x1000xf32, #tpu.memory_space<vmem>>
          %swap3A_398 = tpu.memref_squeeze %swap3A_397 : memref<1x8x1000xf32, #tpu.memory_space<vmem>> -> memref<8x1000xf32, #tpu.memory_space<vmem>>
          %swap3A_399 = arith.index_cast %swap3A_394 : i32 to index
          %swap3A_400 = arith.index_cast %add3A_393 : i32 to index
          %swap3A_401 = tpu.vector_load %swap3A_398[%swap3A_399, %swap3A_400] {strides = array<i32>} : memref<8x1000xf32, #tpu.memory_space<vmem>>, vector<16xf32>,
          tpu.vector_store %swap3A_398[%swap3A_399, %swap3A_400], %broadcast_in_dim3A_10 {strides = array<i32>} : memref<8x1000xf32, #tpu.memory_space<vmem>>, vector<16xf32>,
          %add3A_402 = arith.constant 0 : i32
          %add3A_403 = arith.addi %add3A_361, %add3A_402 : i32
          %swap3A_404 = arith.constant 1 : i32
          %swap3A_405 = arith.constant 0 : i32
          %swap3A_406 = arith.constant 0 : i32
          %swap3A_407 = tpu.memref_slice %arg8[%cond3A, %swap3A_405, %swap3A_406] : memref<2x8x1000xf32, #tpu.memory_space<vmem>> -> memref<1x8x1000xf32, #tpu.memory_space<vmem>>
          %swap3A_408 = tpu.memref_squeeze %swap3A_407 : memref<1x8x1000xf32, #tpu.memory_space<vmem>> -> memref<8x1000xf32, #tpu.memory_space<vmem>>
          %swap3A_409 = arith.index_cast %swap3A_404 : i32 to index
          %swap3A_410 = arith.index_cast %add3A_403 : i32 to index
          %swap3A_411 = tpu.vector_load %swap3A_408[%swap3A_409, %swap3A_410] {strides = array<i32>} : memref<8x1000xf32, #tpu.memory_space<vmem>>, vector<16xf32>,
          tpu.vector_store %swap3A_408[%swap3A_409, %swap3A_410], %broadcast_in_dim3A_10 {strides = array<i32>} : memref<8x1000xf32, #tpu.memory_space<vmem>>, vector<16xf32>,
          %add3A_412 = arith.constant 16 : i32
          %add3A_413 = arith.addi %add3A_361, %add3A_412 : i32
          %swap3A_414 = arith.constant 1 : i32
          %swap3A_415 = arith.constant 0 : i32
          %swap3A_416 = arith.constant 0 : i32
          %swap3A_417 = tpu.memref_slice %arg8[%cond3A, %swap3A_415, %swap3A_416] : memref<2x8x1000xf32, #tpu.memory_space<vmem>> -> memref<1x8x1000xf32, #tpu.memory_space<vmem>>
          %swap3A_418 = tpu.memref_squeeze %swap3A_417 : memref<1x8x1000xf32, #tpu.memory_space<vmem>> -> memref<8x1000xf32, #tpu.memory_space<vmem>>
          %swap3A_419 = arith.index_cast %swap3A_414 : i32 to index
          %swap3A_420 = arith.index_cast %add3A_413 : i32 to index
          %swap3A_421 = tpu.vector_load %swap3A_418[%swap3A_419, %swap3A_420] {strides = array<i32>} : memref<8x1000xf32, #tpu.memory_space<vmem>>, vector<16xf32>,
          tpu.vector_store %swap3A_418[%swap3A_419, %swap3A_420], %broadcast_in_dim3A_10 {strides = array<i32>} : memref<8x1000xf32, #tpu.memory_space<vmem>>, vector<16xf32>,
          %add3A_422 = arith.constant 32 : i32
          %add3A_423 = arith.addi %add3A_361, %add3A_422 : i32
          %swap3A_424 = arith.constant 1 : i32
          %swap3A_425 = arith.constant 0 : i32
          %swap3A_426 = arith.constant 0 : i32
          %swap3A_427 = tpu.memref_slice %arg8[%cond3A, %swap3A_425, %swap3A_426] : memref<2x8x1000xf32, #tpu.memory_space<vmem>> -> memref<1x8x1000xf32, #tpu.memory_space<vmem>>
          %swap3A_428 = tpu.memref_squeeze %swap3A_427 : memref<1x8x1000xf32, #tpu.memory_space<vmem>> -> memref<8x1000xf32, #tpu.memory_space<vmem>>
          %swap3A_429 = arith.index_cast %swap3A_424 : i32 to index
          %swap3A_430 = arith.index_cast %add3A_423 : i32 to index
          %swap3A_431 = tpu.vector_load %swap3A_428[%swap3A_429, %swap3A_430] {strides = array<i32>} : memref<8x1000xf32, #tpu.memory_space<vmem>>, vector<16xf32>,
          tpu.vector_store %swap3A_428[%swap3A_429, %swap3A_430], %broadcast_in_dim3A_10 {strides = array<i32>} : memref<8x1000xf32, #tpu.memory_space<vmem>>, vector<16xf32>,
          %add3A_432 = arith.constant 48 : i32
          %add3A_433 = arith.addi %add3A_361, %add3A_432 : i32
          %swap3A_434 = arith.constant 1 : i32
          %swap3A_435 = arith.constant 0 : i32
          %swap3A_436 = arith.constant 0 : i32
          %swap3A_437 = tpu.memref_slice %arg8[%cond3A, %swap3A_435, %swap3A_436] : memref<2x8x1000xf32, #tpu.memory_space<vmem>> -> memref<1x8x1000xf32, #tpu.memory_space<vmem>>
          %swap3A_438 = tpu.memref_squeeze %swap3A_437 : memref<1x8x1000xf32, #tpu.memory_space<vmem>> -> memref<8x1000xf32, #tpu.memory_space<vmem>>
          %swap3A_439 = arith.index_cast %swap3A_434 : i32 to index
          %swap3A_440 = arith.index_cast %add3A_433 : i32 to index
          %swap3A_441 = tpu.vector_load %swap3A_438[%swap3A_439, %swap3A_440] {strides = array<i32>} : memref<8x1000xf32, #tpu.memory_space<vmem>>, vector<16xf32>,
          tpu.vector_store %swap3A_438[%swap3A_439, %swap3A_440], %broadcast_in_dim3A_10 {strides = array<i32>} : memref<8x1000xf32, #tpu.memory_space<vmem>>, vector<16xf32>,
          %add3A_442 = arith.constant 0 : i32
          %add3A_443 = arith.addi %add3A_361, %add3A_442 : i32
          %swap3A_444 = arith.constant 2 : i32
          %swap3A_445 = arith.constant 0 : i32
          %swap3A_446 = arith.constant 0 : i32
          %swap3A_447 = tpu.memref_slice %arg8[%cond3A, %swap3A_445, %swap3A_446] : memref<2x8x1000xf32, #tpu.memory_space<vmem>> -> memref<1x8x1000xf32, #tpu.memory_space<vmem>>
          %swap3A_448 = tpu.memref_squeeze %swap3A_447 : memref<1x8x1000xf32, #tpu.memory_space<vmem>> -> memref<8x1000xf32, #tpu.memory_space<vmem>>
          %swap3A_449 = arith.index_cast %swap3A_444 : i32 to index
          %swap3A_450 = arith.index_cast %add3A_443 : i32 to index
          %swap3A_451 = tpu.vector_load %swap3A_448[%swap3A_449, %swap3A_450] {strides = array<i32>} : memref<8x1000xf32, #tpu.memory_space<vmem>>, vector<16xf32>,
          tpu.vector_store %swap3A_448[%swap3A_449, %swap3A_450], %broadcast_in_dim3A_10 {strides = array<i32>} : memref<8x1000xf32, #tpu.memory_space<vmem>>, vector<16xf32>,
          %add3A_452 = arith.constant 16 : i32
          %add3A_453 = arith.addi %add3A_361, %add3A_452 : i32
          %swap3A_454 = arith.constant 2 : i32
          %swap3A_455 = arith.constant 0 : i32
          %swap3A_456 = arith.constant 0 : i32
          %swap3A_457 = tpu.memref_slice %arg8[%cond3A, %swap3A_455, %swap3A_456] : memref<2x8x1000xf32, #tpu.memory_space<vmem>> -> memref<1x8x1000xf32, #tpu.memory_space<vmem>>
          %swap3A_458 = tpu.memref_squeeze %swap3A_457 : memref<1x8x1000xf32, #tpu.memory_space<vmem>> -> memref<8x1000xf32, #tpu.memory_space<vmem>>
          %swap3A_459 = arith.index_cast %swap3A_454 : i32 to index
          %swap3A_460 = arith.index_cast %add3A_453 : i32 to index
          %swap3A_461 = tpu.vector_load %swap3A_458[%swap3A_459, %swap3A_460] {strides = array<i32>} : memref<8x1000xf32, #tpu.memory_space<vmem>>, vector<16xf32>,
          tpu.vector_store %swap3A_458[%swap3A_459, %swap3A_460], %broadcast_in_dim3A_10 {strides = array<i32>} : memref<8x1000xf32, #tpu.memory_space<vmem>>, vector<16xf32>,
          %add3A_462 = arith.constant 32 : i32
          %add3A_463 = arith.addi %add3A_361, %add3A_462 : i32
          %swap3A_464 = arith.constant 2 : i32
          %swap3A_465 = arith.constant 0 : i32
          %swap3A_466 = arith.constant 0 : i32
          %swap3A_467 = tpu.memref_slice %arg8[%cond3A, %swap3A_465, %swap3A_466] : memref<2x8x1000xf32, #tpu.memory_space<vmem>> -> memref<1x8x1000xf32, #tpu.memory_space<vmem>>
          %swap3A_468 = tpu.memref_squeeze %swap3A_467 : memref<1x8x1000xf32, #tpu.memory_space<vmem>> -> memref<8x1000xf32, #tpu.memory_space<vmem>>
          %swap3A_469 = arith.index_cast %swap3A_464 : i32 to index
          %swap3A_470 = arith.index_cast %add3A_463 : i32 to index
          %swap3A_471 = tpu.vector_load %swap3A_468[%swap3A_469, %swap3A_470] {strides = array<i32>} : memref<8x1000xf32, #tpu.memory_space<vmem>>, vector<16xf32>,
          tpu.vector_store %swap3A_468[%swap3A_469, %swap3A_470], %broadcast_in_dim3A_10 {strides = array<i32>} : memref<8x1000xf32, #tpu.memory_space<vmem>>, vector<16xf32>,
          %add3A_472 = arith.constant 48 : i32
          %add3A_473 = arith.addi %add3A_361, %add3A_472 : i32
          %swap3A_474 = arith.constant 2 : i32
          %swap3A_475 = arith.constant 0 : i32
          %swap3A_476 = arith.constant 0 : i32
          %swap3A_477 = tpu.memref_slice %arg8[%cond3A, %swap3A_475, %swap3A_476] : memref<2x8x1000xf32, #tpu.memory_space<vmem>> -> memref<1x8x1000xf32, #tpu.memory_space<vmem>>
          %swap3A_478 = tpu.memref_squeeze %swap3A_477 : memref<1x8x1000xf32, #tpu.memory_space<vmem>> -> memref<8x1000xf32, #tpu.memory_space<vmem>>
          %swap3A_479 = arith.index_cast %swap3A_474 : i32 to index
          %swap3A_480 = arith.index_cast %add3A_473 : i32 to index
          %swap3A_481 = tpu.vector_load %swap3A_478[%swap3A_479, %swap3A_480] {strides = array<i32>} : memref<8x1000xf32, #tpu.memory_space<vmem>>, vector<16xf32>,
          tpu.vector_store %swap3A_478[%swap3A_479, %swap3A_480], %broadcast_in_dim3A_10 {strides = array<i32>} : memref<8x1000xf32, #tpu.memory_space<vmem>>, vector<16xf32>,
          %add3A_482 = arith.constant 0 : i32
          %add3A_483 = arith.addi %add3A_361, %add3A_482 : i32
          %swap3A_484 = arith.constant 3 : i32
          %swap3A_485 = arith.constant 0 : i32
          %swap3A_486 = arith.constant 0 : i32
          %swap3A_487 = tpu.memref_slice %arg8[%cond3A, %swap3A_485, %swap3A_486] : memref<2x8x1000xf32, #tpu.memory_space<vmem>> -> memref<1x8x1000xf32, #tpu.memory_space<vmem>>
          %swap3A_488 = tpu.memref_squeeze %swap3A_487 : memref<1x8x1000xf32, #tpu.memory_space<vmem>> -> memref<8x1000xf32, #tpu.memory_space<vmem>>
          %swap3A_489 = arith.index_cast %swap3A_484 : i32 to index
          %swap3A_490 = arith.index_cast %add3A_483 : i32 to index
          %swap3A_491 = tpu.vector_load %swap3A_488[%swap3A_489, %swap3A_490] {strides = array<i32>} : memref<8x1000xf32, #tpu.memory_space<vmem>>, vector<16xf32>,
          tpu.vector_store %swap3A_488[%swap3A_489, %swap3A_490], %broadcast_in_dim3A_10 {strides = array<i32>} : memref<8x1000xf32, #tpu.memory_space<vmem>>, vector<16xf32>,
          %add3A_492 = arith.constant 16 : i32
          %add3A_493 = arith.addi %add3A_361, %add3A_492 : i32
          %swap3A_494 = arith.constant 3 : i32
          %swap3A_495 = arith.constant 0 : i32
          %swap3A_496 = arith.constant 0 : i32
          %swap3A_497 = tpu.memref_slice %arg8[%cond3A, %swap3A_495, %swap3A_496] : memref<2x8x1000xf32, #tpu.memory_space<vmem>> -> memref<1x8x1000xf32, #tpu.memory_space<vmem>>
          %swap3A_498 = tpu.memref_squeeze %swap3A_497 : memref<1x8x1000xf32, #tpu.memory_space<vmem>> -> memref<8x1000xf32, #tpu.memory_space<vmem>>
          %swap3A_499 = arith.index_cast %swap3A_494 : i32 to index
          %swap3A_500 = arith.index_cast %add3A_493 : i32 to index
          %swap3A_501 = tpu.vector_load %swap3A_498[%swap3A_499, %swap3A_500] {strides = array<i32>} : memref<8x1000xf32, #tpu.memory_space<vmem>>, vector<16xf32>,
          tpu.vector_store %swap3A_498[%swap3A_499, %swap3A_500], %broadcast_in_dim3A_10 {strides = array<i32>} : memref<8x1000xf32, #tpu.memory_space<vmem>>, vector<16xf32>,
          %add3A_502 = arith.constant 32 : i32
          %add3A_503 = arith.addi %add3A_361, %add3A_502 : i32
          %swap3A_504 = arith.constant 3 : i32
          %swap3A_505 = arith.constant 0 : i32
          %swap3A_506 = arith.constant 0 : i32
          %swap3A_507 = tpu.memref_slice %arg8[%cond3A, %swap3A_505, %swap3A_506] : memref<2x8x1000xf32, #tpu.memory_space<vmem>> -> memref<1x8x1000xf32, #tpu.memory_space<vmem>>
          %swap3A_508 = tpu.memref_squeeze %swap3A_507 : memref<1x8x1000xf32, #tpu.memory_space<vmem>> -> memref<8x1000xf32, #tpu.memory_space<vmem>>
          %swap3A_509 = arith.index_cast %swap3A_504 : i32 to index
          %swap3A_510 = arith.index_cast %add3A_503 : i32 to index
          %swap3A_511 = tpu.vector_load %swap3A_508[%swap3A_509, %swap3A_510] {strides = array<i32>} : memref<8x1000xf32, #tpu.memory_space<vmem>>, vector<16xf32>,
          tpu.vector_store %swap3A_508[%swap3A_509, %swap3A_510], %broadcast_in_dim3A_10 {strides = array<i32>} : memref<8x1000xf32, #tpu.memory_space<vmem>>, vector<16xf32>,
          %add3A_512 = arith.constant 48 : i32
          %add3A_513 = arith.addi %add3A_361, %add3A_512 : i32
          %swap3A_514 = arith.constant 3 : i32
          %swap3A_515 = arith.constant 0 : i32
          %swap3A_516 = arith.constant 0 : i32
          %swap3A_517 = tpu.memref_slice %arg8[%cond3A, %swap3A_515, %swap3A_516] : memref<2x8x1000xf32, #tpu.memory_space<vmem>> -> memref<1x8x1000xf32, #tpu.memory_space<vmem>>
          %swap3A_518 = tpu.memref_squeeze %swap3A_517 : memref<1x8x1000xf32, #tpu.memory_space<vmem>> -> memref<8x1000xf32, #tpu.memory_space<vmem>>
          %swap3A_519 = arith.index_cast %swap3A_514 : i32 to index
          %swap3A_520 = arith.index_cast %add3A_513 : i32 to index
          %swap3A_521 = tpu.vector_load %swap3A_518[%swap3A_519, %swap3A_520] {strides = array<i32>} : memref<8x1000xf32, #tpu.memory_space<vmem>>, vector<16xf32>,
          tpu.vector_store %swap3A_518[%swap3A_519, %swap3A_520], %broadcast_in_dim3A_10 {strides = array<i32>} : memref<8x1000xf32, #tpu.memory_space<vmem>>, vector<16xf32>,
          %add3A_522 = arith.constant 0 : i32
          %add3A_523 = arith.addi %add3A_361, %add3A_522 : i32
          %swap3A_524 = arith.constant 4 : i32
          %swap3A_525 = arith.constant 0 : i32
          %swap3A_526 = arith.constant 0 : i32
          %swap3A_527 = tpu.memref_slice %arg8[%cond3A, %swap3A_525, %swap3A_526] : memref<2x8x1000xf32, #tpu.memory_space<vmem>> -> memref<1x8x1000xf32, #tpu.memory_space<vmem>>
          %swap3A_528 = tpu.memref_squeeze %swap3A_527 : memref<1x8x1000xf32, #tpu.memory_space<vmem>> -> memref<8x1000xf32, #tpu.memory_space<vmem>>
          %swap3A_529 = arith.index_cast %swap3A_524 : i32 to index
          %swap3A_530 = arith.index_cast %add3A_523 : i32 to index
          %swap3A_531 = tpu.vector_load %swap3A_528[%swap3A_529, %swap3A_530] {strides = array<i32>} : memref<8x1000xf32, #tpu.memory_space<vmem>>, vector<16xf32>,
          tpu.vector_store %swap3A_528[%swap3A_529, %swap3A_530], %broadcast_in_dim3A_10 {strides = array<i32>} : memref<8x1000xf32, #tpu.memory_space<vmem>>, vector<16xf32>,
          %add3A_532 = arith.constant 16 : i32
          %add3A_533 = arith.addi %add3A_361, %add3A_532 : i32
          %swap3A_534 = arith.constant 4 : i32
          %swap3A_535 = arith.constant 0 : i32
          %swap3A_536 = arith.constant 0 : i32
          %swap3A_537 = tpu.memref_slice %arg8[%cond3A, %swap3A_535, %swap3A_536] : memref<2x8x1000xf32, #tpu.memory_space<vmem>> -> memref<1x8x1000xf32, #tpu.memory_space<vmem>>
          %swap3A_538 = tpu.memref_squeeze %swap3A_537 : memref<1x8x1000xf32, #tpu.memory_space<vmem>> -> memref<8x1000xf32, #tpu.memory_space<vmem>>
          %swap3A_539 = arith.index_cast %swap3A_534 : i32 to index
          %swap3A_540 = arith.index_cast %add3A_533 : i32 to index
          %swap3A_541 = tpu.vector_load %swap3A_538[%swap3A_539, %swap3A_540] {strides = array<i32>} : memref<8x1000xf32, #tpu.memory_space<vmem>>, vector<16xf32>,
          tpu.vector_store %swap3A_538[%swap3A_539, %swap3A_540], %broadcast_in_dim3A_10 {strides = array<i32>} : memref<8x1000xf32, #tpu.memory_space<vmem>>, vector<16xf32>,
          %add3A_542 = arith.constant 32 : i32
          %add3A_543 = arith.addi %add3A_361, %add3A_542 : i32
          %swap3A_544 = arith.constant 4 : i32
          %swap3A_545 = arith.constant 0 : i32
          %swap3A_546 = arith.constant 0 : i32
          %swap3A_547 = tpu.memref_slice %arg8[%cond3A, %swap3A_545, %swap3A_546] : memref<2x8x1000xf32, #tpu.memory_space<vmem>> -> memref<1x8x1000xf32, #tpu.memory_space<vmem>>
          %swap3A_548 = tpu.memref_squeeze %swap3A_547 : memref<1x8x1000xf32, #tpu.memory_space<vmem>> -> memref<8x1000xf32, #tpu.memory_space<vmem>>
          %swap3A_549 = arith.index_cast %swap3A_544 : i32 to index
          %swap3A_550 = arith.index_cast %add3A_543 : i32 to index
          %swap3A_551 = tpu.vector_load %swap3A_548[%swap3A_549, %swap3A_550] {strides = array<i32>} : memref<8x1000xf32, #tpu.memory_space<vmem>>, vector<16xf32>,
          tpu.vector_store %swap3A_548[%swap3A_549, %swap3A_550], %broadcast_in_dim3A_10 {strides = array<i32>} : memref<8x1000xf32, #tpu.memory_space<vmem>>, vector<16xf32>,
          %add3A_552 = arith.constant 48 : i32
          %add3A_553 = arith.addi %add3A_361, %add3A_552 : i32
          %swap3A_554 = arith.constant 4 : i32
          %swap3A_555 = arith.constant 0 : i32
          %swap3A_556 = arith.constant 0 : i32
          %swap3A_557 = tpu.memref_slice %arg8[%cond3A, %swap3A_555, %swap3A_556] : memref<2x8x1000xf32, #tpu.memory_space<vmem>> -> memref<1x8x1000xf32, #tpu.memory_space<vmem>>
          %swap3A_558 = tpu.memref_squeeze %swap3A_557 : memref<1x8x1000xf32, #tpu.memory_space<vmem>> -> memref<8x1000xf32, #tpu.memory_space<vmem>>
          %swap3A_559 = arith.index_cast %swap3A_554 : i32 to index
          %swap3A_560 = arith.index_cast %add3A_553 : i32 to index
          %swap3A_561 = tpu.vector_load %swap3A_558[%swap3A_559, %swap3A_560] {strides = array<i32>} : memref<8x1000xf32, #tpu.memory_space<vmem>>, vector<16xf32>,
          tpu.vector_store %swap3A_558[%swap3A_559, %swap3A_560], %broadcast_in_dim3A_10 {strides = array<i32>} : memref<8x1000xf32, #tpu.memory_space<vmem>>, vector<16xf32>,
          %add3A_562 = arith.constant 0 : i32
          %add3A_563 = arith.addi %add3A_361, %add3A_562 : i32
          %swap3A_564 = arith.constant 5 : i32
          %swap3A_565 = arith.constant 0 : i32
          %swap3A_566 = arith.constant 0 : i32
          %swap3A_567 = tpu.memref_slice %arg8[%cond3A, %swap3A_565, %swap3A_566] : memref<2x8x1000xf32, #tpu.memory_space<vmem>> -> memref<1x8x1000xf32, #tpu.memory_space<vmem>>
          %swap3A_568 = tpu.memref_squeeze %swap3A_567 : memref<1x8x1000xf32, #tpu.memory_space<vmem>> -> memref<8x1000xf32, #tpu.memory_space<vmem>>
          %swap3A_569 = arith.index_cast %swap3A_564 : i32 to index
          %swap3A_570 = arith.index_cast %add3A_563 : i32 to index
          %swap3A_571 = tpu.vector_load %swap3A_568[%swap3A_569, %swap3A_570] {strides = array<i32>} : memref<8x1000xf32, #tpu.memory_space<vmem>>, vector<16xf32>,
          tpu.vector_store %swap3A_568[%swap3A_569, %swap3A_570], %broadcast_in_dim3A_10 {strides = array<i32>} : memref<8x1000xf32, #tpu.memory_space<vmem>>, vector<16xf32>,
          %add3A_572 = arith.constant 16 : i32
          %add3A_573 = arith.addi %add3A_361, %add3A_572 : i32
          %swap3A_574 = arith.constant 5 : i32
          %swap3A_575 = arith.constant 0 : i32
          %swap3A_576 = arith.constant 0 : i32
          %swap3A_577 = tpu.memref_slice %arg8[%cond3A, %swap3A_575, %swap3A_576] : memref<2x8x1000xf32, #tpu.memory_space<vmem>> -> memref<1x8x1000xf32, #tpu.memory_space<vmem>>
          %swap3A_578 = tpu.memref_squeeze %swap3A_577 : memref<1x8x1000xf32, #tpu.memory_space<vmem>> -> memref<8x1000xf32, #tpu.memory_space<vmem>>
          %swap3A_579 = arith.index_cast %swap3A_574 : i32 to index
          %swap3A_580 = arith.index_cast %add3A_573 : i32 to index
          %swap3A_581 = tpu.vector_load %swap3A_578[%swap3A_579, %swap3A_580] {strides = array<i32>} : memref<8x1000xf32, #tpu.memory_space<vmem>>, vector<16xf32>,
          tpu.vector_store %swap3A_578[%swap3A_579, %swap3A_580], %broadcast_in_dim3A_10 {strides = array<i32>} : memref<8x1000xf32, #tpu.memory_space<vmem>>, vector<16xf32>,
          %add3A_582 = arith.constant 32 : i32
          %add3A_583 = arith.addi %add3A_361, %add3A_582 : i32
          %swap3A_584 = arith.constant 5 : i32
          %swap3A_585 = arith.constant 0 : i32
          %swap3A_586 = arith.constant 0 : i32
          %swap3A_587 = tpu.memref_slice %arg8[%cond3A, %swap3A_585, %swap3A_586] : memref<2x8x1000xf32, #tpu.memory_space<vmem>> -> memref<1x8x1000xf32, #tpu.memory_space<vmem>>
          %swap3A_588 = tpu.memref_squeeze %swap3A_587 : memref<1x8x1000xf32, #tpu.memory_space<vmem>> -> memref<8x1000xf32, #tpu.memory_space<vmem>>
          %swap3A_589 = arith.index_cast %swap3A_584 : i32 to index
          %swap3A_590 = arith.index_cast %add3A_583 : i32 to index
          %swap3A_591 = tpu.vector_load %swap3A_588[%swap3A_589, %swap3A_590] {strides = array<i32>} : memref<8x1000xf32, #tpu.memory_space<vmem>>, vector<16xf32>,
          tpu.vector_store %swap3A_588[%swap3A_589, %swap3A_590], %broadcast_in_dim3A_10 {strides = array<i32>} : memref<8x1000xf32, #tpu.memory_space<vmem>>, vector<16xf32>,
          %add3A_592 = arith.constant 48 : i32
          %add3A_593 = arith.addi %add3A_361, %add3A_592 : i32
          %swap3A_594 = arith.constant 5 : i32
          %swap3A_595 = arith.constant 0 : i32
          %swap3A_596 = arith.constant 0 : i32
          %swap3A_597 = tpu.memref_slice %arg8[%cond3A, %swap3A_595, %swap3A_596] : memref<2x8x1000xf32, #tpu.memory_space<vmem>> -> memref<1x8x1000xf32, #tpu.memory_space<vmem>>
          %swap3A_598 = tpu.memref_squeeze %swap3A_597 : memref<1x8x1000xf32, #tpu.memory_space<vmem>> -> memref<8x1000xf32, #tpu.memory_space<vmem>>
          %swap3A_599 = arith.index_cast %swap3A_594 : i32 to index
          %swap3A_600 = arith.index_cast %add3A_593 : i32 to index
          %swap3A_601 = tpu.vector_load %swap3A_598[%swap3A_599, %swap3A_600] {strides = array<i32>} : memref<8x1000xf32, #tpu.memory_space<vmem>>, vector<16xf32>,
          tpu.vector_store %swap3A_598[%swap3A_599, %swap3A_600], %broadcast_in_dim3A_10 {strides = array<i32>} : memref<8x1000xf32, #tpu.memory_space<vmem>>, vector<16xf32>,
          %add3A_602 = arith.constant 0 : i32
          %add3A_603 = arith.addi %add3A_361, %add3A_602 : i32
          %swap3A_604 = arith.constant 6 : i32
          %swap3A_605 = arith.constant 0 : i32
          %swap3A_606 = arith.constant 0 : i32
          %swap3A_607 = tpu.memref_slice %arg8[%cond3A, %swap3A_605, %swap3A_606] : memref<2x8x1000xf32, #tpu.memory_space<vmem>> -> memref<1x8x1000xf32, #tpu.memory_space<vmem>>
          %swap3A_608 = tpu.memref_squeeze %swap3A_607 : memref<1x8x1000xf32, #tpu.memory_space<vmem>> -> memref<8x1000xf32, #tpu.memory_space<vmem>>
          %swap3A_609 = arith.index_cast %swap3A_604 : i32 to index
          %swap3A_610 = arith.index_cast %add3A_603 : i32 to index
          %swap3A_611 = tpu.vector_load %swap3A_608[%swap3A_609, %swap3A_610] {strides = array<i32>} : memref<8x1000xf32, #tpu.memory_space<vmem>>, vector<16xf32>,
          tpu.vector_store %swap3A_608[%swap3A_609, %swap3A_610], %broadcast_in_dim3A_10 {strides = array<i32>} : memref<8x1000xf32, #tpu.memory_space<vmem>>, vector<16xf32>,
          %add3A_612 = arith.constant 16 : i32
          %add3A_613 = arith.addi %add3A_361, %add3A_612 : i32
          %swap3A_614 = arith.constant 6 : i32
          %swap3A_615 = arith.constant 0 : i32
          %swap3A_616 = arith.constant 0 : i32
          %swap3A_617 = tpu.memref_slice %arg8[%cond3A, %swap3A_615, %swap3A_616] : memref<2x8x1000xf32, #tpu.memory_space<vmem>> -> memref<1x8x1000xf32, #tpu.memory_space<vmem>>
          %swap3A_618 = tpu.memref_squeeze %swap3A_617 : memref<1x8x1000xf32, #tpu.memory_space<vmem>> -> memref<8x1000xf32, #tpu.memory_space<vmem>>
          %swap3A_619 = arith.index_cast %swap3A_614 : i32 to index
          %swap3A_620 = arith.index_cast %add3A_613 : i32 to index
          %swap3A_621 = tpu.vector_load %swap3A_618[%swap3A_619, %swap3A_620] {strides = array<i32>} : memref<8x1000xf32, #tpu.memory_space<vmem>>, vector<16xf32>,
          tpu.vector_store %swap3A_618[%swap3A_619, %swap3A_620], %broadcast_in_dim3A_10 {strides = array<i32>} : memref<8x1000xf32, #tpu.memory_space<vmem>>, vector<16xf32>,
          %add3A_622 = arith.constant 32 : i32
          %add3A_623 = arith.addi %add3A_361, %add3A_622 : i32
          %swap3A_624 = arith.constant 6 : i32
          %swap3A_625 = arith.constant 0 : i32
          %swap3A_626 = arith.constant 0 : i32
          %swap3A_627 = tpu.memref_slice %arg8[%cond3A, %swap3A_625, %swap3A_626] : memref<2x8x1000xf32, #tpu.memory_space<vmem>> -> memref<1x8x1000xf32, #tpu.memory_space<vmem>>
          %swap3A_628 = tpu.memref_squeeze %swap3A_627 : memref<1x8x1000xf32, #tpu.memory_space<vmem>> -> memref<8x1000xf32, #tpu.memory_space<vmem>>
          %swap3A_629 = arith.index_cast %swap3A_624 : i32 to index
          %swap3A_630 = arith.index_cast %add3A_623 : i32 to index
          %swap3A_631 = tpu.vector_load %swap3A_628[%swap3A_629, %swap3A_630] {strides = array<i32>} : memref<8x1000xf32, #tpu.memory_space<vmem>>, vector<16xf32>,
          tpu.vector_store %swap3A_628[%swap3A_629, %swap3A_630], %broadcast_in_dim3A_10 {strides = array<i32>} : memref<8x1000xf32, #tpu.memory_space<vmem>>, vector<16xf32>,
          %add3A_632 = arith.constant 48 : i32
          %add3A_633 = arith.addi %add3A_361, %add3A_632 : i32
          %swap3A_634 = arith.constant 6 : i32
          %swap3A_635 = arith.constant 0 : i32
          %swap3A_636 = arith.constant 0 : i32
          %swap3A_637 = tpu.memref_slice %arg8[%cond3A, %swap3A_635, %swap3A_636] : memref<2x8x1000xf32, #tpu.memory_space<vmem>> -> memref<1x8x1000xf32, #tpu.memory_space<vmem>>
          %swap3A_638 = tpu.memref_squeeze %swap3A_637 : memref<1x8x1000xf32, #tpu.memory_space<vmem>> -> memref<8x1000xf32, #tpu.memory_space<vmem>>
          %swap3A_639 = arith.index_cast %swap3A_634 : i32 to index
          %swap3A_640 = arith.index_cast %add3A_633 : i32 to index
          %swap3A_641 = tpu.vector_load %swap3A_638[%swap3A_639, %swap3A_640] {strides = array<i32>} : memref<8x1000xf32, #tpu.memory_space<vmem>>, vector<16xf32>,
          tpu.vector_store %swap3A_638[%swap3A_639, %swap3A_640], %broadcast_in_dim3A_10 {strides = array<i32>} : memref<8x1000xf32, #tpu.memory_space<vmem>>, vector<16xf32>,
          %add3A_642 = arith.constant 0 : i32
          %add3A_643 = arith.addi %add3A_361, %add3A_642 : i32
          %swap3A_644 = arith.constant 7 : i32
          %swap3A_645 = arith.constant 0 : i32
          %swap3A_646 = arith.constant 0 : i32
          %swap3A_647 = tpu.memref_slice %arg8[%cond3A, %swap3A_645, %swap3A_646] : memref<2x8x1000xf32, #tpu.memory_space<vmem>> -> memref<1x8x1000xf32, #tpu.memory_space<vmem>>
          %swap3A_648 = tpu.memref_squeeze %swap3A_647 : memref<1x8x1000xf32, #tpu.memory_space<vmem>> -> memref<8x1000xf32, #tpu.memory_space<vmem>>
          %swap3A_649 = arith.index_cast %swap3A_644 : i32 to index
          %swap3A_650 = arith.index_cast %add3A_643 : i32 to index
          %swap3A_651 = tpu.vector_load %swap3A_648[%swap3A_649, %swap3A_650] {strides = array<i32>} : memref<8x1000xf32, #tpu.memory_space<vmem>>, vector<16xf32>,
          tpu.vector_store %swap3A_648[%swap3A_649, %swap3A_650], %broadcast_in_dim3A_10 {strides = array<i32>} : memref<8x1000xf32, #tpu.memory_space<vmem>>, vector<16xf32>,
          %add3A_652 = arith.constant 16 : i32
          %add3A_653 = arith.addi %add3A_361, %add3A_652 : i32
          %swap3A_654 = arith.constant 7 : i32
          %swap3A_655 = arith.constant 0 : i32
          %swap3A_656 = arith.constant 0 : i32
          %swap3A_657 = tpu.memref_slice %arg8[%cond3A, %swap3A_655, %swap3A_656] : memref<2x8x1000xf32, #tpu.memory_space<vmem>> -> memref<1x8x1000xf32, #tpu.memory_space<vmem>>
          %swap3A_658 = tpu.memref_squeeze %swap3A_657 : memref<1x8x1000xf32, #tpu.memory_space<vmem>> -> memref<8x1000xf32, #tpu.memory_space<vmem>>
          %swap3A_659 = arith.index_cast %swap3A_654 : i32 to index
          %swap3A_660 = arith.index_cast %add3A_653 : i32 to index
          %swap3A_661 = tpu.vector_load %swap3A_658[%swap3A_659, %swap3A_660] {strides = array<i32>} : memref<8x1000xf32, #tpu.memory_space<vmem>>, vector<16xf32>,
          tpu.vector_store %swap3A_658[%swap3A_659, %swap3A_660], %broadcast_in_dim3A_10 {strides = array<i32>} : memref<8x1000xf32, #tpu.memory_space<vmem>>, vector<16xf32>,
          %add3A_662 = arith.constant 32 : i32
          %add3A_663 = arith.addi %add3A_361, %add3A_662 : i32
          %swap3A_664 = arith.constant 7 : i32
          %swap3A_665 = arith.constant 0 : i32
          %swap3A_666 = arith.constant 0 : i32
          %swap3A_667 = tpu.memref_slice %arg8[%cond3A, %swap3A_665, %swap3A_666] : memref<2x8x1000xf32, #tpu.memory_space<vmem>> -> memref<1x8x1000xf32, #tpu.memory_space<vmem>>
          %swap3A_668 = tpu.memref_squeeze %swap3A_667 : memref<1x8x1000xf32, #tpu.memory_space<vmem>> -> memref<8x1000xf32, #tpu.memory_space<vmem>>
          %swap3A_669 = arith.index_cast %swap3A_664 : i32 to index
          %swap3A_670 = arith.index_cast %add3A_663 : i32 to index
          %swap3A_671 = tpu.vector_load %swap3A_668[%swap3A_669, %swap3A_670] {strides = array<i32>} : memref<8x1000xf32, #tpu.memory_space<vmem>>, vector<16xf32>,
          tpu.vector_store %swap3A_668[%swap3A_669, %swap3A_670], %broadcast_in_dim3A_10 {strides = array<i32>} : memref<8x1000xf32, #tpu.memory_space<vmem>>, vector<16xf32>,
          %add3A_672 = arith.constant 48 : i32
          %add3A_673 = arith.addi %add3A_361, %add3A_672 : i32
          %swap3A_674 = arith.constant 7 : i32
          %swap3A_675 = arith.constant 0 : i32
          %swap3A_676 = arith.constant 0 : i32
          %swap3A_677 = tpu.memref_slice %arg8[%cond3A, %swap3A_675, %swap3A_676] : memref<2x8x1000xf32, #tpu.memory_space<vmem>> -> memref<1x8x1000xf32, #tpu.memory_space<vmem>>
          %swap3A_678 = tpu.memref_squeeze %swap3A_677 : memref<1x8x1000xf32, #tpu.memory_space<vmem>> -> memref<8x1000xf32, #tpu.memory_space<vmem>>
          %swap3A_679 = arith.index_cast %swap3A_674 : i32 to index
          %swap3A_680 = arith.index_cast %add3A_673 : i32 to index
          %swap3A_681 = tpu.vector_load %swap3A_678[%swap3A_679, %swap3A_680] {strides = array<i32>} : memref<8x1000xf32, #tpu.memory_space<vmem>>, vector<16xf32>,
          tpu.vector_store %swap3A_678[%swap3A_679, %swap3A_680], %broadcast_in_dim3A_10 {strides = array<i32>} : memref<8x1000xf32, #tpu.memory_space<vmem>>, vector<16xf32>,
        }
        %scan3A_292 = arith.constant 16 : i32
        %swap3A_293 = arith.constant 0 : i32
        %swap3A_294 = arith.constant 0 : i32
        %swap3A_295 = arith.constant 0 : i32
        %swap3A_296 = tpu.memref_slice %arg8[%cond3A, %swap3A_294, %swap3A_295] : memref<2x8x1000xf32, #tpu.memory_space<vmem>> -> memref<1x8x1000xf32, #tpu.memory_space<vmem>>
        %swap3A_297 = tpu.memref_squeeze %swap3A_296 : memref<1x8x1000xf32, #tpu.memory_space<vmem>> -> memref<8x1000xf32, #tpu.memory_space<vmem>>
        %swap3A_298 = arith.index_cast %swap3A_293 : i32 to index
        %swap3A_299 = arith.constant 984 : index
        %swap3A_300 = tpu.vector_load %swap3A_297[%swap3A_298, %swap3A_299] {strides = array<i32>} : memref<8x1000xf32, #tpu.memory_space<vmem>>, vector<16xf32>,
        tpu.vector_store %swap3A_297[%swap3A_298, %swap3A_299], %broadcast_in_dim3A_10 {strides = array<i32>} : memref<8x1000xf32, #tpu.memory_space<vmem>>, vector<16xf32>,
        %swap3A_301 = arith.constant 1 : i32
        %swap3A_302 = arith.constant 0 : i32
        %swap3A_303 = arith.constant 0 : i32
        %swap3A_304 = tpu.memref_slice %arg8[%cond3A, %swap3A_302, %swap3A_303] : memref<2x8x1000xf32, #tpu.memory_space<vmem>> -> memref<1x8x1000xf32, #tpu.memory_space<vmem>>
        %swap3A_305 = tpu.memref_squeeze %swap3A_304 : memref<1x8x1000xf32, #tpu.memory_space<vmem>> -> memref<8x1000xf32, #tpu.memory_space<vmem>>
        %swap3A_306 = arith.index_cast %swap3A_301 : i32 to index
        %swap3A_307 = arith.constant 984 : index
        %swap3A_308 = tpu.vector_load %swap3A_305[%swap3A_306, %swap3A_307] {strides = array<i32>} : memref<8x1000xf32, #tpu.memory_space<vmem>>, vector<16xf32>,
        tpu.vector_store %swap3A_305[%swap3A_306, %swap3A_307], %broadcast_in_dim3A_10 {strides = array<i32>} : memref<8x1000xf32, #tpu.memory_space<vmem>>, vector<16xf32>,
        %swap3A_309 = arith.constant 2 : i32
        %swap3A_310 = arith.constant 0 : i32
        %swap3A_311 = arith.constant 0 : i32
        %swap3A_312 = tpu.memref_slice %arg8[%cond3A, %swap3A_310, %swap3A_311] : memref<2x8x1000xf32, #tpu.memory_space<vmem>> -> memref<1x8x1000xf32, #tpu.memory_space<vmem>>
        %swap3A_313 = tpu.memref_squeeze %swap3A_312 : memref<1x8x1000xf32, #tpu.memory_space<vmem>> -> memref<8x1000xf32, #tpu.memory_space<vmem>>
        %swap3A_314 = arith.index_cast %swap3A_309 : i32 to index
        %swap3A_315 = arith.constant 984 : index
        %swap3A_316 = tpu.vector_load %swap3A_313[%swap3A_314, %swap3A_315] {strides = array<i32>} : memref<8x1000xf32, #tpu.memory_space<vmem>>, vector<16xf32>,
        tpu.vector_store %swap3A_313[%swap3A_314, %swap3A_315], %broadcast_in_dim3A_10 {strides = array<i32>} : memref<8x1000xf32, #tpu.memory_space<vmem>>, vector<16xf32>,
        %swap3A_317 = arith.constant 3 : i32
        %swap3A_318 = arith.constant 0 : i32
        %swap3A_319 = arith.constant 0 : i32
        %swap3A_320 = tpu.memref_slice %arg8[%cond3A, %swap3A_318, %swap3A_319] : memref<2x8x1000xf32, #tpu.memory_space<vmem>> -> memref<1x8x1000xf32, #tpu.memory_space<vmem>>
        %swap3A_321 = tpu.memref_squeeze %swap3A_320 : memref<1x8x1000xf32, #tpu.memory_space<vmem>> -> memref<8x1000xf32, #tpu.memory_space<vmem>>
        %swap3A_322 = arith.index_cast %swap3A_317 : i32 to index
        %swap3A_323 = arith.constant 984 : index
        %swap3A_324 = tpu.vector_load %swap3A_321[%swap3A_322, %swap3A_323] {strides = array<i32>} : memref<8x1000xf32, #tpu.memory_space<vmem>>, vector<16xf32>,
        tpu.vector_store %swap3A_321[%swap3A_322, %swap3A_323], %broadcast_in_dim3A_10 {strides = array<i32>} : memref<8x1000xf32, #tpu.memory_space<vmem>>, vector<16xf32>,
        %swap3A_325 = arith.constant 4 : i32
        %swap3A_326 = arith.constant 0 : i32
        %swap3A_327 = arith.constant 0 : i32
        %swap3A_328 = tpu.memref_slice %arg8[%cond3A, %swap3A_326, %swap3A_327] : memref<2x8x1000xf32, #tpu.memory_space<vmem>> -> memref<1x8x1000xf32, #tpu.memory_space<vmem>>
        %swap3A_329 = tpu.memref_squeeze %swap3A_328 : memref<1x8x1000xf32, #tpu.memory_space<vmem>> -> memref<8x1000xf32, #tpu.memory_space<vmem>>
        %swap3A_330 = arith.index_cast %swap3A_325 : i32 to index
        %swap3A_331 = arith.constant 984 : index
        %swap3A_332 = tpu.vector_load %swap3A_329[%swap3A_330, %swap3A_331] {strides = array<i32>} : memref<8x1000xf32, #tpu.memory_space<vmem>>, vector<16xf32>,
        tpu.vector_store %swap3A_329[%swap3A_330, %swap3A_331], %broadcast_in_dim3A_10 {strides = array<i32>} : memref<8x1000xf32, #tpu.memory_space<vmem>>, vector<16xf32>,
        %swap3A_333 = arith.constant 5 : i32
        %swap3A_334 = arith.constant 0 : i32
        %swap3A_335 = arith.constant 0 : i32
        %swap3A_336 = tpu.memref_slice %arg8[%cond3A, %swap3A_334, %swap3A_335] : memref<2x8x1000xf32, #tpu.memory_space<vmem>> -> memref<1x8x1000xf32, #tpu.memory_space<vmem>>
        %swap3A_337 = tpu.memref_squeeze %swap3A_336 : memref<1x8x1000xf32, #tpu.memory_space<vmem>> -> memref<8x1000xf32, #tpu.memory_space<vmem>>
        %swap3A_338 = arith.index_cast %swap3A_333 : i32 to index
        %swap3A_339 = arith.constant 984 : index
        %swap3A_340 = tpu.vector_load %swap3A_337[%swap3A_338, %swap3A_339] {strides = array<i32>} : memref<8x1000xf32, #tpu.memory_space<vmem>>, vector<16xf32>,
        tpu.vector_store %swap3A_337[%swap3A_338, %swap3A_339], %broadcast_in_dim3A_10 {strides = array<i32>} : memref<8x1000xf32, #tpu.memory_space<vmem>>, vector<16xf32>,
        %swap3A_341 = arith.constant 6 : i32
        %swap3A_342 = arith.constant 0 : i32
        %swap3A_343 = arith.constant 0 : i32
        %swap3A_344 = tpu.memref_slice %arg8[%cond3A, %swap3A_342, %swap3A_343] : memref<2x8x1000xf32, #tpu.memory_space<vmem>> -> memref<1x8x1000xf32, #tpu.memory_space<vmem>>
        %swap3A_345 = tpu.memref_squeeze %swap3A_344 : memref<1x8x1000xf32, #tpu.memory_space<vmem>> -> memref<8x1000xf32, #tpu.memory_space<vmem>>
        %swap3A_346 = arith.index_cast %swap3A_341 : i32 to index
        %swap3A_347 = arith.constant 984 : index
        %swap3A_348 = tpu.vector_load %swap3A_345[%swap3A_346, %swap3A_347] {strides = array<i32>} : memref<8x1000xf32, #tpu.memory_space<vmem>>, vector<16xf32>,
        tpu.vector_store %swap3A_345[%swap3A_346, %swap3A_347], %broadcast_in_dim3A_10 {strides = array<i32>} : memref<8x1000xf32, #tpu.memory_space<vmem>>, vector<16xf32>,
        %swap3A_349 = arith.constant 7 : i32
        %swap3A_350 = arith.constant 0 : i32
        %swap3A_351 = arith.constant 0 : i32
        %swap3A_352 = tpu.memref_slice %arg8[%cond3A, %swap3A_350, %swap3A_351] : memref<2x8x1000xf32, #tpu.memory_space<vmem>> -> memref<1x8x1000xf32, #tpu.memory_space<vmem>>
        %swap3A_353 = tpu.memref_squeeze %swap3A_352 : memref<1x8x1000xf32, #tpu.memory_space<vmem>> -> memref<8x1000xf32, #tpu.memory_space<vmem>>
        %swap3A_354 = arith.index_cast %swap3A_349 : i32 to index
        %swap3A_355 = arith.constant 984 : index
        %swap3A_356 = tpu.vector_load %swap3A_353[%swap3A_354, %swap3A_355] {strides = array<i32>} : memref<8x1000xf32, #tpu.memory_space<vmem>>, vector<16xf32>,
        tpu.vector_store %swap3A_353[%swap3A_354, %swap3A_355], %broadcast_in_dim3A_10 {strides = array<i32>} : memref<8x1000xf32, #tpu.memory_space<vmem>>, vector<16xf32>,
      } else {
      }
      %scan3A_220 = arith.constant 0 : i32
      %scan3A_221 = arith.constant 0 : i32
      %scan3A_222 = arith.constant 8 : i32
      %scan3A_223 = arith.addi %scan3A_221, %scan3A_222 : i32
      %scan3A_224 = arith.constant 1 : i32
      scf.for %scan3A_272 = %scan3A_221 to %scan3A_223 step %scan3A_224  : i32 {
        %mul3A_273 = arith.constant 1 : i32
        %mul3A_274 = arith.muli %scan3A_272, %mul3A_273 : i32
        %add3A_275 = arith.constant 0 : i32
        %add3A_276 = arith.addi %add3A_275, %mul3A_274 : i32
        %mul3A_277 = arith.constant 8 : i32
        %mul3A_278 = arith.muli %add3A_215, %mul3A_277 : i32
        %add3A_279 = arith.addi %mul3A_278, %add3A_276 : i32
        %get3A = arith.index_cast %add3A_279 : i32 to index
        %get3A_280 = arith.constant 0 : index
        %get3A_281 = tpu.vector_load %arg7[%get3A, %get3A_280] {strides = array<i32>} : memref<128x200xf32, #tpu.memory_space<vmem>>, vector<16xf32>,
        %get3A_282 = arith.index_cast %add3A_279 : i32 to index
        %get3A_283 = arith.constant 16 : index
        %get3A_284 = tpu.vector_load %arg7[%get3A_282, %get3A_283] {strides = array<i32>} : memref<128x200xf32, #tpu.memory_space<vmem>>, vector<16xf32>,
        %get3A_285 = arith.index_cast %add3A_279 : i32 to index
        %get3A_286 = arith.constant 32 : index
        %get3A_287 = tpu.vector_load %arg7[%get3A_285, %get3A_286] {strides = array<i32>} : memref<128x200xf32, #tpu.memory_space<vmem>>, vector<16xf32>,
        %get3A_288 = arith.index_cast %add3A_279 : i32 to index
        %get3A_289 = arith.constant 48 : index
        %get3A_290 = tpu.vector_load %arg7[%get3A_288, %get3A_289] {strides = array<i32>} : memref<128x200xf32, #tpu.memory_space<vmem>>, vector<16xf32>,
        %get3A_291 = arith.index_cast %add3A_279 : i32 to index
        %get3A_292 = arith.constant 64 : index
        %get3A_293 = tpu.vector_load %arg7[%get3A_291, %get3A_292] {strides = array<i32>} : memref<128x200xf32, #tpu.memory_space<vmem>>, vector<16xf32>,
        %get3A_294 = arith.index_cast %add3A_279 : i32 to index
        %get3A_295 = arith.constant 80 : index
        %get3A_296 = tpu.vector_load %arg7[%get3A_294, %get3A_295] {strides = array<i32>} : memref<128x200xf32, #tpu.memory_space<vmem>>, vector<16xf32>,
        %get3A_297 = arith.index_cast %add3A_279 : i32 to index
        %get3A_298 = arith.constant 96 : index
        %get3A_299 = tpu.vector_load %arg7[%get3A_297, %get3A_298] {strides = array<i32>} : memref<128x200xf32, #tpu.memory_space<vmem>>, vector<16xf32>,
        %get3A_300 = arith.index_cast %add3A_279 : i32 to index
        %get3A_301 = arith.constant 112 : index
        %get3A_302 = tpu.vector_load %arg7[%get3A_300, %get3A_301] {strides = array<i32>} : memref<128x200xf32, #tpu.memory_space<vmem>>, vector<16xf32>,
        %get3A_303 = arith.index_cast %add3A_279 : i32 to index
        %get3A_304 = arith.constant 128 : index
        %get3A_305 = tpu.vector_load %arg7[%get3A_303, %get3A_304] {strides = array<i32>} : memref<128x200xf32, #tpu.memory_space<vmem>>, vector<16xf32>,
        %get3A_306 = arith.index_cast %add3A_279 : i32 to index
        %get3A_307 = arith.constant 144 : index
        %get3A_308 = tpu.vector_load %arg7[%get3A_306, %get3A_307] {strides = array<i32>} : memref<128x200xf32, #tpu.memory_space<vmem>>, vector<16xf32>,
        %get3A_309 = arith.index_cast %add3A_279 : i32 to index
        %get3A_310 = arith.constant 160 : index
        %get3A_311 = tpu.vector_load %arg7[%get3A_309, %get3A_310] {strides = array<i32>} : memref<128x200xf32, #tpu.memory_space<vmem>>, vector<16xf32>,
        %get3A_312 = arith.index_cast %add3A_279 : i32 to index
        %get3A_313 = arith.constant 176 : index
        %get3A_314 = tpu.vector_load %arg7[%get3A_312, %get3A_313] {strides = array<i32>} : memref<128x200xf32, #tpu.memory_space<vmem>>, vector<16xf32>,
        %get3A_315 = arith.index_cast %add3A_279 : i32 to index
        %get3A_316 = arith.constant 184 : index
        %get3A_317 = tpu.vector_load %arg7[%get3A_315, %get3A_316] {strides = array<i32>} : memref<128x200xf32, #tpu.memory_space<vmem>>, vector<16xf32>,
        %get3A_318 = arith.index_cast %add3A_279 : i32 to index
        %get3A_319 = arith.constant 0 : index
        %get3A_320 = tpu.vector_load %arg6[%get3A_318, %get3A_319] {strides = array<i32>} : memref<128x200xi32, #tpu.memory_space<vmem>>, vector<16xi32>,
        %get3A_321 = arith.index_cast %add3A_279 : i32 to index
        %get3A_322 = arith.constant 16 : index
        %get3A_323 = tpu.vector_load %arg6[%get3A_321, %get3A_322] {strides = array<i32>} : memref<128x200xi32, #tpu.memory_space<vmem>>, vector<16xi32>,
        %get3A_324 = arith.index_cast %add3A_279 : i32 to index
        %get3A_325 = arith.constant 32 : index
        %get3A_326 = tpu.vector_load %arg6[%get3A_324, %get3A_325] {strides = array<i32>} : memref<128x200xi32, #tpu.memory_space<vmem>>, vector<16xi32>,
        %get3A_327 = arith.index_cast %add3A_279 : i32 to index
        %get3A_328 = arith.constant 48 : index
        %get3A_329 = tpu.vector_load %arg6[%get3A_327, %get3A_328] {strides = array<i32>} : memref<128x200xi32, #tpu.memory_space<vmem>>, vector<16xi32>,
        %get3A_330 = arith.index_cast %add3A_279 : i32 to index
        %get3A_331 = arith.constant 64 : index
        %get3A_332 = tpu.vector_load %arg6[%get3A_330, %get3A_331] {strides = array<i32>} : memref<128x200xi32, #tpu.memory_space<vmem>>, vector<16xi32>,
        %get3A_333 = arith.index_cast %add3A_279 : i32 to index
        %get3A_334 = arith.constant 80 : index
        %get3A_335 = tpu.vector_load %arg6[%get3A_333, %get3A_334] {strides = array<i32>} : memref<128x200xi32, #tpu.memory_space<vmem>>, vector<16xi32>,
        %get3A_336 = arith.index_cast %add3A_279 : i32 to index
        %get3A_337 = arith.constant 96 : index
        %get3A_338 = tpu.vector_load %arg6[%get3A_336, %get3A_337] {strides = array<i32>} : memref<128x200xi32, #tpu.memory_space<vmem>>, vector<16xi32>,
        %get3A_339 = arith.index_cast %add3A_279 : i32 to index
        %get3A_340 = arith.constant 112 : index
        %get3A_341 = tpu.vector_load %arg6[%get3A_339, %get3A_340] {strides = array<i32>} : memref<128x200xi32, #tpu.memory_space<vmem>>, vector<16xi32>,
        %get3A_342 = arith.index_cast %add3A_279 : i32 to index
        %get3A_343 = arith.constant 128 : index
        %get3A_344 = tpu.vector_load %arg6[%get3A_342, %get3A_343] {strides = array<i32>} : memref<128x200xi32, #tpu.memory_space<vmem>>, vector<16xi32>,
        %get3A_345 = arith.index_cast %add3A_279 : i32 to index
        %get3A_346 = arith.constant 144 : index
        %get3A_347 = tpu.vector_load %arg6[%get3A_345, %get3A_346] {strides = array<i32>} : memref<128x200xi32, #tpu.memory_space<vmem>>, vector<16xi32>,
        %get3A_348 = arith.index_cast %add3A_279 : i32 to index
        %get3A_349 = arith.constant 160 : index
        %get3A_350 = tpu.vector_load %arg6[%get3A_348, %get3A_349] {strides = array<i32>} : memref<128x200xi32, #tpu.memory_space<vmem>>, vector<16xi32>,
        %get3A_351 = arith.index_cast %add3A_279 : i32 to index
        %get3A_352 = arith.constant 176 : index
        %get3A_353 = tpu.vector_load %arg6[%get3A_351, %get3A_352] {strides = array<i32>} : memref<128x200xi32, #tpu.memory_space<vmem>>, vector<16xi32>,
        %get3A_354 = arith.index_cast %add3A_279 : i32 to index
        %get3A_355 = arith.constant 184 : index
        %get3A_356 = tpu.vector_load %arg6[%get3A_354, %get3A_355] {strides = array<i32>} : memref<128x200xi32, #tpu.memory_space<vmem>>, vector<16xi32>,
        %ge3A_357 = arith.constant 1.000000e-01 : f32
        %ge3A_358 = vector.broadcast %ge3A_357 : f32 to vector<16xf32>
        %ge3A_359 = arith.cmpf oge, %get3A_281, %ge3A_358 : vector<16xf32>
        %ge3A_360 = arith.constant 1.000000e-01 : f32
        %ge3A_361 = vector.broadcast %ge3A_360 : f32 to vector<16xf32>
        %ge3A_362 = arith.cmpf oge, %get3A_284, %ge3A_361 : vector<16xf32>
        %ge3A_363 = arith.constant 1.000000e-01 : f32
        %ge3A_364 = vector.broadcast %ge3A_363 : f32 to vector<16xf32>
        %ge3A_365 = arith.cmpf oge, %get3A_287, %ge3A_364 : vector<16xf32>
        %ge3A_366 = arith.constant 1.000000e-01 : f32
        %ge3A_367 = vector.broadcast %ge3A_366 : f32 to vector<16xf32>
        %ge3A_368 = arith.cmpf oge, %get3A_290, %ge3A_367 : vector<16xf32>
        %ge3A_369 = arith.constant 1.000000e-01 : f32
        %ge3A_370 = vector.broadcast %ge3A_369 : f32 to vector<16xf32>
        %ge3A_371 = arith.cmpf oge, %get3A_293, %ge3A_370 : vector<16xf32>
        %ge3A_372 = arith.constant 1.000000e-01 : f32
        %ge3A_373 = vector.broadcast %ge3A_372 : f32 to vector<16xf32>
        %ge3A_374 = arith.cmpf oge, %get3A_296, %ge3A_373 : vector<16xf32>
        %ge3A_375 = arith.constant 1.000000e-01 : f32
        %ge3A_376 = vector.broadcast %ge3A_375 : f32 to vector<16xf32>
        %ge3A_377 = arith.cmpf oge, %get3A_299, %ge3A_376 : vector<16xf32>
        %ge3A_378 = arith.constant 1.000000e-01 : f32
        %ge3A_379 = vector.broadcast %ge3A_378 : f32 to vector<16xf32>
        %ge3A_380 = arith.cmpf oge, %get3A_302, %ge3A_379 : vector<16xf32>
        %ge3A_381 = arith.constant 1.000000e-01 : f32
        %ge3A_382 = vector.broadcast %ge3A_381 : f32 to vector<16xf32>
        %ge3A_383 = arith.cmpf oge, %get3A_305, %ge3A_382 : vector<16xf32>
        %ge3A_384 = arith.constant 1.000000e-01 : f32
        %ge3A_385 = vector.broadcast %ge3A_384 : f32 to vector<16xf32>
        %ge3A_386 = arith.cmpf oge, %get3A_308, %ge3A_385 : vector<16xf32>
        %ge3A_387 = arith.constant 1.000000e-01 : f32
        %ge3A_388 = vector.broadcast %ge3A_387 : f32 to vector<16xf32>
        %ge3A_389 = arith.cmpf oge, %get3A_311, %ge3A_388 : vector<16xf32>
        %ge3A_390 = arith.constant 1.000000e-01 : f32
        %ge3A_391 = vector.broadcast %ge3A_390 : f32 to vector<16xf32>
        %ge3A_392 = arith.cmpf oge, %get3A_314, %ge3A_391 : vector<16xf32>
        %ge3A_393 = arith.constant 1.000000e-01 : f32
        %ge3A_394 = vector.broadcast %ge3A_393 : f32 to vector<16xf32>
        %ge3A_395 = arith.cmpf oge, %get3A_317, %ge3A_394 : vector<16xf32>
        %and3A = arith.andi %ge3A_395, %ge3A_12 : vector<16xi1>
        %broadcast_in_dim3A_396 = arith.constant 1 : i32
        %broadcast_in_dim3A_397 = vector.broadcast %broadcast_in_dim3A_396 : i32 to vector<16xi32>
        %broadcast_in_dim3A_398 = arith.constant 0 : i32
        %broadcast_in_dim3A_399 = vector.broadcast %broadcast_in_dim3A_398 : i32 to vector<16xi32>
        %select_n3A = arith.select %and3A, %broadcast_in_dim3A_397, %broadcast_in_dim3A_399 : vector<16xi1>, vector<16xi32>
        %select_n3A_400 = arith.select %ge3A_359, %broadcast_in_dim3A_397, %broadcast_in_dim3A_399 : vector<16xi1>, vector<16xi32>
        %add3A_401 = arith.addi %select_n3A, %select_n3A_400 : vector<16xi32>
        %select_n3A_402 = arith.select %ge3A_362, %broadcast_in_dim3A_397, %broadcast_in_dim3A_399 : vector<16xi1>, vector<16xi32>
        %add3A_403 = arith.addi %add3A_401, %select_n3A_402 : vector<16xi32>
        %select_n3A_404 = arith.select %ge3A_365, %broadcast_in_dim3A_397, %broadcast_in_dim3A_399 : vector<16xi1>, vector<16xi32>
        %add3A_405 = arith.addi %add3A_403, %select_n3A_404 : vector<16xi32>
        %select_n3A_406 = arith.select %ge3A_368, %broadcast_in_dim3A_397, %broadcast_in_dim3A_399 : vector<16xi1>, vector<16xi32>
        %add3A_407 = arith.addi %add3A_405, %select_n3A_406 : vector<16xi32>
        %select_n3A_408 = arith.select %ge3A_371, %broadcast_in_dim3A_397, %broadcast_in_dim3A_399 : vector<16xi1>, vector<16xi32>
        %add3A_409 = arith.addi %add3A_407, %select_n3A_408 : vector<16xi32>
        %select_n3A_410 = arith.select %ge3A_374, %broadcast_in_dim3A_397, %broadcast_in_dim3A_399 : vector<16xi1>, vector<16xi32>
        %add3A_411 = arith.addi %add3A_409, %select_n3A_410 : vector<16xi32>
        %select_n3A_412 = arith.select %ge3A_377, %broadcast_in_dim3A_397, %broadcast_in_dim3A_399 : vector<16xi1>, vector<16xi32>
        %add3A_413 = arith.addi %add3A_411, %select_n3A_412 : vector<16xi32>
        %select_n3A_414 = arith.select %ge3A_380, %broadcast_in_dim3A_397, %broadcast_in_dim3A_399 : vector<16xi1>, vector<16xi32>
        %add3A_415 = arith.addi %add3A_413, %select_n3A_414 : vector<16xi32>
        %select_n3A_416 = arith.select %ge3A_383, %broadcast_in_dim3A_397, %broadcast_in_dim3A_399 : vector<16xi1>, vector<16xi32>
        %add3A_417 = arith.addi %add3A_415, %select_n3A_416 : vector<16xi32>
        %select_n3A_418 = arith.select %ge3A_386, %broadcast_in_dim3A_397, %broadcast_in_dim3A_399 : vector<16xi1>, vector<16xi32>
        %add3A_419 = arith.addi %add3A_417, %select_n3A_418 : vector<16xi32>
        %select_n3A_420 = arith.select %ge3A_389, %broadcast_in_dim3A_397, %broadcast_in_dim3A_399 : vector<16xi1>, vector<16xi32>
        %add3A_421 = arith.addi %add3A_419, %select_n3A_420 : vector<16xi32>
        %select_n3A_422 = arith.select %ge3A_392, %broadcast_in_dim3A_397, %broadcast_in_dim3A_399 : vector<16xi1>, vector<16xi32>
        %add3A_423 = arith.addi %add3A_421, %select_n3A_422 : vector<16xi32>
        %reduce_sum3A = arith.constant true
        %reduce_sum3A_424 = vector.broadcast %reduce_sum3A : i1 to vector<16xi1>
        %reduce_sum3A_425 = tpu.scan <sum>, %add3A_423 masked %reduce_sum3A_424 : vector<16xi32>, vector<16xi1> -> vector<16xi32>
        %reduce_sum3A_426 = vector.extract %reduce_sum3A_425[15] : i32 from vector<16xi32>
        %broadcast_in_dim3A_427 = vector.broadcast %reduce_sum3A_426 : i32 to vector<16xi32>
        %gather3A = tpu.vector_load_idx %arg9[%broadcast_in_dim3A_427] : memref<256xf32, #tpu.memory_space<vmem>>[vector<16xi32>], vector<16xf32>,
        %mul3A_428 = arith.constant 1.000000e-10 : f32
        %mul3A_429 = vector.broadcast %mul3A_428 : f32 to vector<16xf32>
        %mul3A_430 = arith.mulf %mul3A_429, %gather3A : vector<16xf32>
        %select_n3A_431 = arith.select %ge3A_359, %gather3A, %mul3A_430 : vector<16xi1>, vector<16xf32>
        %mul3A_432 = arith.mulf %get3A_281, %select_n3A_431 : vector<16xf32>
        %select_n3A_433 = arith.select %ge3A_362, %gather3A, %mul3A_430 : vector<16xi1>, vector<16xf32>
        %mul3A_434 = arith.mulf %get3A_284, %select_n3A_433 : vector<16xf32>
        %select_n3A_435 = arith.select %ge3A_365, %gather3A, %mul3A_430 : vector<16xi1>, vector<16xf32>
        %mul3A_436 = arith.mulf %get3A_287, %select_n3A_435 : vector<16xf32>
        %select_n3A_437 = arith.select %ge3A_368, %gather3A, %mul3A_430 : vector<16xi1>, vector<16xf32>
        %mul3A_438 = arith.mulf %get3A_290, %select_n3A_437 : vector<16xf32>
        %select_n3A_439 = arith.select %ge3A_371, %gather3A, %mul3A_430 : vector<16xi1>, vector<16xf32>
        %mul3A_440 = arith.mulf %get3A_293, %select_n3A_439 : vector<16xf32>
        %select_n3A_441 = arith.select %ge3A_374, %gather3A, %mul3A_430 : vector<16xi1>, vector<16xf32>
        %mul3A_442 = arith.mulf %get3A_296, %select_n3A_441 : vector<16xf32>
        %select_n3A_443 = arith.select %ge3A_377, %gather3A, %mul3A_430 : vector<16xi1>, vector<16xf32>
        %mul3A_444 = arith.mulf %get3A_299, %select_n3A_443 : vector<16xf32>
        %select_n3A_445 = arith.select %ge3A_380, %gather3A, %mul3A_430 : vector<16xi1>, vector<16xf32>
        %mul3A_446 = arith.mulf %get3A_302, %select_n3A_445 : vector<16xf32>
        %select_n3A_447 = arith.select %ge3A_383, %gather3A, %mul3A_430 : vector<16xi1>, vector<16xf32>
        %mul3A_448 = arith.mulf %get3A_305, %select_n3A_447 : vector<16xf32>
        %select_n3A_449 = arith.select %ge3A_386, %gather3A, %mul3A_430 : vector<16xi1>, vector<16xf32>
        %mul3A_450 = arith.mulf %get3A_308, %select_n3A_449 : vector<16xf32>
        %select_n3A_451 = arith.select %ge3A_389, %gather3A, %mul3A_430 : vector<16xi1>, vector<16xf32>
        %mul3A_452 = arith.mulf %get3A_311, %select_n3A_451 : vector<16xf32>
        %select_n3A_453 = arith.select %ge3A_392, %gather3A, %mul3A_430 : vector<16xi1>, vector<16xf32>
        %mul3A_454 = arith.mulf %get3A_314, %select_n3A_453 : vector<16xf32>
        %select_n3A_455 = arith.select %and3A, %gather3A, %mul3A_430 : vector<16xi1>, vector<16xf32>
        %mul3A_456 = arith.mulf %get3A_317, %select_n3A_455 : vector<16xf32>
        %broadcast_in_dim3A_457 = vector.broadcast %add3A_276 : i32 to vector<16xi32>
        %scatter3A = arith.constant 0 : i32
        %scatter3A_458 = arith.constant 0 : i32
        %scatter3A_459 = tpu.memref_slice %arg8[%scan3A_220, %scatter3A, %scatter3A_458] : memref<2x8x1000xf32, #tpu.memory_space<vmem>> -> memref<1x8x1000xf32, #tpu.memory_space<vmem>>
        %scatter3A_460 = tpu.memref_squeeze %scatter3A_459 : memref<1x8x1000xf32, #tpu.memory_space<vmem>> -> memref<8x1000xf32, #tpu.memory_space<vmem>>
        tpu.vector_store_idx %scatter3A_460[%broadcast_in_dim3A_457, %get3A_320], %mul3A_432 {add = true} : memref<8x1000xf32, #tpu.memory_space<vmem>>[vector<16xi32>, vector<16xi32>], vector<16xf32>,
        %scatter3A_461 = arith.constant 0 : i32
        %scatter3A_462 = arith.constant 0 : i32
        %scatter3A_463 = tpu.memref_slice %arg8[%scan3A_220, %scatter3A_461, %scatter3A_462] : memref<2x8x1000xf32, #tpu.memory_space<vmem>> -> memref<1x8x1000xf32, #tpu.memory_space<vmem>>
        %scatter3A_464 = tpu.memref_squeeze %scatter3A_463 : memref<1x8x1000xf32, #tpu.memory_space<vmem>> -> memref<8x1000xf32, #tpu.memory_space<vmem>>
        tpu.vector_store_idx %scatter3A_464[%broadcast_in_dim3A_457, %get3A_323], %mul3A_434 {add = true} : memref<8x1000xf32, #tpu.memory_space<vmem>>[vector<16xi32>, vector<16xi32>], vector<16xf32>,
        %scatter3A_465 = arith.constant 0 : i32
        %scatter3A_466 = arith.constant 0 : i32
        %scatter3A_467 = tpu.memref_slice %arg8[%scan3A_220, %scatter3A_465, %scatter3A_466] : memref<2x8x1000xf32, #tpu.memory_space<vmem>> -> memref<1x8x1000xf32, #tpu.memory_space<vmem>>
        %scatter3A_468 = tpu.memref_squeeze %scatter3A_467 : memref<1x8x1000xf32, #tpu.memory_space<vmem>> -> memref<8x1000xf32, #tpu.memory_space<vmem>>
        tpu.vector_store_idx %scatter3A_468[%broadcast_in_dim3A_457, %get3A_326], %mul3A_436 {add = true} : memref<8x1000xf32, #tpu.memory_space<vmem>>[vector<16xi32>, vector<16xi32>], vector<16xf32>,
        %scatter3A_469 = arith.constant 0 : i32
        %scatter3A_470 = arith.constant 0 : i32
        %scatter3A_471 = tpu.memref_slice %arg8[%scan3A_220, %scatter3A_469, %scatter3A_470] : memref<2x8x1000xf32, #tpu.memory_space<vmem>> -> memref<1x8x1000xf32, #tpu.memory_space<vmem>>
        %scatter3A_472 = tpu.memref_squeeze %scatter3A_471 : memref<1x8x1000xf32, #tpu.memory_space<vmem>> -> memref<8x1000xf32, #tpu.memory_space<vmem>>
        tpu.vector_store_idx %scatter3A_472[%broadcast_in_dim3A_457, %get3A_329], %mul3A_438 {add = true} : memref<8x1000xf32, #tpu.memory_space<vmem>>[vector<16xi32>, vector<16xi32>], vector<16xf32>,
        %scatter3A_473 = arith.constant 0 : i32
        %scatter3A_474 = arith.constant 0 : i32
        %scatter3A_475 = tpu.memref_slice %arg8[%scan3A_220, %scatter3A_473, %scatter3A_474] : memref<2x8x1000xf32, #tpu.memory_space<vmem>> -> memref<1x8x1000xf32, #tpu.memory_space<vmem>>
        %scatter3A_476 = tpu.memref_squeeze %scatter3A_475 : memref<1x8x1000xf32, #tpu.memory_space<vmem>> -> memref<8x1000xf32, #tpu.memory_space<vmem>>
        tpu.vector_store_idx %scatter3A_476[%broadcast_in_dim3A_457, %get3A_332], %mul3A_440 {add = true} : memref<8x1000xf32, #tpu.memory_space<vmem>>[vector<16xi32>, vector<16xi32>], vector<16xf32>,
        %scatter3A_477 = arith.constant 0 : i32
        %scatter3A_478 = arith.constant 0 : i32
        %scatter3A_479 = tpu.memref_slice %arg8[%scan3A_220, %scatter3A_477, %scatter3A_478] : memref<2x8x1000xf32, #tpu.memory_space<vmem>> -> memref<1x8x1000xf32, #tpu.memory_space<vmem>>
        %scatter3A_480 = tpu.memref_squeeze %scatter3A_479 : memref<1x8x1000xf32, #tpu.memory_space<vmem>> -> memref<8x1000xf32, #tpu.memory_space<vmem>>
        tpu.vector_store_idx %scatter3A_480[%broadcast_in_dim3A_457, %get3A_335], %mul3A_442 {add = true} : memref<8x1000xf32, #tpu.memory_space<vmem>>[vector<16xi32>, vector<16xi32>], vector<16xf32>,
        %scatter3A_481 = arith.constant 0 : i32
        %scatter3A_482 = arith.constant 0 : i32
        %scatter3A_483 = tpu.memref_slice %arg8[%scan3A_220, %scatter3A_481, %scatter3A_482] : memref<2x8x1000xf32, #tpu.memory_space<vmem>> -> memref<1x8x1000xf32, #tpu.memory_space<vmem>>
        %scatter3A_484 = tpu.memref_squeeze %scatter3A_483 : memref<1x8x1000xf32, #tpu.memory_space<vmem>> -> memref<8x1000xf32, #tpu.memory_space<vmem>>
        tpu.vector_store_idx %scatter3A_484[%broadcast_in_dim3A_457, %get3A_338], %mul3A_444 {add = true} : memref<8x1000xf32, #tpu.memory_space<vmem>>[vector<16xi32>, vector<16xi32>], vector<16xf32>,
        %scatter3A_485 = arith.constant 0 : i32
        %scatter3A_486 = arith.constant 0 : i32
        %scatter3A_487 = tpu.memref_slice %arg8[%scan3A_220, %scatter3A_485, %scatter3A_486] : memref<2x8x1000xf32, #tpu.memory_space<vmem>> -> memref<1x8x1000xf32, #tpu.memory_space<vmem>>
        %scatter3A_488 = tpu.memref_squeeze %scatter3A_487 : memref<1x8x1000xf32, #tpu.memory_space<vmem>> -> memref<8x1000xf32, #tpu.memory_space<vmem>>
        tpu.vector_store_idx %scatter3A_488[%broadcast_in_dim3A_457, %get3A_341], %mul3A_446 {add = true} : memref<8x1000xf32, #tpu.memory_space<vmem>>[vector<16xi32>, vector<16xi32>], vector<16xf32>,
        %scatter3A_489 = arith.constant 0 : i32
        %scatter3A_490 = arith.constant 0 : i32
        %scatter3A_491 = tpu.memref_slice %arg8[%scan3A_220, %scatter3A_489, %scatter3A_490] : memref<2x8x1000xf32, #tpu.memory_space<vmem>> -> memref<1x8x1000xf32, #tpu.memory_space<vmem>>
        %scatter3A_492 = tpu.memref_squeeze %scatter3A_491 : memref<1x8x1000xf32, #tpu.memory_space<vmem>> -> memref<8x1000xf32, #tpu.memory_space<vmem>>
        tpu.vector_store_idx %scatter3A_492[%broadcast_in_dim3A_457, %get3A_344], %mul3A_448 {add = true} : memref<8x1000xf32, #tpu.memory_space<vmem>>[vector<16xi32>, vector<16xi32>], vector<16xf32>,
        %scatter3A_493 = arith.constant 0 : i32
        %scatter3A_494 = arith.constant 0 : i32
        %scatter3A_495 = tpu.memref_slice %arg8[%scan3A_220, %scatter3A_493, %scatter3A_494] : memref<2x8x1000xf32, #tpu.memory_space<vmem>> -> memref<1x8x1000xf32, #tpu.memory_space<vmem>>
        %scatter3A_496 = tpu.memref_squeeze %scatter3A_495 : memref<1x8x1000xf32, #tpu.memory_space<vmem>> -> memref<8x1000xf32, #tpu.memory_space<vmem>>
        tpu.vector_store_idx %scatter3A_496[%broadcast_in_dim3A_457, %get3A_347], %mul3A_450 {add = true} : memref<8x1000xf32, #tpu.memory_space<vmem>>[vector<16xi32>, vector<16xi32>], vector<16xf32>,
        %scatter3A_497 = arith.constant 0 : i32
        %scatter3A_498 = arith.constant 0 : i32
        %scatter3A_499 = tpu.memref_slice %arg8[%scan3A_220, %scatter3A_497, %scatter3A_498] : memref<2x8x1000xf32, #tpu.memory_space<vmem>> -> memref<1x8x1000xf32, #tpu.memory_space<vmem>>
        %scatter3A_500 = tpu.memref_squeeze %scatter3A_499 : memref<1x8x1000xf32, #tpu.memory_space<vmem>> -> memref<8x1000xf32, #tpu.memory_space<vmem>>
        tpu.vector_store_idx %scatter3A_500[%broadcast_in_dim3A_457, %get3A_350], %mul3A_452 {add = true} : memref<8x1000xf32, #tpu.memory_space<vmem>>[vector<16xi32>, vector<16xi32>], vector<16xf32>,
        %scatter3A_501 = arith.constant 0 : i32
        %scatter3A_502 = arith.constant 0 : i32
        %scatter3A_503 = tpu.memref_slice %arg8[%scan3A_220, %scatter3A_501, %scatter3A_502] : memref<2x8x1000xf32, #tpu.memory_space<vmem>> -> memref<1x8x1000xf32, #tpu.memory_space<vmem>>
        %scatter3A_504 = tpu.memref_squeeze %scatter3A_503 : memref<1x8x1000xf32, #tpu.memory_space<vmem>> -> memref<8x1000xf32, #tpu.memory_space<vmem>>
        tpu.vector_store_idx %scatter3A_504[%broadcast_in_dim3A_457, %get3A_353], %mul3A_454 {add = true} : memref<8x1000xf32, #tpu.memory_space<vmem>>[vector<16xi32>, vector<16xi32>], vector<16xf32>,
        %scatter3A_505 = arith.constant 0 : i32
        %scatter3A_506 = arith.constant 0 : i32
        %scatter3A_507 = tpu.memref_slice %arg8[%scan3A_220, %scatter3A_505, %scatter3A_506] : memref<2x8x1000xf32, #tpu.memory_space<vmem>> -> memref<1x8x1000xf32, #tpu.memory_space<vmem>>
        %scatter3A_508 = tpu.memref_squeeze %scatter3A_507 : memref<1x8x1000xf32, #tpu.memory_space<vmem>> -> memref<8x1000xf32, #tpu.memory_space<vmem>>
        tpu.vector_store_idx %scatter3A_508[%broadcast_in_dim3A_457, %get3A_356], %mul3A_456 masked %ge3A_12 {add = true} : memref<8x1000xf32, #tpu.memory_space<vmem>>[vector<16xi32>, vector<16xi32>], vector<16xf32>, vector<16xi1>
      }
      %scan3A_225 = arith.constant 8 : i32
      %mul3A_226 = arith.constant 8 : i32
      %mul3A_227 = arith.muli %add3A_215, %mul3A_226 : i32
      %add3A_228 = arith.addi %mul3A_2, %mul3A_227 : i32
      %dma_start3A_229 = arith.constant 0 : i32
      %dma_start3A_230 = arith.constant 0 : i32
      %dma_start3A_231 = arith.constant 0 : i32
      %dma_start3A_232 = tpu.memref_slice %arg8[%dma_start3A_229, %dma_start3A_230, %dma_start3A_231] : memref<2x8x1000xf32, #tpu.memory_space<vmem>> -> memref<1x8x1000xf32, #tpu.memory_space<vmem>>
      %dma_start3A_233 = tpu.memref_squeeze %dma_start3A_232 : memref<1x8x1000xf32, #tpu.memory_space<vmem>> -> memref<8x1000xf32, #tpu.memory_space<vmem>>
      %dma_start3A_234 = arith.constant 0 : i32
      %dma_start3A_235 = tpu.memref_slice %arg5[%add3A_228, %dma_start3A_234] : memref<4096x1000xf32, #tpu.memory_space<hbm>> -> memref<8x1000xf32, #tpu.memory_space<hbm>>
      %dma_start3A_236 = arith.constant 0 : i32
      %dma_start3A_237 = tpu.memref_slice %arg5[%add3A_228, %dma_start3A_236] : memref<4096x1000xf32, #tpu.memory_space<hbm>> -> memref<8x1000xf32, #tpu.memory_space<hbm>>
      %dma_start3A_238 = arith.constant 0 : i32
      %dma_start3A_239 = arith.constant 0 : i32
      %dma_start3A_240 = tpu.memref_slice %arg8[%dma_start3A_229, %dma_start3A_238, %dma_start3A_239] : memref<2x8x1000xf32, #tpu.memory_space<vmem>> -> memref<1x8x1000xf32, #tpu.memory_space<vmem>>
      %dma_start3A_241 = tpu.memref_squeeze %dma_start3A_240 : memref<1x8x1000xf32, #tpu.memory_space<vmem>> -> memref<8x1000xf32, #tpu.memory_space<vmem>>
      tpu.enqueue_dma source(%dma_start3A_241 : memref<8x1000xf32, #tpu.memory_space<vmem>>) target(%dma_start3A_237 : memref<8x1000xf32, #tpu.memory_space<hbm>>) target_semaphore(%arg10 : memref<!tpu.dma_semaphore, #tpu.memory_space<semaphore_mem>>)
      %add3A_242 = arith.constant 1 : i32
      %add3A_243 = arith.addi %add3A_213, %add3A_242 : i32
      %ge3A_244 = arith.constant 2 : i32
      %ge3A_245 = arith.cmpi sge, %add3A_243, %ge3A_244 : i32
      %convert_element_type3A_246 = arith.extui %ge3A_245 : i1 to i32
      %cond3A_247 = arith.constant 1 : i32
      %cond3A_248 = arith.constant 0 : i32
      %cond3A_249 = arith.cmpi ne, %convert_element_type3A_246, %cond3A_248 : i32
      scf.if %cond3A_249 {
        %sub3A = arith.constant 2 : i32
        %sub3A_272 = arith.subi %add3A_243, %sub3A : i32
        %mul3A_273 = arith.constant 8 : i32
        %mul3A_274 = arith.muli %sub3A_272, %mul3A_273 : i32
        %add3A_275 = arith.addi %mul3A_2, %mul3A_274 : i32
        %dma_wait3A_276 = arith.constant 0 : i32
        %dma_wait3A_277 = arith.constant 0 : i32
        %dma_wait3A_278 = tpu.memref_slice %arg8[%cond3A_247, %dma_wait3A_276, %dma_wait3A_277] : memref<2x8x1000xf32, #tpu.memory_space<vmem>> -> memref<1x8x1000xf32, #tpu.memory_space<vmem>>
        %dma_wait3A_279 = tpu.memref_squeeze %dma_wait3A_278 : memref<1x8x1000xf32, #tpu.memory_space<vmem>> -> memref<8x1000xf32, #tpu.memory_space<vmem>>
        %dma_wait3A_280 = arith.constant 0 : i32
        %dma_wait3A_281 = tpu.memref_slice %arg5[%add3A_275, %dma_wait3A_280] : memref<4096x1000xf32, #tpu.memory_space<hbm>> -> memref<8x1000xf32, #tpu.memory_space<hbm>>
        %dma_wait3A_282 = arith.constant 0 : i32
        %dma_wait3A_283 = tpu.memref_slice %arg5[%add3A_275, %dma_wait3A_282] : memref<4096x1000xf32, #tpu.memory_space<hbm>> -> memref<8x1000xf32, #tpu.memory_space<hbm>>
        %dma_wait3A_284 = arith.constant 0 : i32
        %dma_wait3A_285 = arith.constant 0 : i32
        %dma_wait3A_286 = tpu.memref_slice %arg8[%cond3A_247, %dma_wait3A_284, %dma_wait3A_285] : memref<2x8x1000xf32, #tpu.memory_space<vmem>> -> memref<1x8x1000xf32, #tpu.memory_space<vmem>>
        %dma_wait3A_287 = tpu.memref_squeeze %dma_wait3A_286 : memref<1x8x1000xf32, #tpu.memory_space<vmem>> -> memref<8x1000xf32, #tpu.memory_space<vmem>>
        tpu.wait_dma2 semaphore(%arg11 : memref<!tpu.dma_semaphore, #tpu.memory_space<semaphore_mem>>) src(%dma_wait3A_287 : memref<8x1000xf32, #tpu.memory_space<vmem>>) dst(%dma_wait3A_283 : memref<8x1000xf32, #tpu.memory_space<hbm>>)
        %scan3A_288 = arith.constant 0 : i32
        %scan3A_289 = arith.constant 16 : i32
        %scan3A_290 = arith.addi %scan3A_288, %scan3A_289 : i32
        %scan3A_291 = arith.constant 1 : i32
        scf.for %scan3A_357 = %scan3A_288 to %scan3A_290 step %scan3A_291  : i32 {
          %mul3A_358 = arith.constant 64 : i32
          %mul3A_359 = arith.muli %scan3A_357, %mul3A_358 : i32
          %add3A_360 = arith.constant 0 : i32
          %add3A_361 = arith.addi %add3A_360, %mul3A_359 : i32
          %add3A_362 = arith.constant 0 : i32
          %add3A_363 = arith.addi %add3A_361, %add3A_362 : i32
          %swap3A_364 = arith.constant 0 : i32
          %swap3A_365 = arith.constant 0 : i32
          %swap3A_366 = arith.constant 0 : i32
          %swap3A_367 = tpu.memref_slice %arg8[%cond3A_247, %swap3A_365, %swap3A_366] : memref<2x8x1000xf32, #tpu.memory_space<vmem>> -> memref<1x8x1000xf32, #tpu.memory_space<vmem>>
          %swap3A_368 = tpu.memref_squeeze %swap3A_367 : memref<1x8x1000xf32, #tpu.memory_space<vmem>> -> memref<8x1000xf32, #tpu.memory_space<vmem>>
          %swap3A_369 = arith.index_cast %swap3A_364 : i32 to index
          %swap3A_370 = arith.index_cast %add3A_363 : i32 to index
          %swap3A_371 = tpu.vector_load %swap3A_368[%swap3A_369, %swap3A_370] {strides = array<i32>} : memref<8x1000xf32, #tpu.memory_space<vmem>>, vector<16xf32>,
          tpu.vector_store %swap3A_368[%swap3A_369, %swap3A_370], %broadcast_in_dim3A_10 {strides = array<i32>} : memref<8x1000xf32, #tpu.memory_space<vmem>>, vector<16xf32>,
          %add3A_372 = arith.constant 16 : i32
          %add3A_373 = arith.addi %add3A_361, %add3A_372 : i32
          %swap3A_374 = arith.constant 0 : i32
          %swap3A_375 = arith.constant 0 : i32
          %swap3A_376 = arith.constant 0 : i32
          %swap3A_377 = tpu.memref_slice %arg8[%cond3A_247, %swap3A_375, %swap3A_376] : memref<2x8x1000xf32, #tpu.memory_space<vmem>> -> memref<1x8x1000xf32, #tpu.memory_space<vmem>>
          %swap3A_378 = tpu.memref_squeeze %swap3A_377 : memref<1x8x1000xf32, #tpu.memory_space<vmem>> -> memref<8x1000xf32, #tpu.memory_space<vmem>>
          %swap3A_379 = arith.index_cast %swap3A_374 : i32 to index
          %swap3A_380 = arith.index_cast %add3A_373 : i32 to index
          %swap3A_381 = tpu.vector_load %swap3A_378[%swap3A_379, %swap3A_380] {strides = array<i32>} : memref<8x1000xf32, #tpu.memory_space<vmem>>, vector<16xf32>,
          tpu.vector_store %swap3A_378[%swap3A_379, %swap3A_380], %broadcast_in_dim3A_10 {strides = array<i32>} : memref<8x1000xf32, #tpu.memory_space<vmem>>, vector<16xf32>,
          %add3A_382 = arith.constant 32 : i32
          %add3A_383 = arith.addi %add3A_361, %add3A_382 : i32
          %swap3A_384 = arith.constant 0 : i32
          %swap3A_385 = arith.constant 0 : i32
          %swap3A_386 = arith.constant 0 : i32
          %swap3A_387 = tpu.memref_slice %arg8[%cond3A_247, %swap3A_385, %swap3A_386] : memref<2x8x1000xf32, #tpu.memory_space<vmem>> -> memref<1x8x1000xf32, #tpu.memory_space<vmem>>
          %swap3A_388 = tpu.memref_squeeze %swap3A_387 : memref<1x8x1000xf32, #tpu.memory_space<vmem>> -> memref<8x1000xf32, #tpu.memory_space<vmem>>
          %swap3A_389 = arith.index_cast %swap3A_384 : i32 to index
          %swap3A_390 = arith.index_cast %add3A_383 : i32 to index
          %swap3A_391 = tpu.vector_load %swap3A_388[%swap3A_389, %swap3A_390] {strides = array<i32>} : memref<8x1000xf32, #tpu.memory_space<vmem>>, vector<16xf32>,
          tpu.vector_store %swap3A_388[%swap3A_389, %swap3A_390], %broadcast_in_dim3A_10 {strides = array<i32>} : memref<8x1000xf32, #tpu.memory_space<vmem>>, vector<16xf32>,
          %add3A_392 = arith.constant 48 : i32
          %add3A_393 = arith.addi %add3A_361, %add3A_392 : i32
          %swap3A_394 = arith.constant 0 : i32
          %swap3A_395 = arith.constant 0 : i32
          %swap3A_396 = arith.constant 0 : i32
          %swap3A_397 = tpu.memref_slice %arg8[%cond3A_247, %swap3A_395, %swap3A_396] : memref<2x8x1000xf32, #tpu.memory_space<vmem>> -> memref<1x8x1000xf32, #tpu.memory_space<vmem>>
          %swap3A_398 = tpu.memref_squeeze %swap3A_397 : memref<1x8x1000xf32, #tpu.memory_space<vmem>> -> memref<8x1000xf32, #tpu.memory_space<vmem>>
          %swap3A_399 = arith.index_cast %swap3A_394 : i32 to index
          %swap3A_400 = arith.index_cast %add3A_393 : i32 to index
          %swap3A_401 = tpu.vector_load %swap3A_398[%swap3A_399, %swap3A_400] {strides = array<i32>} : memref<8x1000xf32, #tpu.memory_space<vmem>>, vector<16xf32>,
          tpu.vector_store %swap3A_398[%swap3A_399, %swap3A_400], %broadcast_in_dim3A_10 {strides = array<i32>} : memref<8x1000xf32, #tpu.memory_space<vmem>>, vector<16xf32>,
          %add3A_402 = arith.constant 0 : i32
          %add3A_403 = arith.addi %add3A_361, %add3A_402 : i32
          %swap3A_404 = arith.constant 1 : i32
          %swap3A_405 = arith.constant 0 : i32
          %swap3A_406 = arith.constant 0 : i32
          %swap3A_407 = tpu.memref_slice %arg8[%cond3A_247, %swap3A_405, %swap3A_406] : memref<2x8x1000xf32, #tpu.memory_space<vmem>> -> memref<1x8x1000xf32, #tpu.memory_space<vmem>>
          %swap3A_408 = tpu.memref_squeeze %swap3A_407 : memref<1x8x1000xf32, #tpu.memory_space<vmem>> -> memref<8x1000xf32, #tpu.memory_space<vmem>>
          %swap3A_409 = arith.index_cast %swap3A_404 : i32 to index
          %swap3A_410 = arith.index_cast %add3A_403 : i32 to index
          %swap3A_411 = tpu.vector_load %swap3A_408[%swap3A_409, %swap3A_410] {strides = array<i32>} : memref<8x1000xf32, #tpu.memory_space<vmem>>, vector<16xf32>,
          tpu.vector_store %swap3A_408[%swap3A_409, %swap3A_410], %broadcast_in_dim3A_10 {strides = array<i32>} : memref<8x1000xf32, #tpu.memory_space<vmem>>, vector<16xf32>,
          %add3A_412 = arith.constant 16 : i32
          %add3A_413 = arith.addi %add3A_361, %add3A_412 : i32
          %swap3A_414 = arith.constant 1 : i32
          %swap3A_415 = arith.constant 0 : i32
          %swap3A_416 = arith.constant 0 : i32
          %swap3A_417 = tpu.memref_slice %arg8[%cond3A_247, %swap3A_415, %swap3A_416] : memref<2x8x1000xf32, #tpu.memory_space<vmem>> -> memref<1x8x1000xf32, #tpu.memory_space<vmem>>
          %swap3A_418 = tpu.memref_squeeze %swap3A_417 : memref<1x8x1000xf32, #tpu.memory_space<vmem>> -> memref<8x1000xf32, #tpu.memory_space<vmem>>
          %swap3A_419 = arith.index_cast %swap3A_414 : i32 to index
          %swap3A_420 = arith.index_cast %add3A_413 : i32 to index
          %swap3A_421 = tpu.vector_load %swap3A_418[%swap3A_419, %swap3A_420] {strides = array<i32>} : memref<8x1000xf32, #tpu.memory_space<vmem>>, vector<16xf32>,
          tpu.vector_store %swap3A_418[%swap3A_419, %swap3A_420], %broadcast_in_dim3A_10 {strides = array<i32>} : memref<8x1000xf32, #tpu.memory_space<vmem>>, vector<16xf32>,
          %add3A_422 = arith.constant 32 : i32
          %add3A_423 = arith.addi %add3A_361, %add3A_422 : i32
          %swap3A_424 = arith.constant 1 : i32
          %swap3A_425 = arith.constant 0 : i32
          %swap3A_426 = arith.constant 0 : i32
          %swap3A_427 = tpu.memref_slice %arg8[%cond3A_247, %swap3A_425, %swap3A_426] : memref<2x8x1000xf32, #tpu.memory_space<vmem>> -> memref<1x8x1000xf32, #tpu.memory_space<vmem>>
          %swap3A_428 = tpu.memref_squeeze %swap3A_427 : memref<1x8x1000xf32, #tpu.memory_space<vmem>> -> memref<8x1000xf32, #tpu.memory_space<vmem>>
          %swap3A_429 = arith.index_cast %swap3A_424 : i32 to index
          %swap3A_430 = arith.index_cast %add3A_423 : i32 to index
          %swap3A_431 = tpu.vector_load %swap3A_428[%swap3A_429, %swap3A_430] {strides = array<i32>} : memref<8x1000xf32, #tpu.memory_space<vmem>>, vector<16xf32>,
          tpu.vector_store %swap3A_428[%swap3A_429, %swap3A_430], %broadcast_in_dim3A_10 {strides = array<i32>} : memref<8x1000xf32, #tpu.memory_space<vmem>>, vector<16xf32>,
          %add3A_432 = arith.constant 48 : i32
          %add3A_433 = arith.addi %add3A_361, %add3A_432 : i32
          %swap3A_434 = arith.constant 1 : i32
          %swap3A_435 = arith.constant 0 : i32
          %swap3A_436 = arith.constant 0 : i32
          %swap3A_437 = tpu.memref_slice %arg8[%cond3A_247, %swap3A_435, %swap3A_436] : memref<2x8x1000xf32, #tpu.memory_space<vmem>> -> memref<1x8x1000xf32, #tpu.memory_space<vmem>>
          %swap3A_438 = tpu.memref_squeeze %swap3A_437 : memref<1x8x1000xf32, #tpu.memory_space<vmem>> -> memref<8x1000xf32, #tpu.memory_space<vmem>>
          %swap3A_439 = arith.index_cast %swap3A_434 : i32 to index
          %swap3A_440 = arith.index_cast %add3A_433 : i32 to index
          %swap3A_441 = tpu.vector_load %swap3A_438[%swap3A_439, %swap3A_440] {strides = array<i32>} : memref<8x1000xf32, #tpu.memory_space<vmem>>, vector<16xf32>,
          tpu.vector_store %swap3A_438[%swap3A_439, %swap3A_440], %broadcast_in_dim3A_10 {strides = array<i32>} : memref<8x1000xf32, #tpu.memory_space<vmem>>, vector<16xf32>,
          %add3A_442 = arith.constant 0 : i32
          %add3A_443 = arith.addi %add3A_361, %add3A_442 : i32
          %swap3A_444 = arith.constant 2 : i32
          %swap3A_445 = arith.constant 0 : i32
          %swap3A_446 = arith.constant 0 : i32
          %swap3A_447 = tpu.memref_slice %arg8[%cond3A_247, %swap3A_445, %swap3A_446] : memref<2x8x1000xf32, #tpu.memory_space<vmem>> -> memref<1x8x1000xf32, #tpu.memory_space<vmem>>
          %swap3A_448 = tpu.memref_squeeze %swap3A_447 : memref<1x8x1000xf32, #tpu.memory_space<vmem>> -> memref<8x1000xf32, #tpu.memory_space<vmem>>
          %swap3A_449 = arith.index_cast %swap3A_444 : i32 to index
          %swap3A_450 = arith.index_cast %add3A_443 : i32 to index
          %swap3A_451 = tpu.vector_load %swap3A_448[%swap3A_449, %swap3A_450] {strides = array<i32>} : memref<8x1000xf32, #tpu.memory_space<vmem>>, vector<16xf32>,
          tpu.vector_store %swap3A_448[%swap3A_449, %swap3A_450], %broadcast_in_dim3A_10 {strides = array<i32>} : memref<8x1000xf32, #tpu.memory_space<vmem>>, vector<16xf32>,
          %add3A_452 = arith.constant 16 : i32
          %add3A_453 = arith.addi %add3A_361, %add3A_452 : i32
          %swap3A_454 = arith.constant 2 : i32
          %swap3A_455 = arith.constant 0 : i32
          %swap3A_456 = arith.constant 0 : i32
          %swap3A_457 = tpu.memref_slice %arg8[%cond3A_247, %swap3A_455, %swap3A_456] : memref<2x8x1000xf32, #tpu.memory_space<vmem>> -> memref<1x8x1000xf32, #tpu.memory_space<vmem>>
          %swap3A_458 = tpu.memref_squeeze %swap3A_457 : memref<1x8x1000xf32, #tpu.memory_space<vmem>> -> memref<8x1000xf32, #tpu.memory_space<vmem>>
          %swap3A_459 = arith.index_cast %swap3A_454 : i32 to index
          %swap3A_460 = arith.index_cast %add3A_453 : i32 to index
          %swap3A_461 = tpu.vector_load %swap3A_458[%swap3A_459, %swap3A_460] {strides = array<i32>} : memref<8x1000xf32, #tpu.memory_space<vmem>>, vector<16xf32>,
          tpu.vector_store %swap3A_458[%swap3A_459, %swap3A_460], %broadcast_in_dim3A_10 {strides = array<i32>} : memref<8x1000xf32, #tpu.memory_space<vmem>>, vector<16xf32>,
          %add3A_462 = arith.constant 32 : i32
          %add3A_463 = arith.addi %add3A_361, %add3A_462 : i32
          %swap3A_464 = arith.constant 2 : i32
          %swap3A_465 = arith.constant 0 : i32
          %swap3A_466 = arith.constant 0 : i32
          %swap3A_467 = tpu.memref_slice %arg8[%cond3A_247, %swap3A_465, %swap3A_466] : memref<2x8x1000xf32, #tpu.memory_space<vmem>> -> memref<1x8x1000xf32, #tpu.memory_space<vmem>>
          %swap3A_468 = tpu.memref_squeeze %swap3A_467 : memref<1x8x1000xf32, #tpu.memory_space<vmem>> -> memref<8x1000xf32, #tpu.memory_space<vmem>>
          %swap3A_469 = arith.index_cast %swap3A_464 : i32 to index
          %swap3A_470 = arith.index_cast %add3A_463 : i32 to index
          %swap3A_471 = tpu.vector_load %swap3A_468[%swap3A_469, %swap3A_470] {strides = array<i32>} : memref<8x1000xf32, #tpu.memory_space<vmem>>, vector<16xf32>,
          tpu.vector_store %swap3A_468[%swap3A_469, %swap3A_470], %broadcast_in_dim3A_10 {strides = array<i32>} : memref<8x1000xf32, #tpu.memory_space<vmem>>, vector<16xf32>,
          %add3A_472 = arith.constant 48 : i32
          %add3A_473 = arith.addi %add3A_361, %add3A_472 : i32
          %swap3A_474 = arith.constant 2 : i32
          %swap3A_475 = arith.constant 0 : i32
          %swap3A_476 = arith.constant 0 : i32
          %swap3A_477 = tpu.memref_slice %arg8[%cond3A_247, %swap3A_475, %swap3A_476] : memref<2x8x1000xf32, #tpu.memory_space<vmem>> -> memref<1x8x1000xf32, #tpu.memory_space<vmem>>
          %swap3A_478 = tpu.memref_squeeze %swap3A_477 : memref<1x8x1000xf32, #tpu.memory_space<vmem>> -> memref<8x1000xf32, #tpu.memory_space<vmem>>
          %swap3A_479 = arith.index_cast %swap3A_474 : i32 to index
          %swap3A_480 = arith.index_cast %add3A_473 : i32 to index
          %swap3A_481 = tpu.vector_load %swap3A_478[%swap3A_479, %swap3A_480] {strides = array<i32>} : memref<8x1000xf32, #tpu.memory_space<vmem>>, vector<16xf32>,
          tpu.vector_store %swap3A_478[%swap3A_479, %swap3A_480], %broadcast_in_dim3A_10 {strides = array<i32>} : memref<8x1000xf32, #tpu.memory_space<vmem>>, vector<16xf32>,
          %add3A_482 = arith.constant 0 : i32
          %add3A_483 = arith.addi %add3A_361, %add3A_482 : i32
          %swap3A_484 = arith.constant 3 : i32
          %swap3A_485 = arith.constant 0 : i32
          %swap3A_486 = arith.constant 0 : i32
          %swap3A_487 = tpu.memref_slice %arg8[%cond3A_247, %swap3A_485, %swap3A_486] : memref<2x8x1000xf32, #tpu.memory_space<vmem>> -> memref<1x8x1000xf32, #tpu.memory_space<vmem>>
          %swap3A_488 = tpu.memref_squeeze %swap3A_487 : memref<1x8x1000xf32, #tpu.memory_space<vmem>> -> memref<8x1000xf32, #tpu.memory_space<vmem>>
          %swap3A_489 = arith.index_cast %swap3A_484 : i32 to index
          %swap3A_490 = arith.index_cast %add3A_483 : i32 to index
          %swap3A_491 = tpu.vector_load %swap3A_488[%swap3A_489, %swap3A_490] {strides = array<i32>} : memref<8x1000xf32, #tpu.memory_space<vmem>>, vector<16xf32>,
          tpu.vector_store %swap3A_488[%swap3A_489, %swap3A_490], %broadcast_in_dim3A_10 {strides = array<i32>} : memref<8x1000xf32, #tpu.memory_space<vmem>>, vector<16xf32>,
          %add3A_492 = arith.constant 16 : i32
          %add3A_493 = arith.addi %add3A_361, %add3A_492 : i32
          %swap3A_494 = arith.constant 3 : i32
          %swap3A_495 = arith.constant 0 : i32
          %swap3A_496 = arith.constant 0 : i32
          %swap3A_497 = tpu.memref_slice %arg8[%cond3A_247, %swap3A_495, %swap3A_496] : memref<2x8x1000xf32, #tpu.memory_space<vmem>> -> memref<1x8x1000xf32, #tpu.memory_space<vmem>>
          %swap3A_498 = tpu.memref_squeeze %swap3A_497 : memref<1x8x1000xf32, #tpu.memory_space<vmem>> -> memref<8x1000xf32, #tpu.memory_space<vmem>>
          %swap3A_499 = arith.index_cast %swap3A_494 : i32 to index
          %swap3A_500 = arith.index_cast %add3A_493 : i32 to index
          %swap3A_501 = tpu.vector_load %swap3A_498[%swap3A_499, %swap3A_500] {strides = array<i32>} : memref<8x1000xf32, #tpu.memory_space<vmem>>, vector<16xf32>,
          tpu.vector_store %swap3A_498[%swap3A_499, %swap3A_500], %broadcast_in_dim3A_10 {strides = array<i32>} : memref<8x1000xf32, #tpu.memory_space<vmem>>, vector<16xf32>,
          %add3A_502 = arith.constant 32 : i32
          %add3A_503 = arith.addi %add3A_361, %add3A_502 : i32
          %swap3A_504 = arith.constant 3 : i32
          %swap3A_505 = arith.constant 0 : i32
          %swap3A_506 = arith.constant 0 : i32
          %swap3A_507 = tpu.memref_slice %arg8[%cond3A_247, %swap3A_505, %swap3A_506] : memref<2x8x1000xf32, #tpu.memory_space<vmem>> -> memref<1x8x1000xf32, #tpu.memory_space<vmem>>
          %swap3A_508 = tpu.memref_squeeze %swap3A_507 : memref<1x8x1000xf32, #tpu.memory_space<vmem>> -> memref<8x1000xf32, #tpu.memory_space<vmem>>
          %swap3A_509 = arith.index_cast %swap3A_504 : i32 to index
          %swap3A_510 = arith.index_cast %add3A_503 : i32 to index
          %swap3A_511 = tpu.vector_load %swap3A_508[%swap3A_509, %swap3A_510] {strides = array<i32>} : memref<8x1000xf32, #tpu.memory_space<vmem>>, vector<16xf32>,
          tpu.vector_store %swap3A_508[%swap3A_509, %swap3A_510], %broadcast_in_dim3A_10 {strides = array<i32>} : memref<8x1000xf32, #tpu.memory_space<vmem>>, vector<16xf32>,
          %add3A_512 = arith.constant 48 : i32
          %add3A_513 = arith.addi %add3A_361, %add3A_512 : i32
          %swap3A_514 = arith.constant 3 : i32
          %swap3A_515 = arith.constant 0 : i32
          %swap3A_516 = arith.constant 0 : i32
          %swap3A_517 = tpu.memref_slice %arg8[%cond3A_247, %swap3A_515, %swap3A_516] : memref<2x8x1000xf32, #tpu.memory_space<vmem>> -> memref<1x8x1000xf32, #tpu.memory_space<vmem>>
          %swap3A_518 = tpu.memref_squeeze %swap3A_517 : memref<1x8x1000xf32, #tpu.memory_space<vmem>> -> memref<8x1000xf32, #tpu.memory_space<vmem>>
          %swap3A_519 = arith.index_cast %swap3A_514 : i32 to index
          %swap3A_520 = arith.index_cast %add3A_513 : i32 to index
          %swap3A_521 = tpu.vector_load %swap3A_518[%swap3A_519, %swap3A_520] {strides = array<i32>} : memref<8x1000xf32, #tpu.memory_space<vmem>>, vector<16xf32>,
          tpu.vector_store %swap3A_518[%swap3A_519, %swap3A_520], %broadcast_in_dim3A_10 {strides = array<i32>} : memref<8x1000xf32, #tpu.memory_space<vmem>>, vector<16xf32>,
          %add3A_522 = arith.constant 0 : i32
          %add3A_523 = arith.addi %add3A_361, %add3A_522 : i32
          %swap3A_524 = arith.constant 4 : i32
          %swap3A_525 = arith.constant 0 : i32
          %swap3A_526 = arith.constant 0 : i32
          %swap3A_527 = tpu.memref_slice %arg8[%cond3A_247, %swap3A_525, %swap3A_526] : memref<2x8x1000xf32, #tpu.memory_space<vmem>> -> memref<1x8x1000xf32, #tpu.memory_space<vmem>>
          %swap3A_528 = tpu.memref_squeeze %swap3A_527 : memref<1x8x1000xf32, #tpu.memory_space<vmem>> -> memref<8x1000xf32, #tpu.memory_space<vmem>>
          %swap3A_529 = arith.index_cast %swap3A_524 : i32 to index
          %swap3A_530 = arith.index_cast %add3A_523 : i32 to index
          %swap3A_531 = tpu.vector_load %swap3A_528[%swap3A_529, %swap3A_530] {strides = array<i32>} : memref<8x1000xf32, #tpu.memory_space<vmem>>, vector<16xf32>,
          tpu.vector_store %swap3A_528[%swap3A_529, %swap3A_530], %broadcast_in_dim3A_10 {strides = array<i32>} : memref<8x1000xf32, #tpu.memory_space<vmem>>, vector<16xf32>,
          %add3A_532 = arith.constant 16 : i32
          %add3A_533 = arith.addi %add3A_361, %add3A_532 : i32
          %swap3A_534 = arith.constant 4 : i32
          %swap3A_535 = arith.constant 0 : i32
          %swap3A_536 = arith.constant 0 : i32
          %swap3A_537 = tpu.memref_slice %arg8[%cond3A_247, %swap3A_535, %swap3A_536] : memref<2x8x1000xf32, #tpu.memory_space<vmem>> -> memref<1x8x1000xf32, #tpu.memory_space<vmem>>
          %swap3A_538 = tpu.memref_squeeze %swap3A_537 : memref<1x8x1000xf32, #tpu.memory_space<vmem>> -> memref<8x1000xf32, #tpu.memory_space<vmem>>
          %swap3A_539 = arith.index_cast %swap3A_534 : i32 to index
          %swap3A_540 = arith.index_cast %add3A_533 : i32 to index
          %swap3A_541 = tpu.vector_load %swap3A_538[%swap3A_539, %swap3A_540] {strides = array<i32>} : memref<8x1000xf32, #tpu.memory_space<vmem>>, vector<16xf32>,
          tpu.vector_store %swap3A_538[%swap3A_539, %swap3A_540], %broadcast_in_dim3A_10 {strides = array<i32>} : memref<8x1000xf32, #tpu.memory_space<vmem>>, vector<16xf32>,
          %add3A_542 = arith.constant 32 : i32
          %add3A_543 = arith.addi %add3A_361, %add3A_542 : i32
          %swap3A_544 = arith.constant 4 : i32
          %swap3A_545 = arith.constant 0 : i32
          %swap3A_546 = arith.constant 0 : i32
          %swap3A_547 = tpu.memref_slice %arg8[%cond3A_247, %swap3A_545, %swap3A_546] : memref<2x8x1000xf32, #tpu.memory_space<vmem>> -> memref<1x8x1000xf32, #tpu.memory_space<vmem>>
          %swap3A_548 = tpu.memref_squeeze %swap3A_547 : memref<1x8x1000xf32, #tpu.memory_space<vmem>> -> memref<8x1000xf32, #tpu.memory_space<vmem>>
          %swap3A_549 = arith.index_cast %swap3A_544 : i32 to index
          %swap3A_550 = arith.index_cast %add3A_543 : i32 to index
          %swap3A_551 = tpu.vector_load %swap3A_548[%swap3A_549, %swap3A_550] {strides = array<i32>} : memref<8x1000xf32, #tpu.memory_space<vmem>>, vector<16xf32>,
          tpu.vector_store %swap3A_548[%swap3A_549, %swap3A_550], %broadcast_in_dim3A_10 {strides = array<i32>} : memref<8x1000xf32, #tpu.memory_space<vmem>>, vector<16xf32>,
          %add3A_552 = arith.constant 48 : i32
          %add3A_553 = arith.addi %add3A_361, %add3A_552 : i32
          %swap3A_554 = arith.constant 4 : i32
          %swap3A_555 = arith.constant 0 : i32
          %swap3A_556 = arith.constant 0 : i32
          %swap3A_557 = tpu.memref_slice %arg8[%cond3A_247, %swap3A_555, %swap3A_556] : memref<2x8x1000xf32, #tpu.memory_space<vmem>> -> memref<1x8x1000xf32, #tpu.memory_space<vmem>>
          %swap3A_558 = tpu.memref_squeeze %swap3A_557 : memref<1x8x1000xf32, #tpu.memory_space<vmem>> -> memref<8x1000xf32, #tpu.memory_space<vmem>>
          %swap3A_559 = arith.index_cast %swap3A_554 : i32 to index
          %swap3A_560 = arith.index_cast %add3A_553 : i32 to index
          %swap3A_561 = tpu.vector_load %swap3A_558[%swap3A_559, %swap3A_560] {strides = array<i32>} : memref<8x1000xf32, #tpu.memory_space<vmem>>, vector<16xf32>,
          tpu.vector_store %swap3A_558[%swap3A_559, %swap3A_560], %broadcast_in_dim3A_10 {strides = array<i32>} : memref<8x1000xf32, #tpu.memory_space<vmem>>, vector<16xf32>,
          %add3A_562 = arith.constant 0 : i32
          %add3A_563 = arith.addi %add3A_361, %add3A_562 : i32
          %swap3A_564 = arith.constant 5 : i32
          %swap3A_565 = arith.constant 0 : i32
          %swap3A_566 = arith.constant 0 : i32
          %swap3A_567 = tpu.memref_slice %arg8[%cond3A_247, %swap3A_565, %swap3A_566] : memref<2x8x1000xf32, #tpu.memory_space<vmem>> -> memref<1x8x1000xf32, #tpu.memory_space<vmem>>
          %swap3A_568 = tpu.memref_squeeze %swap3A_567 : memref<1x8x1000xf32, #tpu.memory_space<vmem>> -> memref<8x1000xf32, #tpu.memory_space<vmem>>
          %swap3A_569 = arith.index_cast %swap3A_564 : i32 to index
          %swap3A_570 = arith.index_cast %add3A_563 : i32 to index
          %swap3A_571 = tpu.vector_load %swap3A_568[%swap3A_569, %swap3A_570] {strides = array<i32>} : memref<8x1000xf32, #tpu.memory_space<vmem>>, vector<16xf32>,
          tpu.vector_store %swap3A_568[%swap3A_569, %swap3A_570], %broadcast_in_dim3A_10 {strides = array<i32>} : memref<8x1000xf32, #tpu.memory_space<vmem>>, vector<16xf32>,
          %add3A_572 = arith.constant 16 : i32
          %add3A_573 = arith.addi %add3A_361, %add3A_572 : i32
          %swap3A_574 = arith.constant 5 : i32
          %swap3A_575 = arith.constant 0 : i32
          %swap3A_576 = arith.constant 0 : i32
          %swap3A_577 = tpu.memref_slice %arg8[%cond3A_247, %swap3A_575, %swap3A_576] : memref<2x8x1000xf32, #tpu.memory_space<vmem>> -> memref<1x8x1000xf32, #tpu.memory_space<vmem>>
          %swap3A_578 = tpu.memref_squeeze %swap3A_577 : memref<1x8x1000xf32, #tpu.memory_space<vmem>> -> memref<8x1000xf32, #tpu.memory_space<vmem>>
          %swap3A_579 = arith.index_cast %swap3A_574 : i32 to index
          %swap3A_580 = arith.index_cast %add3A_573 : i32 to index
          %swap3A_581 = tpu.vector_load %swap3A_578[%swap3A_579, %swap3A_580] {strides = array<i32>} : memref<8x1000xf32, #tpu.memory_space<vmem>>, vector<16xf32>,
          tpu.vector_store %swap3A_578[%swap3A_579, %swap3A_580], %broadcast_in_dim3A_10 {strides = array<i32>} : memref<8x1000xf32, #tpu.memory_space<vmem>>, vector<16xf32>,
          %add3A_582 = arith.constant 32 : i32
          %add3A_583 = arith.addi %add3A_361, %add3A_582 : i32
          %swap3A_584 = arith.constant 5 : i32
          %swap3A_585 = arith.constant 0 : i32
          %swap3A_586 = arith.constant 0 : i32
          %swap3A_587 = tpu.memref_slice %arg8[%cond3A_247, %swap3A_585, %swap3A_586] : memref<2x8x1000xf32, #tpu.memory_space<vmem>> -> memref<1x8x1000xf32, #tpu.memory_space<vmem>>
          %swap3A_588 = tpu.memref_squeeze %swap3A_587 : memref<1x8x1000xf32, #tpu.memory_space<vmem>> -> memref<8x1000xf32, #tpu.memory_space<vmem>>
          %swap3A_589 = arith.index_cast %swap3A_584 : i32 to index
          %swap3A_590 = arith.index_cast %add3A_583 : i32 to index
          %swap3A_591 = tpu.vector_load %swap3A_588[%swap3A_589, %swap3A_590] {strides = array<i32>} : memref<8x1000xf32, #tpu.memory_space<vmem>>, vector<16xf32>,
          tpu.vector_store %swap3A_588[%swap3A_589, %swap3A_590], %broadcast_in_dim3A_10 {strides = array<i32>} : memref<8x1000xf32, #tpu.memory_space<vmem>>, vector<16xf32>,
          %add3A_592 = arith.constant 48 : i32
          %add3A_593 = arith.addi %add3A_361, %add3A_592 : i32
          %swap3A_594 = arith.constant 5 : i32
          %swap3A_595 = arith.constant 0 : i32
          %swap3A_596 = arith.constant 0 : i32
          %swap3A_597 = tpu.memref_slice %arg8[%cond3A_247, %swap3A_595, %swap3A_596] : memref<2x8x1000xf32, #tpu.memory_space<vmem>> -> memref<1x8x1000xf32, #tpu.memory_space<vmem>>
          %swap3A_598 = tpu.memref_squeeze %swap3A_597 : memref<1x8x1000xf32, #tpu.memory_space<vmem>> -> memref<8x1000xf32, #tpu.memory_space<vmem>>
          %swap3A_599 = arith.index_cast %swap3A_594 : i32 to index
          %swap3A_600 = arith.index_cast %add3A_593 : i32 to index
          %swap3A_601 = tpu.vector_load %swap3A_598[%swap3A_599, %swap3A_600] {strides = array<i32>} : memref<8x1000xf32, #tpu.memory_space<vmem>>, vector<16xf32>,
          tpu.vector_store %swap3A_598[%swap3A_599, %swap3A_600], %broadcast_in_dim3A_10 {strides = array<i32>} : memref<8x1000xf32, #tpu.memory_space<vmem>>, vector<16xf32>,
          %add3A_602 = arith.constant 0 : i32
          %add3A_603 = arith.addi %add3A_361, %add3A_602 : i32
          %swap3A_604 = arith.constant 6 : i32
          %swap3A_605 = arith.constant 0 : i32
          %swap3A_606 = arith.constant 0 : i32
          %swap3A_607 = tpu.memref_slice %arg8[%cond3A_247, %swap3A_605, %swap3A_606] : memref<2x8x1000xf32, #tpu.memory_space<vmem>> -> memref<1x8x1000xf32, #tpu.memory_space<vmem>>
          %swap3A_608 = tpu.memref_squeeze %swap3A_607 : memref<1x8x1000xf32, #tpu.memory_space<vmem>> -> memref<8x1000xf32, #tpu.memory_space<vmem>>
          %swap3A_609 = arith.index_cast %swap3A_604 : i32 to index
          %swap3A_610 = arith.index_cast %add3A_603 : i32 to index
          %swap3A_611 = tpu.vector_load %swap3A_608[%swap3A_609, %swap3A_610] {strides = array<i32>} : memref<8x1000xf32, #tpu.memory_space<vmem>>, vector<16xf32>,
          tpu.vector_store %swap3A_608[%swap3A_609, %swap3A_610], %broadcast_in_dim3A_10 {strides = array<i32>} : memref<8x1000xf32, #tpu.memory_space<vmem>>, vector<16xf32>,
          %add3A_612 = arith.constant 16 : i32
          %add3A_613 = arith.addi %add3A_361, %add3A_612 : i32
          %swap3A_614 = arith.constant 6 : i32
          %swap3A_615 = arith.constant 0 : i32
          %swap3A_616 = arith.constant 0 : i32
          %swap3A_617 = tpu.memref_slice %arg8[%cond3A_247, %swap3A_615, %swap3A_616] : memref<2x8x1000xf32, #tpu.memory_space<vmem>> -> memref<1x8x1000xf32, #tpu.memory_space<vmem>>
          %swap3A_618 = tpu.memref_squeeze %swap3A_617 : memref<1x8x1000xf32, #tpu.memory_space<vmem>> -> memref<8x1000xf32, #tpu.memory_space<vmem>>
          %swap3A_619 = arith.index_cast %swap3A_614 : i32 to index
          %swap3A_620 = arith.index_cast %add3A_613 : i32 to index
          %swap3A_621 = tpu.vector_load %swap3A_618[%swap3A_619, %swap3A_620] {strides = array<i32>} : memref<8x1000xf32, #tpu.memory_space<vmem>>, vector<16xf32>,
          tpu.vector_store %swap3A_618[%swap3A_619, %swap3A_620], %broadcast_in_dim3A_10 {strides = array<i32>} : memref<8x1000xf32, #tpu.memory_space<vmem>>, vector<16xf32>,
          %add3A_622 = arith.constant 32 : i32
          %add3A_623 = arith.addi %add3A_361, %add3A_622 : i32
          %swap3A_624 = arith.constant 6 : i32
          %swap3A_625 = arith.constant 0 : i32
          %swap3A_626 = arith.constant 0 : i32
          %swap3A_627 = tpu.memref_slice %arg8[%cond3A_247, %swap3A_625, %swap3A_626] : memref<2x8x1000xf32, #tpu.memory_space<vmem>> -> memref<1x8x1000xf32, #tpu.memory_space<vmem>>
          %swap3A_628 = tpu.memref_squeeze %swap3A_627 : memref<1x8x1000xf32, #tpu.memory_space<vmem>> -> memref<8x1000xf32, #tpu.memory_space<vmem>>
          %swap3A_629 = arith.index_cast %swap3A_624 : i32 to index
          %swap3A_630 = arith.index_cast %add3A_623 : i32 to index
          %swap3A_631 = tpu.vector_load %swap3A_628[%swap3A_629, %swap3A_630] {strides = array<i32>} : memref<8x1000xf32, #tpu.memory_space<vmem>>, vector<16xf32>,
          tpu.vector_store %swap3A_628[%swap3A_629, %swap3A_630], %broadcast_in_dim3A_10 {strides = array<i32>} : memref<8x1000xf32, #tpu.memory_space<vmem>>, vector<16xf32>,
          %add3A_632 = arith.constant 48 : i32
          %add3A_633 = arith.addi %add3A_361, %add3A_632 : i32
          %swap3A_634 = arith.constant 6 : i32
          %swap3A_635 = arith.constant 0 : i32
          %swap3A_636 = arith.constant 0 : i32
          %swap3A_637 = tpu.memref_slice %arg8[%cond3A_247, %swap3A_635, %swap3A_636] : memref<2x8x1000xf32, #tpu.memory_space<vmem>> -> memref<1x8x1000xf32, #tpu.memory_space<vmem>>
          %swap3A_638 = tpu.memref_squeeze %swap3A_637 : memref<1x8x1000xf32, #tpu.memory_space<vmem>> -> memref<8x1000xf32, #tpu.memory_space<vmem>>
          %swap3A_639 = arith.index_cast %swap3A_634 : i32 to index
          %swap3A_640 = arith.index_cast %add3A_633 : i32 to index
          %swap3A_641 = tpu.vector_load %swap3A_638[%swap3A_639, %swap3A_640] {strides = array<i32>} : memref<8x1000xf32, #tpu.memory_space<vmem>>, vector<16xf32>,
          tpu.vector_store %swap3A_638[%swap3A_639, %swap3A_640], %broadcast_in_dim3A_10 {strides = array<i32>} : memref<8x1000xf32, #tpu.memory_space<vmem>>, vector<16xf32>,
          %add3A_642 = arith.constant 0 : i32
          %add3A_643 = arith.addi %add3A_361, %add3A_642 : i32
          %swap3A_644 = arith.constant 7 : i32
          %swap3A_645 = arith.constant 0 : i32
          %swap3A_646 = arith.constant 0 : i32
          %swap3A_647 = tpu.memref_slice %arg8[%cond3A_247, %swap3A_645, %swap3A_646] : memref<2x8x1000xf32, #tpu.memory_space<vmem>> -> memref<1x8x1000xf32, #tpu.memory_space<vmem>>
          %swap3A_648 = tpu.memref_squeeze %swap3A_647 : memref<1x8x1000xf32, #tpu.memory_space<vmem>> -> memref<8x1000xf32, #tpu.memory_space<vmem>>
          %swap3A_649 = arith.index_cast %swap3A_644 : i32 to index
          %swap3A_650 = arith.index_cast %add3A_643 : i32 to index
          %swap3A_651 = tpu.vector_load %swap3A_648[%swap3A_649, %swap3A_650] {strides = array<i32>} : memref<8x1000xf32, #tpu.memory_space<vmem>>, vector<16xf32>,
          tpu.vector_store %swap3A_648[%swap3A_649, %swap3A_650], %broadcast_in_dim3A_10 {strides = array<i32>} : memref<8x1000xf32, #tpu.memory_space<vmem>>, vector<16xf32>,
          %add3A_652 = arith.constant 16 : i32
          %add3A_653 = arith.addi %add3A_361, %add3A_652 : i32
          %swap3A_654 = arith.constant 7 : i32
          %swap3A_655 = arith.constant 0 : i32
          %swap3A_656 = arith.constant 0 : i32
          %swap3A_657 = tpu.memref_slice %arg8[%cond3A_247, %swap3A_655, %swap3A_656] : memref<2x8x1000xf32, #tpu.memory_space<vmem>> -> memref<1x8x1000xf32, #tpu.memory_space<vmem>>
          %swap3A_658 = tpu.memref_squeeze %swap3A_657 : memref<1x8x1000xf32, #tpu.memory_space<vmem>> -> memref<8x1000xf32, #tpu.memory_space<vmem>>
          %swap3A_659 = arith.index_cast %swap3A_654 : i32 to index
          %swap3A_660 = arith.index_cast %add3A_653 : i32 to index
          %swap3A_661 = tpu.vector_load %swap3A_658[%swap3A_659, %swap3A_660] {strides = array<i32>} : memref<8x1000xf32, #tpu.memory_space<vmem>>, vector<16xf32>,
          tpu.vector_store %swap3A_658[%swap3A_659, %swap3A_660], %broadcast_in_dim3A_10 {strides = array<i32>} : memref<8x1000xf32, #tpu.memory_space<vmem>>, vector<16xf32>,
          %add3A_662 = arith.constant 32 : i32
          %add3A_663 = arith.addi %add3A_361, %add3A_662 : i32
          %swap3A_664 = arith.constant 7 : i32
          %swap3A_665 = arith.constant 0 : i32
          %swap3A_666 = arith.constant 0 : i32
          %swap3A_667 = tpu.memref_slice %arg8[%cond3A_247, %swap3A_665, %swap3A_666] : memref<2x8x1000xf32, #tpu.memory_space<vmem>> -> memref<1x8x1000xf32, #tpu.memory_space<vmem>>
          %swap3A_668 = tpu.memref_squeeze %swap3A_667 : memref<1x8x1000xf32, #tpu.memory_space<vmem>> -> memref<8x1000xf32, #tpu.memory_space<vmem>>
          %swap3A_669 = arith.index_cast %swap3A_664 : i32 to index
          %swap3A_670 = arith.index_cast %add3A_663 : i32 to index
          %swap3A_671 = tpu.vector_load %swap3A_668[%swap3A_669, %swap3A_670] {strides = array<i32>} : memref<8x1000xf32, #tpu.memory_space<vmem>>, vector<16xf32>,
          tpu.vector_store %swap3A_668[%swap3A_669, %swap3A_670], %broadcast_in_dim3A_10 {strides = array<i32>} : memref<8x1000xf32, #tpu.memory_space<vmem>>, vector<16xf32>,
          %add3A_672 = arith.constant 48 : i32
          %add3A_673 = arith.addi %add3A_361, %add3A_672 : i32
          %swap3A_674 = arith.constant 7 : i32
          %swap3A_675 = arith.constant 0 : i32
          %swap3A_676 = arith.constant 0 : i32
          %swap3A_677 = tpu.memref_slice %arg8[%cond3A_247, %swap3A_675, %swap3A_676] : memref<2x8x1000xf32, #tpu.memory_space<vmem>> -> memref<1x8x1000xf32, #tpu.memory_space<vmem>>
          %swap3A_678 = tpu.memref_squeeze %swap3A_677 : memref<1x8x1000xf32, #tpu.memory_space<vmem>> -> memref<8x1000xf32, #tpu.memory_space<vmem>>
          %swap3A_679 = arith.index_cast %swap3A_674 : i32 to index
          %swap3A_680 = arith.index_cast %add3A_673 : i32 to index
          %swap3A_681 = tpu.vector_load %swap3A_678[%swap3A_679, %swap3A_680] {strides = array<i32>} : memref<8x1000xf32, #tpu.memory_space<vmem>>, vector<16xf32>,
          tpu.vector_store %swap3A_678[%swap3A_679, %swap3A_680], %broadcast_in_dim3A_10 {strides = array<i32>} : memref<8x1000xf32, #tpu.memory_space<vmem>>, vector<16xf32>,
        }
        %scan3A_292 = arith.constant 16 : i32
        %swap3A_293 = arith.constant 0 : i32
        %swap3A_294 = arith.constant 0 : i32
        %swap3A_295 = arith.constant 0 : i32
        %swap3A_296 = tpu.memref_slice %arg8[%cond3A_247, %swap3A_294, %swap3A_295] : memref<2x8x1000xf32, #tpu.memory_space<vmem>> -> memref<1x8x1000xf32, #tpu.memory_space<vmem>>
        %swap3A_297 = tpu.memref_squeeze %swap3A_296 : memref<1x8x1000xf32, #tpu.memory_space<vmem>> -> memref<8x1000xf32, #tpu.memory_space<vmem>>
        %swap3A_298 = arith.index_cast %swap3A_293 : i32 to index
        %swap3A_299 = arith.constant 984 : index
        %swap3A_300 = tpu.vector_load %swap3A_297[%swap3A_298, %swap3A_299] {strides = array<i32>} : memref<8x1000xf32, #tpu.memory_space<vmem>>, vector<16xf32>,
        tpu.vector_store %swap3A_297[%swap3A_298, %swap3A_299], %broadcast_in_dim3A_10 {strides = array<i32>} : memref<8x1000xf32, #tpu.memory_space<vmem>>, vector<16xf32>,
        %swap3A_301 = arith.constant 1 : i32
        %swap3A_302 = arith.constant 0 : i32
        %swap3A_303 = arith.constant 0 : i32
        %swap3A_304 = tpu.memref_slice %arg8[%cond3A_247, %swap3A_302, %swap3A_303] : memref<2x8x1000xf32, #tpu.memory_space<vmem>> -> memref<1x8x1000xf32, #tpu.memory_space<vmem>>
        %swap3A_305 = tpu.memref_squeeze %swap3A_304 : memref<1x8x1000xf32, #tpu.memory_space<vmem>> -> memref<8x1000xf32, #tpu.memory_space<vmem>>
        %swap3A_306 = arith.index_cast %swap3A_301 : i32 to index
        %swap3A_307 = arith.constant 984 : index
        %swap3A_308 = tpu.vector_load %swap3A_305[%swap3A_306, %swap3A_307] {strides = array<i32>} : memref<8x1000xf32, #tpu.memory_space<vmem>>, vector<16xf32>,
        tpu.vector_store %swap3A_305[%swap3A_306, %swap3A_307], %broadcast_in_dim3A_10 {strides = array<i32>} : memref<8x1000xf32, #tpu.memory_space<vmem>>, vector<16xf32>,
        %swap3A_309 = arith.constant 2 : i32
        %swap3A_310 = arith.constant 0 : i32
        %swap3A_311 = arith.constant 0 : i32
        %swap3A_312 = tpu.memref_slice %arg8[%cond3A_247, %swap3A_310, %swap3A_311] : memref<2x8x1000xf32, #tpu.memory_space<vmem>> -> memref<1x8x1000xf32, #tpu.memory_space<vmem>>
        %swap3A_313 = tpu.memref_squeeze %swap3A_312 : memref<1x8x1000xf32, #tpu.memory_space<vmem>> -> memref<8x1000xf32, #tpu.memory_space<vmem>>
        %swap3A_314 = arith.index_cast %swap3A_309 : i32 to index
        %swap3A_315 = arith.constant 984 : index
        %swap3A_316 = tpu.vector_load %swap3A_313[%swap3A_314, %swap3A_315] {strides = array<i32>} : memref<8x1000xf32, #tpu.memory_space<vmem>>, vector<16xf32>,
        tpu.vector_store %swap3A_313[%swap3A_314, %swap3A_315], %broadcast_in_dim3A_10 {strides = array<i32>} : memref<8x1000xf32, #tpu.memory_space<vmem>>, vector<16xf32>,
        %swap3A_317 = arith.constant 3 : i32
        %swap3A_318 = arith.constant 0 : i32
        %swap3A_319 = arith.constant 0 : i32
        %swap3A_320 = tpu.memref_slice %arg8[%cond3A_247, %swap3A_318, %swap3A_319] : memref<2x8x1000xf32, #tpu.memory_space<vmem>> -> memref<1x8x1000xf32, #tpu.memory_space<vmem>>
        %swap3A_321 = tpu.memref_squeeze %swap3A_320 : memref<1x8x1000xf32, #tpu.memory_space<vmem>> -> memref<8x1000xf32, #tpu.memory_space<vmem>>
        %swap3A_322 = arith.index_cast %swap3A_317 : i32 to index
        %swap3A_323 = arith.constant 984 : index
        %swap3A_324 = tpu.vector_load %swap3A_321[%swap3A_322, %swap3A_323] {strides = array<i32>} : memref<8x1000xf32, #tpu.memory_space<vmem>>, vector<16xf32>,
        tpu.vector_store %swap3A_321[%swap3A_322, %swap3A_323], %broadcast_in_dim3A_10 {strides = array<i32>} : memref<8x1000xf32, #tpu.memory_space<vmem>>, vector<16xf32>,
        %swap3A_325 = arith.constant 4 : i32
        %swap3A_326 = arith.constant 0 : i32
        %swap3A_327 = arith.constant 0 : i32
        %swap3A_328 = tpu.memref_slice %arg8[%cond3A_247, %swap3A_326, %swap3A_327] : memref<2x8x1000xf32, #tpu.memory_space<vmem>> -> memref<1x8x1000xf32, #tpu.memory_space<vmem>>
        %swap3A_329 = tpu.memref_squeeze %swap3A_328 : memref<1x8x1000xf32, #tpu.memory_space<vmem>> -> memref<8x1000xf32, #tpu.memory_space<vmem>>
        %swap3A_330 = arith.index_cast %swap3A_325 : i32 to index
        %swap3A_331 = arith.constant 984 : index
        %swap3A_332 = tpu.vector_load %swap3A_329[%swap3A_330, %swap3A_331] {strides = array<i32>} : memref<8x1000xf32, #tpu.memory_space<vmem>>, vector<16xf32>,
        tpu.vector_store %swap3A_329[%swap3A_330, %swap3A_331], %broadcast_in_dim3A_10 {strides = array<i32>} : memref<8x1000xf32, #tpu.memory_space<vmem>>, vector<16xf32>,
        %swap3A_333 = arith.constant 5 : i32
        %swap3A_334 = arith.constant 0 : i32
        %swap3A_335 = arith.constant 0 : i32
        %swap3A_336 = tpu.memref_slice %arg8[%cond3A_247, %swap3A_334, %swap3A_335] : memref<2x8x1000xf32, #tpu.memory_space<vmem>> -> memref<1x8x1000xf32, #tpu.memory_space<vmem>>
        %swap3A_337 = tpu.memref_squeeze %swap3A_336 : memref<1x8x1000xf32, #tpu.memory_space<vmem>> -> memref<8x1000xf32, #tpu.memory_space<vmem>>
        %swap3A_338 = arith.index_cast %swap3A_333 : i32 to index
        %swap3A_339 = arith.constant 984 : index
        %swap3A_340 = tpu.vector_load %swap3A_337[%swap3A_338, %swap3A_339] {strides = array<i32>} : memref<8x1000xf32, #tpu.memory_space<vmem>>, vector<16xf32>,
        tpu.vector_store %swap3A_337[%swap3A_338, %swap3A_339], %broadcast_in_dim3A_10 {strides = array<i32>} : memref<8x1000xf32, #tpu.memory_space<vmem>>, vector<16xf32>,
        %swap3A_341 = arith.constant 6 : i32
        %swap3A_342 = arith.constant 0 : i32
        %swap3A_343 = arith.constant 0 : i32
        %swap3A_344 = tpu.memref_slice %arg8[%cond3A_247, %swap3A_342, %swap3A_343] : memref<2x8x1000xf32, #tpu.memory_space<vmem>> -> memref<1x8x1000xf32, #tpu.memory_space<vmem>>
        %swap3A_345 = tpu.memref_squeeze %swap3A_344 : memref<1x8x1000xf32, #tpu.memory_space<vmem>> -> memref<8x1000xf32, #tpu.memory_space<vmem>>
        %swap3A_346 = arith.index_cast %swap3A_341 : i32 to index
        %swap3A_347 = arith.constant 984 : index
        %swap3A_348 = tpu.vector_load %swap3A_345[%swap3A_346, %swap3A_347] {strides = array<i32>} : memref<8x1000xf32, #tpu.memory_space<vmem>>, vector<16xf32>,
        tpu.vector_store %swap3A_345[%swap3A_346, %swap3A_347], %broadcast_in_dim3A_10 {strides = array<i32>} : memref<8x1000xf32, #tpu.memory_space<vmem>>, vector<16xf32>,
        %swap3A_349 = arith.constant 7 : i32
        %swap3A_350 = arith.constant 0 : i32
        %swap3A_351 = arith.constant 0 : i32
        %swap3A_352 = tpu.memref_slice %arg8[%cond3A_247, %swap3A_350, %swap3A_351] : memref<2x8x1000xf32, #tpu.memory_space<vmem>> -> memref<1x8x1000xf32, #tpu.memory_space<vmem>>
        %swap3A_353 = tpu.memref_squeeze %swap3A_352 : memref<1x8x1000xf32, #tpu.memory_space<vmem>> -> memref<8x1000xf32, #tpu.memory_space<vmem>>
        %swap3A_354 = arith.index_cast %swap3A_349 : i32 to index
        %swap3A_355 = arith.constant 984 : index
        %swap3A_356 = tpu.vector_load %swap3A_353[%swap3A_354, %swap3A_355] {strides = array<i32>} : memref<8x1000xf32, #tpu.memory_space<vmem>>, vector<16xf32>,
        tpu.vector_store %swap3A_353[%swap3A_354, %swap3A_355], %broadcast_in_dim3A_10 {strides = array<i32>} : memref<8x1000xf32, #tpu.memory_space<vmem>>, vector<16xf32>,
      } else {
      }
      %scan3A_250 = arith.constant 1 : i32
      %scan3A_251 = arith.constant 0 : i32
      %scan3A_252 = arith.constant 8 : i32
      %scan3A_253 = arith.addi %scan3A_251, %scan3A_252 : i32
      %scan3A_254 = arith.constant 1 : i32
      scf.for %scan3A_272 = %scan3A_251 to %scan3A_253 step %scan3A_254  : i32 {
        %mul3A_273 = arith.constant 1 : i32
        %mul3A_274 = arith.muli %scan3A_272, %mul3A_273 : i32
        %add3A_275 = arith.constant 0 : i32
        %add3A_276 = arith.addi %add3A_275, %mul3A_274 : i32
        %mul3A_277 = arith.constant 8 : i32
        %mul3A_278 = arith.muli %add3A_243, %mul3A_277 : i32
        %add3A_279 = arith.addi %mul3A_278, %add3A_276 : i32
        %get3A = arith.index_cast %add3A_279 : i32 to index
        %get3A_280 = arith.constant 0 : index
        %get3A_281 = tpu.vector_load %arg7[%get3A, %get3A_280] {strides = array<i32>} : memref<128x200xf32, #tpu.memory_space<vmem>>, vector<16xf32>,
        %get3A_282 = arith.index_cast %add3A_279 : i32 to index
        %get3A_283 = arith.constant 16 : index
        %get3A_284 = tpu.vector_load %arg7[%get3A_282, %get3A_283] {strides = array<i32>} : memref<128x200xf32, #tpu.memory_space<vmem>>, vector<16xf32>,
        %get3A_285 = arith.index_cast %add3A_279 : i32 to index
        %get3A_286 = arith.constant 32 : index
        %get3A_287 = tpu.vector_load %arg7[%get3A_285, %get3A_286] {strides = array<i32>} : memref<128x200xf32, #tpu.memory_space<vmem>>, vector<16xf32>,
        %get3A_288 = arith.index_cast %add3A_279 : i32 to index
        %get3A_289 = arith.constant 48 : index
        %get3A_290 = tpu.vector_load %arg7[%get3A_288, %get3A_289] {strides = array<i32>} : memref<128x200xf32, #tpu.memory_space<vmem>>, vector<16xf32>,
        %get3A_291 = arith.index_cast %add3A_279 : i32 to index
        %get3A_292 = arith.constant 64 : index
        %get3A_293 = tpu.vector_load %arg7[%get3A_291, %get3A_292] {strides = array<i32>} : memref<128x200xf32, #tpu.memory_space<vmem>>, vector<16xf32>,
        %get3A_294 = arith.index_cast %add3A_279 : i32 to index
        %get3A_295 = arith.constant 80 : index
        %get3A_296 = tpu.vector_load %arg7[%get3A_294, %get3A_295] {strides = array<i32>} : memref<128x200xf32, #tpu.memory_space<vmem>>, vector<16xf32>,
        %get3A_297 = arith.index_cast %add3A_279 : i32 to index
        %get3A_298 = arith.constant 96 : index
        %get3A_299 = tpu.vector_load %arg7[%get3A_297, %get3A_298] {strides = array<i32>} : memref<128x200xf32, #tpu.memory_space<vmem>>, vector<16xf32>,
        %get3A_300 = arith.index_cast %add3A_279 : i32 to index
        %get3A_301 = arith.constant 112 : index
        %get3A_302 = tpu.vector_load %arg7[%get3A_300, %get3A_301] {strides = array<i32>} : memref<128x200xf32, #tpu.memory_space<vmem>>, vector<16xf32>,
        %get3A_303 = arith.index_cast %add3A_279 : i32 to index
        %get3A_304 = arith.constant 128 : index
        %get3A_305 = tpu.vector_load %arg7[%get3A_303, %get3A_304] {strides = array<i32>} : memref<128x200xf32, #tpu.memory_space<vmem>>, vector<16xf32>,
        %get3A_306 = arith.index_cast %add3A_279 : i32 to index
        %get3A_307 = arith.constant 144 : index
        %get3A_308 = tpu.vector_load %arg7[%get3A_306, %get3A_307] {strides = array<i32>} : memref<128x200xf32, #tpu.memory_space<vmem>>, vector<16xf32>,
        %get3A_309 = arith.index_cast %add3A_279 : i32 to index
        %get3A_310 = arith.constant 160 : index
        %get3A_311 = tpu.vector_load %arg7[%get3A_309, %get3A_310] {strides = array<i32>} : memref<128x200xf32, #tpu.memory_space<vmem>>, vector<16xf32>,
        %get3A_312 = arith.index_cast %add3A_279 : i32 to index
        %get3A_313 = arith.constant 176 : index
        %get3A_314 = tpu.vector_load %arg7[%get3A_312, %get3A_313] {strides = array<i32>} : memref<128x200xf32, #tpu.memory_space<vmem>>, vector<16xf32>,
        %get3A_315 = arith.index_cast %add3A_279 : i32 to index
        %get3A_316 = arith.constant 184 : index
        %get3A_317 = tpu.vector_load %arg7[%get3A_315, %get3A_316] {strides = array<i32>} : memref<128x200xf32, #tpu.memory_space<vmem>>, vector<16xf32>,
        %get3A_318 = arith.index_cast %add3A_279 : i32 to index
        %get3A_319 = arith.constant 0 : index
        %get3A_320 = tpu.vector_load %arg6[%get3A_318, %get3A_319] {strides = array<i32>} : memref<128x200xi32, #tpu.memory_space<vmem>>, vector<16xi32>,
        %get3A_321 = arith.index_cast %add3A_279 : i32 to index
        %get3A_322 = arith.constant 16 : index
        %get3A_323 = tpu.vector_load %arg6[%get3A_321, %get3A_322] {strides = array<i32>} : memref<128x200xi32, #tpu.memory_space<vmem>>, vector<16xi32>,
        %get3A_324 = arith.index_cast %add3A_279 : i32 to index
        %get3A_325 = arith.constant 32 : index
        %get3A_326 = tpu.vector_load %arg6[%get3A_324, %get3A_325] {strides = array<i32>} : memref<128x200xi32, #tpu.memory_space<vmem>>, vector<16xi32>,
        %get3A_327 = arith.index_cast %add3A_279 : i32 to index
        %get3A_328 = arith.constant 48 : index
        %get3A_329 = tpu.vector_load %arg6[%get3A_327, %get3A_328] {strides = array<i32>} : memref<128x200xi32, #tpu.memory_space<vmem>>, vector<16xi32>,
        %get3A_330 = arith.index_cast %add3A_279 : i32 to index
        %get3A_331 = arith.constant 64 : index
        %get3A_332 = tpu.vector_load %arg6[%get3A_330, %get3A_331] {strides = array<i32>} : memref<128x200xi32, #tpu.memory_space<vmem>>, vector<16xi32>,
        %get3A_333 = arith.index_cast %add3A_279 : i32 to index
        %get3A_334 = arith.constant 80 : index
        %get3A_335 = tpu.vector_load %arg6[%get3A_333, %get3A_334] {strides = array<i32>} : memref<128x200xi32, #tpu.memory_space<vmem>>, vector<16xi32>,
        %get3A_336 = arith.index_cast %add3A_279 : i32 to index
        %get3A_337 = arith.constant 96 : index
        %get3A_338 = tpu.vector_load %arg6[%get3A_336, %get3A_337] {strides = array<i32>} : memref<128x200xi32, #tpu.memory_space<vmem>>, vector<16xi32>,
        %get3A_339 = arith.index_cast %add3A_279 : i32 to index
        %get3A_340 = arith.constant 112 : index
        %get3A_341 = tpu.vector_load %arg6[%get3A_339, %get3A_340] {strides = array<i32>} : memref<128x200xi32, #tpu.memory_space<vmem>>, vector<16xi32>,
        %get3A_342 = arith.index_cast %add3A_279 : i32 to index
        %get3A_343 = arith.constant 128 : index
        %get3A_344 = tpu.vector_load %arg6[%get3A_342, %get3A_343] {strides = array<i32>} : memref<128x200xi32, #tpu.memory_space<vmem>>, vector<16xi32>,
        %get3A_345 = arith.index_cast %add3A_279 : i32 to index
        %get3A_346 = arith.constant 144 : index
        %get3A_347 = tpu.vector_load %arg6[%get3A_345, %get3A_346] {strides = array<i32>} : memref<128x200xi32, #tpu.memory_space<vmem>>, vector<16xi32>,
        %get3A_348 = arith.index_cast %add3A_279 : i32 to index
        %get3A_349 = arith.constant 160 : index
        %get3A_350 = tpu.vector_load %arg6[%get3A_348, %get3A_349] {strides = array<i32>} : memref<128x200xi32, #tpu.memory_space<vmem>>, vector<16xi32>,
        %get3A_351 = arith.index_cast %add3A_279 : i32 to index
        %get3A_352 = arith.constant 176 : index
        %get3A_353 = tpu.vector_load %arg6[%get3A_351, %get3A_352] {strides = array<i32>} : memref<128x200xi32, #tpu.memory_space<vmem>>, vector<16xi32>,
        %get3A_354 = arith.index_cast %add3A_279 : i32 to index
        %get3A_355 = arith.constant 184 : index
        %get3A_356 = tpu.vector_load %arg6[%get3A_354, %get3A_355] {strides = array<i32>} : memref<128x200xi32, #tpu.memory_space<vmem>>, vector<16xi32>,
        %ge3A_357 = arith.constant 1.000000e-01 : f32
        %ge3A_358 = vector.broadcast %ge3A_357 : f32 to vector<16xf32>
        %ge3A_359 = arith.cmpf oge, %get3A_281, %ge3A_358 : vector<16xf32>
        %ge3A_360 = arith.constant 1.000000e-01 : f32
        %ge3A_361 = vector.broadcast %ge3A_360 : f32 to vector<16xf32>
        %ge3A_362 = arith.cmpf oge, %get3A_284, %ge3A_361 : vector<16xf32>
        %ge3A_363 = arith.constant 1.000000e-01 : f32
        %ge3A_364 = vector.broadcast %ge3A_363 : f32 to vector<16xf32>
        %ge3A_365 = arith.cmpf oge, %get3A_287, %ge3A_364 : vector<16xf32>
        %ge3A_366 = arith.constant 1.000000e-01 : f32
        %ge3A_367 = vector.broadcast %ge3A_366 : f32 to vector<16xf32>
        %ge3A_368 = arith.cmpf oge, %get3A_290, %ge3A_367 : vector<16xf32>
        %ge3A_369 = arith.constant 1.000000e-01 : f32
        %ge3A_370 = vector.broadcast %ge3A_369 : f32 to vector<16xf32>
        %ge3A_371 = arith.cmpf oge, %get3A_293, %ge3A_370 : vector<16xf32>
        %ge3A_372 = arith.constant 1.000000e-01 : f32
        %ge3A_373 = vector.broadcast %ge3A_372 : f32 to vector<16xf32>
        %ge3A_374 = arith.cmpf oge, %get3A_296, %ge3A_373 : vector<16xf32>
        %ge3A_375 = arith.constant 1.000000e-01 : f32
        %ge3A_376 = vector.broadcast %ge3A_375 : f32 to vector<16xf32>
        %ge3A_377 = arith.cmpf oge, %get3A_299, %ge3A_376 : vector<16xf32>
        %ge3A_378 = arith.constant 1.000000e-01 : f32
        %ge3A_379 = vector.broadcast %ge3A_378 : f32 to vector<16xf32>
        %ge3A_380 = arith.cmpf oge, %get3A_302, %ge3A_379 : vector<16xf32>
        %ge3A_381 = arith.constant 1.000000e-01 : f32
        %ge3A_382 = vector.broadcast %ge3A_381 : f32 to vector<16xf32>
        %ge3A_383 = arith.cmpf oge, %get3A_305, %ge3A_382 : vector<16xf32>
        %ge3A_384 = arith.constant 1.000000e-01 : f32
        %ge3A_385 = vector.broadcast %ge3A_384 : f32 to vector<16xf32>
        %ge3A_386 = arith.cmpf oge, %get3A_308, %ge3A_385 : vector<16xf32>
        %ge3A_387 = arith.constant 1.000000e-01 : f32
        %ge3A_388 = vector.broadcast %ge3A_387 : f32 to vector<16xf32>
        %ge3A_389 = arith.cmpf oge, %get3A_311, %ge3A_388 : vector<16xf32>
        %ge3A_390 = arith.constant 1.000000e-01 : f32
        %ge3A_391 = vector.broadcast %ge3A_390 : f32 to vector<16xf32>
        %ge3A_392 = arith.cmpf oge, %get3A_314, %ge3A_391 : vector<16xf32>
        %ge3A_393 = arith.constant 1.000000e-01 : f32
        %ge3A_394 = vector.broadcast %ge3A_393 : f32 to vector<16xf32>
        %ge3A_395 = arith.cmpf oge, %get3A_317, %ge3A_394 : vector<16xf32>
        %and3A = arith.andi %ge3A_395, %ge3A_12 : vector<16xi1>
        %broadcast_in_dim3A_396 = arith.constant 1 : i32
        %broadcast_in_dim3A_397 = vector.broadcast %broadcast_in_dim3A_396 : i32 to vector<16xi32>
        %broadcast_in_dim3A_398 = arith.constant 0 : i32
        %broadcast_in_dim3A_399 = vector.broadcast %broadcast_in_dim3A_398 : i32 to vector<16xi32>
        %select_n3A = arith.select %and3A, %broadcast_in_dim3A_397, %broadcast_in_dim3A_399 : vector<16xi1>, vector<16xi32>
        %select_n3A_400 = arith.select %ge3A_359, %broadcast_in_dim3A_397, %broadcast_in_dim3A_399 : vector<16xi1>, vector<16xi32>
        %add3A_401 = arith.addi %select_n3A, %select_n3A_400 : vector<16xi32>
        %select_n3A_402 = arith.select %ge3A_362, %broadcast_in_dim3A_397, %broadcast_in_dim3A_399 : vector<16xi1>, vector<16xi32>
        %add3A_403 = arith.addi %add3A_401, %select_n3A_402 : vector<16xi32>
        %select_n3A_404 = arith.select %ge3A_365, %broadcast_in_dim3A_397, %broadcast_in_dim3A_399 : vector<16xi1>, vector<16xi32>
        %add3A_405 = arith.addi %add3A_403, %select_n3A_404 : vector<16xi32>
        %select_n3A_406 = arith.select %ge3A_368, %broadcast_in_dim3A_397, %broadcast_in_dim3A_399 : vector<16xi1>, vector<16xi32>
        %add3A_407 = arith.addi %add3A_405, %select_n3A_406 : vector<16xi32>
        %select_n3A_408 = arith.select %ge3A_371, %broadcast_in_dim3A_397, %broadcast_in_dim3A_399 : vector<16xi1>, vector<16xi32>
        %add3A_409 = arith.addi %add3A_407, %select_n3A_408 : vector<16xi32>
        %select_n3A_410 = arith.select %ge3A_374, %broadcast_in_dim3A_397, %broadcast_in_dim3A_399 : vector<16xi1>, vector<16xi32>
        %add3A_411 = arith.addi %add3A_409, %select_n3A_410 : vector<16xi32>
        %select_n3A_412 = arith.select %ge3A_377, %broadcast_in_dim3A_397, %broadcast_in_dim3A_399 : vector<16xi1>, vector<16xi32>
        %add3A_413 = arith.addi %add3A_411, %select_n3A_412 : vector<16xi32>
        %select_n3A_414 = arith.select %ge3A_380, %broadcast_in_dim3A_397, %broadcast_in_dim3A_399 : vector<16xi1>, vector<16xi32>
        %add3A_415 = arith.addi %add3A_413, %select_n3A_414 : vector<16xi32>
        %select_n3A_416 = arith.select %ge3A_383, %broadcast_in_dim3A_397, %broadcast_in_dim3A_399 : vector<16xi1>, vector<16xi32>
        %add3A_417 = arith.addi %add3A_415, %select_n3A_416 : vector<16xi32>
        %select_n3A_418 = arith.select %ge3A_386, %broadcast_in_dim3A_397, %broadcast_in_dim3A_399 : vector<16xi1>, vector<16xi32>
        %add3A_419 = arith.addi %add3A_417, %select_n3A_418 : vector<16xi32>
        %select_n3A_420 = arith.select %ge3A_389, %broadcast_in_dim3A_397, %broadcast_in_dim3A_399 : vector<16xi1>, vector<16xi32>
        %add3A_421 = arith.addi %add3A_419, %select_n3A_420 : vector<16xi32>
        %select_n3A_422 = arith.select %ge3A_392, %broadcast_in_dim3A_397, %broadcast_in_dim3A_399 : vector<16xi1>, vector<16xi32>
        %add3A_423 = arith.addi %add3A_421, %select_n3A_422 : vector<16xi32>
        %reduce_sum3A = arith.constant true
        %reduce_sum3A_424 = vector.broadcast %reduce_sum3A : i1 to vector<16xi1>
        %reduce_sum3A_425 = tpu.scan <sum>, %add3A_423 masked %reduce_sum3A_424 : vector<16xi32>, vector<16xi1> -> vector<16xi32>
        %reduce_sum3A_426 = vector.extract %reduce_sum3A_425[15] : i32 from vector<16xi32>
        %broadcast_in_dim3A_427 = vector.broadcast %reduce_sum3A_426 : i32 to vector<16xi32>
        %gather3A = tpu.vector_load_idx %arg9[%broadcast_in_dim3A_427] : memref<256xf32, #tpu.memory_space<vmem>>[vector<16xi32>], vector<16xf32>,
        %mul3A_428 = arith.constant 1.000000e-10 : f32
        %mul3A_429 = vector.broadcast %mul3A_428 : f32 to vector<16xf32>
        %mul3A_430 = arith.mulf %mul3A_429, %gather3A : vector<16xf32>
        %select_n3A_431 = arith.select %ge3A_359, %gather3A, %mul3A_430 : vector<16xi1>, vector<16xf32>
        %mul3A_432 = arith.mulf %get3A_281, %select_n3A_431 : vector<16xf32>
        %select_n3A_433 = arith.select %ge3A_362, %gather3A, %mul3A_430 : vector<16xi1>, vector<16xf32>
        %mul3A_434 = arith.mulf %get3A_284, %select_n3A_433 : vector<16xf32>
        %select_n3A_435 = arith.select %ge3A_365, %gather3A, %mul3A_430 : vector<16xi1>, vector<16xf32>
        %mul3A_436 = arith.mulf %get3A_287, %select_n3A_435 : vector<16xf32>
        %select_n3A_437 = arith.select %ge3A_368, %gather3A, %mul3A_430 : vector<16xi1>, vector<16xf32>
        %mul3A_438 = arith.mulf %get3A_290, %select_n3A_437 : vector<16xf32>
        %select_n3A_439 = arith.select %ge3A_371, %gather3A, %mul3A_430 : vector<16xi1>, vector<16xf32>
        %mul3A_440 = arith.mulf %get3A_293, %select_n3A_439 : vector<16xf32>
        %select_n3A_441 = arith.select %ge3A_374, %gather3A, %mul3A_430 : vector<16xi1>, vector<16xf32>
        %mul3A_442 = arith.mulf %get3A_296, %select_n3A_441 : vector<16xf32>
        %select_n3A_443 = arith.select %ge3A_377, %gather3A, %mul3A_430 : vector<16xi1>, vector<16xf32>
        %mul3A_444 = arith.mulf %get3A_299, %select_n3A_443 : vector<16xf32>
        %select_n3A_445 = arith.select %ge3A_380, %gather3A, %mul3A_430 : vector<16xi1>, vector<16xf32>
        %mul3A_446 = arith.mulf %get3A_302, %select_n3A_445 : vector<16xf32>
        %select_n3A_447 = arith.select %ge3A_383, %gather3A, %mul3A_430 : vector<16xi1>, vector<16xf32>
        %mul3A_448 = arith.mulf %get3A_305, %select_n3A_447 : vector<16xf32>
        %select_n3A_449 = arith.select %ge3A_386, %gather3A, %mul3A_430 : vector<16xi1>, vector<16xf32>
        %mul3A_450 = arith.mulf %get3A_308, %select_n3A_449 : vector<16xf32>
        %select_n3A_451 = arith.select %ge3A_389, %gather3A, %mul3A_430 : vector<16xi1>, vector<16xf32>
        %mul3A_452 = arith.mulf %get3A_311, %select_n3A_451 : vector<16xf32>
        %select_n3A_453 = arith.select %ge3A_392, %gather3A, %mul3A_430 : vector<16xi1>, vector<16xf32>
        %mul3A_454 = arith.mulf %get3A_314, %select_n3A_453 : vector<16xf32>
        %select_n3A_455 = arith.select %and3A, %gather3A, %mul3A_430 : vector<16xi1>, vector<16xf32>
        %mul3A_456 = arith.mulf %get3A_317, %select_n3A_455 : vector<16xf32>
        %broadcast_in_dim3A_457 = vector.broadcast %add3A_276 : i32 to vector<16xi32>
        %scatter3A = arith.constant 0 : i32
        %scatter3A_458 = arith.constant 0 : i32
        %scatter3A_459 = tpu.memref_slice %arg8[%scan3A_250, %scatter3A, %scatter3A_458] : memref<2x8x1000xf32, #tpu.memory_space<vmem>> -> memref<1x8x1000xf32, #tpu.memory_space<vmem>>
        %scatter3A_460 = tpu.memref_squeeze %scatter3A_459 : memref<1x8x1000xf32, #tpu.memory_space<vmem>> -> memref<8x1000xf32, #tpu.memory_space<vmem>>
        tpu.vector_store_idx %scatter3A_460[%broadcast_in_dim3A_457, %get3A_320], %mul3A_432 {add = true} : memref<8x1000xf32, #tpu.memory_space<vmem>>[vector<16xi32>, vector<16xi32>], vector<16xf32>,
        %scatter3A_461 = arith.constant 0 : i32
        %scatter3A_462 = arith.constant 0 : i32
        %scatter3A_463 = tpu.memref_slice %arg8[%scan3A_250, %scatter3A_461, %scatter3A_462] : memref<2x8x1000xf32, #tpu.memory_space<vmem>> -> memref<1x8x1000xf32, #tpu.memory_space<vmem>>
        %scatter3A_464 = tpu.memref_squeeze %scatter3A_463 : memref<1x8x1000xf32, #tpu.memory_space<vmem>> -> memref<8x1000xf32, #tpu.memory_space<vmem>>
        tpu.vector_store_idx %scatter3A_464[%broadcast_in_dim3A_457, %get3A_323], %mul3A_434 {add = true} : memref<8x1000xf32, #tpu.memory_space<vmem>>[vector<16xi32>, vector<16xi32>], vector<16xf32>,
        %scatter3A_465 = arith.constant 0 : i32
        %scatter3A_466 = arith.constant 0 : i32
        %scatter3A_467 = tpu.memref_slice %arg8[%scan3A_250, %scatter3A_465, %scatter3A_466] : memref<2x8x1000xf32, #tpu.memory_space<vmem>> -> memref<1x8x1000xf32, #tpu.memory_space<vmem>>
        %scatter3A_468 = tpu.memref_squeeze %scatter3A_467 : memref<1x8x1000xf32, #tpu.memory_space<vmem>> -> memref<8x1000xf32, #tpu.memory_space<vmem>>
        tpu.vector_store_idx %scatter3A_468[%broadcast_in_dim3A_457, %get3A_326], %mul3A_436 {add = true} : memref<8x1000xf32, #tpu.memory_space<vmem>>[vector<16xi32>, vector<16xi32>], vector<16xf32>,
        %scatter3A_469 = arith.constant 0 : i32
        %scatter3A_470 = arith.constant 0 : i32
        %scatter3A_471 = tpu.memref_slice %arg8[%scan3A_250, %scatter3A_469, %scatter3A_470] : memref<2x8x1000xf32, #tpu.memory_space<vmem>> -> memref<1x8x1000xf32, #tpu.memory_space<vmem>>
        %scatter3A_472 = tpu.memref_squeeze %scatter3A_471 : memref<1x8x1000xf32, #tpu.memory_space<vmem>> -> memref<8x1000xf32, #tpu.memory_space<vmem>>
        tpu.vector_store_idx %scatter3A_472[%broadcast_in_dim3A_457, %get3A_329], %mul3A_438 {add = true} : memref<8x1000xf32, #tpu.memory_space<vmem>>[vector<16xi32>, vector<16xi32>], vector<16xf32>,
        %scatter3A_473 = arith.constant 0 : i32
        %scatter3A_474 = arith.constant 0 : i32
        %scatter3A_475 = tpu.memref_slice %arg8[%scan3A_250, %scatter3A_473, %scatter3A_474] : memref<2x8x1000xf32, #tpu.memory_space<vmem>> -> memref<1x8x1000xf32, #tpu.memory_space<vmem>>
        %scatter3A_476 = tpu.memref_squeeze %scatter3A_475 : memref<1x8x1000xf32, #tpu.memory_space<vmem>> -> memref<8x1000xf32, #tpu.memory_space<vmem>>
        tpu.vector_store_idx %scatter3A_476[%broadcast_in_dim3A_457, %get3A_332], %mul3A_440 {add = true} : memref<8x1000xf32, #tpu.memory_space<vmem>>[vector<16xi32>, vector<16xi32>], vector<16xf32>,
        %scatter3A_477 = arith.constant 0 : i32
        %scatter3A_478 = arith.constant 0 : i32
        %scatter3A_479 = tpu.memref_slice %arg8[%scan3A_250, %scatter3A_477, %scatter3A_478] : memref<2x8x1000xf32, #tpu.memory_space<vmem>> -> memref<1x8x1000xf32, #tpu.memory_space<vmem>>
        %scatter3A_480 = tpu.memref_squeeze %scatter3A_479 : memref<1x8x1000xf32, #tpu.memory_space<vmem>> -> memref<8x1000xf32, #tpu.memory_space<vmem>>
        tpu.vector_store_idx %scatter3A_480[%broadcast_in_dim3A_457, %get3A_335], %mul3A_442 {add = true} : memref<8x1000xf32, #tpu.memory_space<vmem>>[vector<16xi32>, vector<16xi32>], vector<16xf32>,
        %scatter3A_481 = arith.constant 0 : i32
        %scatter3A_482 = arith.constant 0 : i32
        %scatter3A_483 = tpu.memref_slice %arg8[%scan3A_250, %scatter3A_481, %scatter3A_482] : memref<2x8x1000xf32, #tpu.memory_space<vmem>> -> memref<1x8x1000xf32, #tpu.memory_space<vmem>>
        %scatter3A_484 = tpu.memref_squeeze %scatter3A_483 : memref<1x8x1000xf32, #tpu.memory_space<vmem>> -> memref<8x1000xf32, #tpu.memory_space<vmem>>
        tpu.vector_store_idx %scatter3A_484[%broadcast_in_dim3A_457, %get3A_338], %mul3A_444 {add = true} : memref<8x1000xf32, #tpu.memory_space<vmem>>[vector<16xi32>, vector<16xi32>], vector<16xf32>,
        %scatter3A_485 = arith.constant 0 : i32
        %scatter3A_486 = arith.constant 0 : i32
        %scatter3A_487 = tpu.memref_slice %arg8[%scan3A_250, %scatter3A_485, %scatter3A_486] : memref<2x8x1000xf32, #tpu.memory_space<vmem>> -> memref<1x8x1000xf32, #tpu.memory_space<vmem>>
        %scatter3A_488 = tpu.memref_squeeze %scatter3A_487 : memref<1x8x1000xf32, #tpu.memory_space<vmem>> -> memref<8x1000xf32, #tpu.memory_space<vmem>>
        tpu.vector_store_idx %scatter3A_488[%broadcast_in_dim3A_457, %get3A_341], %mul3A_446 {add = true} : memref<8x1000xf32, #tpu.memory_space<vmem>>[vector<16xi32>, vector<16xi32>], vector<16xf32>,
        %scatter3A_489 = arith.constant 0 : i32
        %scatter3A_490 = arith.constant 0 : i32
        %scatter3A_491 = tpu.memref_slice %arg8[%scan3A_250, %scatter3A_489, %scatter3A_490] : memref<2x8x1000xf32, #tpu.memory_space<vmem>> -> memref<1x8x1000xf32, #tpu.memory_space<vmem>>
        %scatter3A_492 = tpu.memref_squeeze %scatter3A_491 : memref<1x8x1000xf32, #tpu.memory_space<vmem>> -> memref<8x1000xf32, #tpu.memory_space<vmem>>
        tpu.vector_store_idx %scatter3A_492[%broadcast_in_dim3A_457, %get3A_344], %mul3A_448 {add = true} : memref<8x1000xf32, #tpu.memory_space<vmem>>[vector<16xi32>, vector<16xi32>], vector<16xf32>,
        %scatter3A_493 = arith.constant 0 : i32
        %scatter3A_494 = arith.constant 0 : i32
        %scatter3A_495 = tpu.memref_slice %arg8[%scan3A_250, %scatter3A_493, %scatter3A_494] : memref<2x8x1000xf32, #tpu.memory_space<vmem>> -> memref<1x8x1000xf32, #tpu.memory_space<vmem>>
        %scatter3A_496 = tpu.memref_squeeze %scatter3A_495 : memref<1x8x1000xf32, #tpu.memory_space<vmem>> -> memref<8x1000xf32, #tpu.memory_space<vmem>>
        tpu.vector_store_idx %scatter3A_496[%broadcast_in_dim3A_457, %get3A_347], %mul3A_450 {add = true} : memref<8x1000xf32, #tpu.memory_space<vmem>>[vector<16xi32>, vector<16xi32>], vector<16xf32>,
        %scatter3A_497 = arith.constant 0 : i32
        %scatter3A_498 = arith.constant 0 : i32
        %scatter3A_499 = tpu.memref_slice %arg8[%scan3A_250, %scatter3A_497, %scatter3A_498] : memref<2x8x1000xf32, #tpu.memory_space<vmem>> -> memref<1x8x1000xf32, #tpu.memory_space<vmem>>
        %scatter3A_500 = tpu.memref_squeeze %scatter3A_499 : memref<1x8x1000xf32, #tpu.memory_space<vmem>> -> memref<8x1000xf32, #tpu.memory_space<vmem>>
        tpu.vector_store_idx %scatter3A_500[%broadcast_in_dim3A_457, %get3A_350], %mul3A_452 {add = true} : memref<8x1000xf32, #tpu.memory_space<vmem>>[vector<16xi32>, vector<16xi32>], vector<16xf32>,
        %scatter3A_501 = arith.constant 0 : i32
        %scatter3A_502 = arith.constant 0 : i32
        %scatter3A_503 = tpu.memref_slice %arg8[%scan3A_250, %scatter3A_501, %scatter3A_502] : memref<2x8x1000xf32, #tpu.memory_space<vmem>> -> memref<1x8x1000xf32, #tpu.memory_space<vmem>>
        %scatter3A_504 = tpu.memref_squeeze %scatter3A_503 : memref<1x8x1000xf32, #tpu.memory_space<vmem>> -> memref<8x1000xf32, #tpu.memory_space<vmem>>
        tpu.vector_store_idx %scatter3A_504[%broadcast_in_dim3A_457, %get3A_353], %mul3A_454 {add = true} : memref<8x1000xf32, #tpu.memory_space<vmem>>[vector<16xi32>, vector<16xi32>], vector<16xf32>,
        %scatter3A_505 = arith.constant 0 : i32
        %scatter3A_506 = arith.constant 0 : i32
        %scatter3A_507 = tpu.memref_slice %arg8[%scan3A_250, %scatter3A_505, %scatter3A_506] : memref<2x8x1000xf32, #tpu.memory_space<vmem>> -> memref<1x8x1000xf32, #tpu.memory_space<vmem>>
        %scatter3A_508 = tpu.memref_squeeze %scatter3A_507 : memref<1x8x1000xf32, #tpu.memory_space<vmem>> -> memref<8x1000xf32, #tpu.memory_space<vmem>>
        tpu.vector_store_idx %scatter3A_508[%broadcast_in_dim3A_457, %get3A_356], %mul3A_456 masked %ge3A_12 {add = true} : memref<8x1000xf32, #tpu.memory_space<vmem>>[vector<16xi32>, vector<16xi32>], vector<16xf32>, vector<16xi1>
      }
      %scan3A_255 = arith.constant 8 : i32
      %mul3A_256 = arith.constant 8 : i32
      %mul3A_257 = arith.muli %add3A_243, %mul3A_256 : i32
      %add3A_258 = arith.addi %mul3A_2, %mul3A_257 : i32
      %dma_start3A_259 = arith.constant 1 : i32
      %dma_start3A_260 = arith.constant 0 : i32
      %dma_start3A_261 = arith.constant 0 : i32
      %dma_start3A_262 = tpu.memref_slice %arg8[%dma_start3A_259, %dma_start3A_260, %dma_start3A_261] : memref<2x8x1000xf32, #tpu.memory_space<vmem>> -> memref<1x8x1000xf32, #tpu.memory_space<vmem>>
      %dma_start3A_263 = tpu.memref_squeeze %dma_start3A_262 : memref<1x8x1000xf32, #tpu.memory_space<vmem>> -> memref<8x1000xf32, #tpu.memory_space<vmem>>
      %dma_start3A_264 = arith.constant 0 : i32
      %dma_start3A_265 = tpu.memref_slice %arg5[%add3A_258, %dma_start3A_264] : memref<4096x1000xf32, #tpu.memory_space<hbm>> -> memref<8x1000xf32, #tpu.memory_space<hbm>>
      %dma_start3A_266 = arith.constant 0 : i32
      %dma_start3A_267 = tpu.memref_slice %arg5[%add3A_258, %dma_start3A_266] : memref<4096x1000xf32, #tpu.memory_space<hbm>> -> memref<8x1000xf32, #tpu.memory_space<hbm>>
      %dma_start3A_268 = arith.constant 0 : i32
      %dma_start3A_269 = arith.constant 0 : i32
      %dma_start3A_270 = tpu.memref_slice %arg8[%dma_start3A_259, %dma_start3A_268, %dma_start3A_269] : memref<2x8x1000xf32, #tpu.memory_space<vmem>> -> memref<1x8x1000xf32, #tpu.memory_space<vmem>>
      %dma_start3A_271 = tpu.memref_squeeze %dma_start3A_270 : memref<1x8x1000xf32, #tpu.memory_space<vmem>> -> memref<8x1000xf32, #tpu.memory_space<vmem>>
      tpu.enqueue_dma source(%dma_start3A_271 : memref<8x1000xf32, #tpu.memory_space<vmem>>) target(%dma_start3A_267 : memref<8x1000xf32, #tpu.memory_space<hbm>>) target_semaphore(%arg11 : memref<!tpu.dma_semaphore, #tpu.memory_space<semaphore_mem>>)
    }
    %scan3A_178 = arith.constant 8 : i32
    %add3A_179 = arith.constant 112 : i32
    %add3A_180 = arith.addi %mul3A_2, %add3A_179 : i32
    %dma_wait3A_181 = arith.constant 0 : i32
    %dma_wait3A_182 = arith.constant 0 : i32
    %dma_wait3A_183 = arith.constant 0 : i32
    %dma_wait3A_184 = tpu.memref_slice %arg8[%dma_wait3A_181, %dma_wait3A_182, %dma_wait3A_183] : memref<2x8x1000xf32, #tpu.memory_space<vmem>> -> memref<1x8x1000xf32, #tpu.memory_space<vmem>>
    %dma_wait3A_185 = tpu.memref_squeeze %dma_wait3A_184 : memref<1x8x1000xf32, #tpu.memory_space<vmem>> -> memref<8x1000xf32, #tpu.memory_space<vmem>>
    %dma_wait3A_186 = arith.constant 0 : i32
    %dma_wait3A_187 = tpu.memref_slice %arg5[%add3A_180, %dma_wait3A_186] : memref<4096x1000xf32, #tpu.memory_space<hbm>> -> memref<8x1000xf32, #tpu.memory_space<hbm>>
    %dma_wait3A_188 = arith.constant 0 : i32
    %dma_wait3A_189 = tpu.memref_slice %arg5[%add3A_180, %dma_wait3A_188] : memref<4096x1000xf32, #tpu.memory_space<hbm>> -> memref<8x1000xf32, #tpu.memory_space<hbm>>
    %dma_wait3A_190 = arith.constant 0 : i32
    %dma_wait3A_191 = arith.constant 0 : i32
    %dma_wait3A_192 = tpu.memref_slice %arg8[%dma_wait3A_181, %dma_wait3A_190, %dma_wait3A_191] : memref<2x8x1000xf32, #tpu.memory_space<vmem>> -> memref<1x8x1000xf32, #tpu.memory_space<vmem>>
    %dma_wait3A_193 = tpu.memref_squeeze %dma_wait3A_192 : memref<1x8x1000xf32, #tpu.memory_space<vmem>> -> memref<8x1000xf32, #tpu.memory_space<vmem>>
    tpu.wait_dma2 semaphore(%arg10 : memref<!tpu.dma_semaphore, #tpu.memory_space<semaphore_mem>>) src(%dma_wait3A_193 : memref<8x1000xf32, #tpu.memory_space<vmem>>) dst(%dma_wait3A_189 : memref<8x1000xf32, #tpu.memory_space<hbm>>)
    %add3A_194 = arith.constant 120 : i32
    %add3A_195 = arith.addi %mul3A_2, %add3A_194 : i32
    %dma_wait3A_196 = arith.constant 1 : i32
    %dma_wait3A_197 = arith.constant 0 : i32
    %dma_wait3A_198 = arith.constant 0 : i32
    %dma_wait3A_199 = tpu.memref_slice %arg8[%dma_wait3A_196, %dma_wait3A_197, %dma_wait3A_198] : memref<2x8x1000xf32, #tpu.memory_space<vmem>> -> memref<1x8x1000xf32, #tpu.memory_space<vmem>>
    %dma_wait3A_200 = tpu.memref_squeeze %dma_wait3A_199 : memref<1x8x1000xf32, #tpu.memory_space<vmem>> -> memref<8x1000xf32, #tpu.memory_space<vmem>>
    %dma_wait3A_201 = arith.constant 0 : i32
    %dma_wait3A_202 = tpu.memref_slice %arg5[%add3A_195, %dma_wait3A_201] : memref<4096x1000xf32, #tpu.memory_space<hbm>> -> memref<8x1000xf32, #tpu.memory_space<hbm>>
    %dma_wait3A_203 = arith.constant 0 : i32
    %dma_wait3A_204 = tpu.memref_slice %arg5[%add3A_195, %dma_wait3A_203] : memref<4096x1000xf32, #tpu.memory_space<hbm>> -> memref<8x1000xf32, #tpu.memory_space<hbm>>
    %dma_wait3A_205 = arith.constant 0 : i32
    %dma_wait3A_206 = arith.constant 0 : i32
    %dma_wait3A_207 = tpu.memref_slice %arg8[%dma_wait3A_196, %dma_wait3A_205, %dma_wait3A_206] : memref<2x8x1000xf32, #tpu.memory_space<vmem>> -> memref<1x8x1000xf32, #tpu.memory_space<vmem>>
    %dma_wait3A_208 = tpu.memref_squeeze %dma_wait3A_207 : memref<1x8x1000xf32, #tpu.memory_space<vmem>> -> memref<8x1000xf32, #tpu.memory_space<vmem>>
    tpu.wait_dma2 semaphore(%arg11 : memref<!tpu.dma_semaphore, #tpu.memory_space<semaphore_mem>>) src(%dma_wait3A_208 : memref<8x1000xf32, #tpu.memory_space<vmem>>) dst(%dma_wait3A_204 : memref<8x1000xf32, #tpu.memory_space<hbm>>)
    return
  }
}

</mosaic_0001>

<sc_bundles>
// kernel: _sc_histogram.3.cloned.1.call-start
scs
__scs_entry_jumppad:
0x0: {  	(pc) =	sbr.rel $0x88, $3  }
0x1: {  	(tag) =	ssettag $0x0;
	lr =	simm.s32 $0x1  }
0x2: {  	[smem:$0x3F9E] =	sst lr;
	_ =	strace $0xD0000000  }
0x3: {  	_ = 	snop  }
0x4: {  	_ = 	snop  }
0x5: {  	_ = 	snop  }
0x6: {  	_ = 	snop  }
0x7: {  	_ = 	snop  }
__scs_overlays_trampoline_lowered:
0x8: {  	[smem:$0x3FAD] =	sst s0  }
0x9: {  	[smem:$0x3FAE] =	sst s1  }
0xa: {  	[smem:$0x3FAF] =	sst s2  }
0xb: {  	[smem:$0x3FB0] =	sst s3  }
0xc: {  	[smem:$0x3FB1] =	sst s4  }
0xd: {  	[smem:$0x3FB2] =	sst s5  }
0xe: {  	[smem:$0x3FB3] =	sst s6  }
0xf: {  	[smem:$0x3FB4] =	sst s7  }
0x10: {  	[smem:$0x3FB5] =	sst s8  }
0x11: {  	[smem:$0x3FB6] =	sst s9;
	s0 =	simm.s32 @!p0 $0x0  }
0x12: {  	s1 =	sld [smem:$0x3F9C];
	s0 =	simm.s32 @p0 $0x1  }
0x13: {  	[smem:$0x3FB7] =	sst s0;
	s0 =	simm.s32 @!p1 $0x0  }
0x14: {  	s2 =	sld [smem:$0x3F9B];
	s0 =	simm.s32 @p1 $0x1  }
0x15: {  	[smem:$0x3FB8] =	sst s0;
	s0 =	simm.s32 @!p2 $0x0  }
0x16: {  	s3 =	sld [smem:$0x3FDB];
	s0 =	simm.s32 @p2 $0x1  }
0x17: {  	s4 =	simm.s32 $0x1BF5;
	[smem:$0x3FBA] =	sst s0  }
0x18: {  	s0 =	sld [smem:$0x3F9D];
	_ =	swait.ge [sflag:s4], $0x0  }
0x19: {  	s7 =	sld [smem:$0x3F9E]  }
0x1a: {  	s8 =	sadd.s32 $0xFFFFE003, lr  }
0x1b: {  	s9 =	sadd.s32 $0xFFFFFEF7, lr;
	s5 =	simm.s32 $0xFFFFFFFF;
	p2 =	slt.u32 s8, $0xFFFFF086  }
0x1c: {  	p1 =	slt.u32 s9, $0xF7A;
	s5 =	simm.s32 @!p2 $0x0  }
0x1d: {  	s5 =	simm.s32 @p1 $0x1;
	p0 =	seq.s32 s7, s2  }
0x1e: {  	s7 =	smul.u32 @!p0 $0xF7A, s2;
	p2 =	seq.s32 @!p0 s5, $0x0  }
0x1f: {  	s9 =	smul.u32 $0xF7A, s1;
	s8 =	simm.s32 @!p0 $0x1BF5;
	p2 =	por !p2, p0  }
0x20: {  	[sflag:s8] =	ssyncset.s32 @!p0 $0xFFFFF086;
	s6 =	sadd.s32 @!p0 s3, s7;
	s7 =	simm.s32 @!p0 $0x108  }
0x21: {  	s3 =	sadd.s32 s3, s9;
	s6 =	sadd.s32 @!p0 $0x88, s6;
	s7 =	simm.s32 @p2 $0x1082  }
0x22: {  	[simem:s7], [sflag:s8] =	dma.local @!p0 [hbm:s6], $0xF7A  }
0x23: {  	s9 =	sor.u32 $0xD0000000, s2;
	s6 =	simm.s32 $0x108;
	_ =	swait.ge @!p0 [sflag:s8], $0x0  }
0x24: {  	s3 =	sadd.s32 $0x88, s3;
	s6 =	simm.s32 @!p1 $0x1082;
	[sflag:s4] =	ssyncset.s32 $0xFFFFF086  }
0x25: {  	[simem:s6], [sflag:s4] =	dma.local [hbm:s3], $0xF7A  }
0x26: {  	[smem:$0x3F9E] =	sst s1;
	(tag) =	ssettag s2;
	_ =	strace s9  }
0x27: {  	s1 =	sld [smem:$0x3FAE]  }
0x28: {  	s2 =	sld [smem:$0x3FAF]  }
0x29: {  	s4 =	sld [smem:$0x3FB1]  }
0x2a: {  	p0 =	seq.s32 s5, $0x0;
	s5 =	sld [smem:$0x3FB2]  }
0x2b: {  	s6 =	sld [smem:$0x3FB3]  }
0x2c: {  	s7 =	sld [smem:$0x3FB4]  }
0x2d: {  	s3 =	simm.s32 $0x108;
	s8 =	sld [smem:$0x3FB5]  }
0x2e: {  	s3 =	simm.s32 @!p0 $0x1082;
	s9 =	sld [smem:$0x3FB6]  }
0x2f: {  	lr =	sadd.s32 s0, s3;
	s0 =	sld [smem:$0x3FAD]  }
0x30: {  	s3 =	sld [smem:$0x3FB0]  }
0x31: {  	[smem:$0x3FB9] =	sst s10  }
0x32: {  	s10 =	sld [smem:$0x3FB7];
	_ =	sdelay $0x3  }
0x33: {  	p0 =	seq.s32 s10, $0x1;
	s10 =	sld [smem:$0x3FB9];
	_ =	sdelay $0x3  }
0x34: {  	[smem:$0x3FB9] =	sst s10  }
0x35: {  	s10 =	sld [smem:$0x3FB8];
	_ =	sdelay $0x3  }
0x36: {  	p1 =	seq.s32 s10, $0x1;
	s10 =	sld [smem:$0x3FB9];
	_ =	sdelay $0x3  }
0x37: {  	[smem:$0x3FB9] =	sst s10  }
0x38: {  	s10 =	sld [smem:$0x3FBA]  }
0x39: {  	_ = 	snop;
	(pc) =	sbr.ind lr, $3  }
0x3a: {  	_ = 	snop  }
0x3b: {  	_ = 	snop  }
0x3c: {  	p2 =	seq.s32 s10, $0x1;
	s10 =	sld [smem:$0x3FB9]  }
0x3d: {  	_ =	shalt  }
0x3e: {  	_ =	shalt  }
0x3f: {  	_ =	shalt  }
0x40: {  	_ =	shalt  }
0x41: {  	_ =	shalt  }
0x42: {  	_ =	shalt  }
0x43: {  	_ =	shalt  }
0x44: {  	_ =	shalt  }
0x45: {  	_ =	shalt  }
0x46: {  	_ =	shalt  }
0x47: {  	_ =	shalt  }
0x48: {  	_ =	shalt  }
0x49: {  	_ =	shalt  }
0x4a: {  	_ =	shalt  }
0x4b: {  	_ =	shalt  }
0x4c: {  	_ =	shalt  }
0x4d: {  	_ =	shalt  }
0x4e: {  	_ =	shalt  }
0x4f: {  	_ =	shalt  }
0x50: {  	_ =	shalt  }
0x51: {  	_ =	shalt  }
0x52: {  	_ =	shalt  }
0x53: {  	_ =	shalt  }
0x54: {  	_ =	shalt  }
0x55: {  	_ =	shalt  }
0x56: {  	_ =	shalt  }
0x57: {  	_ =	shalt  }
0x58: {  	_ =	shalt  }
0x59: {  	_ =	shalt  }
0x5a: {  	_ =	shalt  }
0x5b: {  	_ =	shalt  }
0x5c: {  	_ =	shalt  }
0x5d: {  	_ =	shalt  }
0x5e: {  	_ =	shalt  }
0x5f: {  	_ =	shalt  }
0x60: {  	_ =	shalt  }
0x61: {  	_ =	shalt  }
0x62: {  	_ =	shalt  }
0x63: {  	_ =	shalt  }
0x64: {  	_ =	shalt  }
0x65: {  	_ =	shalt  }
0x66: {  	_ =	shalt  }
0x67: {  	_ =	shalt  }
0x68: {  	_ =	shalt  }
0x69: {  	_ =	shalt  }
0x6a: {  	_ =	shalt  }
0x6b: {  	_ =	shalt  }
0x6c: {  	_ =	shalt  }
0x6d: {  	_ =	shalt  }
0x6e: {  	_ =	shalt  }
0x6f: {  	_ =	shalt  }
0x70: {  	_ =	shalt  }
0x71: {  	_ =	shalt  }
0x72: {  	_ =	shalt  }
0x73: {  	_ =	shalt  }
0x74: {  	_ =	shalt  }
0x75: {  	_ =	shalt  }
0x76: {  	_ =	shalt  }
0x77: {  	_ =	shalt  }
0x78: {  	_ =	shalt  }
0x79: {  	_ =	shalt  }
0x7a: {  	_ =	shalt  }
0x7b: {  	_ =	shalt  }
0x7c: {  	_ =	shalt  }
0x7d: {  	_ =	shalt  }
0x7e: {  	_ =	shalt  }
0x7f: {  	_ =	shalt  }
0x80: {  	_ =	shalt  }
0x81: {  	_ =	shalt  }
0x82: {  	_ =	shalt  }
0x83: {  	_ =	shalt  }
0x84: {  	_ =	shalt  }
0x85: {  	_ =	shalt  }
0x86: {  	_ =	shalt  }
0x87: {  	_ =	shalt  }
.Lfunc_end0:
.L_simem_size_0:
called_computation_lowered:
.L_overlay_start_0:
0x88: {  	s2 =	sld [smem:$0x3FD9]  }
0x89: {  	s3 =	sld [smem:$0x3FFE];
	_ =	sdelay $0x1  }
0x8a: {  	s1 =	srdreg.scid  }
0x8b: {  	s0 =	sand.u32 $0x1, s1  }
0x8c: {  	s17 =	sshll.u32 s0, $0xA;
	s2 =	sadd.s32 s3, s2  }
0x8d: {  	s2 =	sadd.s32 s2, s17  }
0x8e: {  	[smem:$0x3FC5] =	sst s2  }
0x8f: {  	_ = 	snop  }
0x90: {  	s2 =	sld [smem:$0x3FC7]  }
0x91: {  	s18 =	sld [smem:$0x3FD0];
	(tm) =	ssettm $0x1  }
0x92: {  	s4 =	sld [smem:$0x3FFB];
	_ =	sdelay $0x3  }
0x93: {  	_ =	strace s4  }
0x94: {  	s4 =	sld [smem:$0x3FFC];
	_ =	sdelay $0x3  }
0x95: {  	_ =	strace s4  }
0x96: {  	s4 =	sld [smem:$0x3FFD];
	_ =	sdelay $0x3  }
0x97: {  	_ =	strace s4  }
0x98: {  	_ =	strace $0x8FFFFFFF  }
0x99: {  	s19 =	sld [smem:$0x3FDB];
	_ =	sdelay $0x1  }
0x9a: {  	s5 =	simm.s32 $_scs_section_size  }
0x9b: {  	s6 =	simm.s32 $_size__tile_overlayer_lowered;
	s7 =	simm.s32 $_tile_overlayer_lowered  }
0x9c: {  	s22 =	simm.s32 $0x1BFF;
	s21 =	sshll.u32 s7, $0x1;
	s4 =	sadd.s32 s5, s19  }
0x9d: {  	s8 =	simm.s32 $0x0;
	s20 =	sshll.u32 s6, $0x1;
	s6 =	sadd.s32 s21, s4  }
0x9e: {  	[timem:s8], [sflag:s22] =	dma.local [hbm:s6], s20  }
0x9f: {  	_ =	swait.ge [sflag:s22], s20  }
0xa0: {  	s5 =	ssub.s32 $0x0, s20;
	[sflag:s22] =	ssyncset.done $0x0  }
0xa1: {  	[sflag:s22] =	ssyncadd.s32 s5;
	_ =	sdelay $0x1  }
0xa2: {  	s23 =	simm.s32 $0x1B8B  }
0xa3: {  	_ =	swait.ge [sflag:s23], $0x1  }
0xa4: {  	[sflag:s23] =	ssyncset.done $0x0  }
0xa5: {  	s25 =	simm.s32 $0x1B8E;
	s24 =	sld [smem:$0x3FFE];
	[sflag:s23] =	ssyncadd.s32 $0xFFFFFFFF  }
0xa6: {  	s26 =	simm.s32 $execute0_lowered;
	[smem:$0x3FD2] =	sst s25  }
0xa7: {  	s6 =	sshll.u32 s26, $0x1;
	_ =	strace $0x80000046;
	[dreg:$0x1] =	wrdreg $0xFFFFFFFF  }
0xa8: {  	s28 =	simm.s32 $_size_execute0_lowered;
	s4 =	sadd.s32 s4, s6;
	[dreg:$0x0] =	wrdreg $0x0  }
0xa9: {  	s6 =	sshll.u32 s28, $0x1;
	[dreg:$0x2] =	wrdreg s4  }
0xaa: {  	[dreg:$0x3] =	wrdreg s6  }
0xab: {  	[dreg:$0x4] =	wrdreg $0xC0  }
0xac: {  	_ =	task [dreg:s8], $0x5FFFF  }
0xad: {  	[dreg:$0x1] =	wrdreg $0xFFFFFFFF  }
0xae: {  	[dreg:$0x0] =	wrdreg $0x60  }
0xaf: {  	[dreg:$0x2] =	wrdreg s18  }
0xb0: {  	[dreg:$0x3] =	wrdreg s24  }
0xb1: {  	[dreg:$0x4] =	wrdreg s2  }
0xb2: {  	[dreg:$0x5] =	wrdreg $0x9  }
0xb3: {  	_ =	task.clear_ibuf [dreg:s8], $0x6FFFF;
	_ =	strace $0x90000046  }
0xb4: {  	s29 =	simm.s32 $0x9;
	_ =	strace $0x80000048  }
0xb5: {  	_ =	swait.ge [sflag:s29], $0x1  }
0xb6: {  	[sflag:s29] =	ssyncadd.s32 $0xFFFFFFFF  }
0xb7: {  	_ =	strace $0x90000048  }
0xb8: {  	_ =	sfence  }
0xb9: {  	s30 =	sld [smem:$0x0];
	_ =	sdelay $0x2  }
0xba: {  	s31 =	sshll.u32 s1, $0xD;
	s1 =	sshrl.u32 s1, $0x2  }
0xbb: {  	s3 =	sand.u32 $0x4000, s31;
	s1 =	sadd.s32 s1, s30  }
0xbc: {  	s0 =	sor.u32 s3, s0;
	s1 =	sshll.u32 s1, $0x11  }
0xbd: {  	s0 =	sor.u32 s1, s0  }
0xbe: {  	s0 =	sadd.s32 $0x8F2B, s0  }
0xbf: {  	[sflag:s0] =	ssyncadd.remote.s32 $0x1  }
0xc0: {  	_ =	sfence.sel $0xFFFF  }
0xc1: {  	[dreg:$0x0] =	wrdreg $0xFFFFFFFF;
	(pc) =	sbr.abs _section_cstart, $3  }
0xc2: {  	[dreg:$0x1] =	wrdreg $0xFFFFFFFF  }
0xc3: {  	_ =	task.clear_ibuf [dreg:s8], $0x2FFFF;
	_ =	strace $0x9FFFFFFF  }
0xc4: {  	(tm) =	ssettm $0x7FFFFFFF  }
0xc5: {  	_ =	shalt  }
tec
execute0_lowered:
.L_overlay_start_1:
0x0: {  	(tag) =	ssettag $0x1  }
0x1: {  	s5 =	rddreg [dreg:$0x0]  }
0x2: {  	s4 =	rddreg [dreg:$0x1]  }
0x3: {  	s3 =	srdreg.scid;
	s0 =	stileid.u32  }
0x4: {  	s11 =	simm.s32 $0x14000;
	s12 =	simm.s32 $0x1;
	s13 =	simm.s32 $0x3  }
0x5: {  	s14 =	simm.s32 $0x10000;
	s15 =	simm.s32 $0x12000;
	s16 =	simm.s32 $0x2  }
0x6: {  	s17 =	simm.s32 $0x0;
	s6 =	sand.u32 $0x1, s3;
	s3 =	simm.s32 $0x0  }
0x7: {  	s7 =	sshll.u32 s0, $0x8;
	s8 =	sshll.u32 s6, $0x7;
	s6 =	ssub.s32 $0x2, s6  }
0x8: {  	[smem:$0x7FF] =	sst s3;
	s8 =	sor.u32 s8, s7;
	s10 =	sshrl.u32 s6, $0x1  }
0x9: {  	_ =	strace $0x80000047;
	s7 =	sshll.u32 s8, $0x5;
	s10 =	ssub.s32 s6, s10  }
0xa: {  	s31 =	sshll.u32 s8, $0x7;
	s8 =	sshrl.u32 s8, $0x3;
	s9 =	sadd.s32 s7, s4  }
0xb: {  	s4 =	sadd.s32 $0x20600, s4;
	s5 =	sadd.s32 s5, s7;
	s6 =	sadd.s32 $0x600, s9  }
0xc: {  	v0 =	vimm.f32 $0.0e+00;
	vm0 =	vcmask $0x3F20;
	v1 =	vimm.s32 $0x0;
	s7 =	sadd.s32 s4, s31;
	s9 =	smax.u32 s10, $0x1;
	s10 =	simm.s32 $0x8000  }
.LBB2_1:
0xd: {  	[tilespmem:s3], [sflag:$0x3] =	stream.linear.gather [hbm4b:s5+s3], $0x8000, $0x38;
	[tilespmem:$0x14100] =	vst v63  }
0xe: {  	s18 =	simm.s32 $0x0  }
0xf: {  	s19 =	sand.u32 $0x40, s3;
	s20 =	sand.u32 $0x1C00, s18  }
0x10: {  	[tilespmem:s10], [sflag:$0x3] =	stream.linear.gather [hbm4b:s6+s3], $0x8000, $0x38;
	[tilespmem:$0x14100] =	vst v63  }
0x11: {  	s0 =	rddreg [dreg:$0x2];
	s19 =	sor.u32 s19, s20  }
0x12: {  	[tilespmem:s11], [sflag:$0x3] =	stream.linear.gather [hbm4b:s0+s3], $0x100, $0x38;
	[tilespmem:$0x14100] =	vst v63  }
0x13: {  	[tilespmem:s19+$0x101B0] =	vst v0  }
0x14: {  	[tilespmem:s19+$0x101A0] =	vst v0  }
0x15: {  	[tilespmem:s19+$0x10190] =	vst v0  }
0x16: {  	[tilespmem:s19+$0x10180] =	vst v0  }
0x17: {  	[tilespmem:s19+$0x10130] =	vst v0  }
0x18: {  	[tilespmem:s19+$0x10120] =	vst v0  }
0x19: {  	[tilespmem:s19+$0x10110] =	vst v0  }
0x1a: {  	[tilespmem:s19+$0x100A0] =	vst v0  }
0x1b: {  	[tilespmem:s19+$0x10100] =	vst v0  }
0x1c: {  	[tilespmem:s19+$0x100B0] =	vst v0  }
0x1d: {  	p0 =	por $0x0, $0x0;
	s20 =	simm.s32 $0x1;
	[tilespmem:s19+$0x10080] =	vst v0  }
0x1e: {  	s20 =	simm.s32 @!p0 $0x0;
	[tilespmem:s19+$0x10030] =	vst v0  }
0x1f: {  	s20 =	sshll.u32 s20, $0x6;
	[tilespmem:s19+$0x10020] =	vst v0  }
0x20: {  	s21 =	sadd.s32 $0x30, s20;
	[tilespmem:s19+$0x10010] =	vst v0  }
0x21: {  	[tilespmem:s19+$0x10090] =	vst v0;
	s22 =	sadd.s32 $0xFFFFFFD0, s21  }
0x22: {  	[tilespmem:s19+$0x10000] =	vst v0;
	s23 =	sadd.s32 $0xFFFFFFE0, s21;
	s24 =	sor.u32 $0x200, s22  }
0x23: {  	s30 =	sadd.s32 $0x0, s20;
	s25 =	sadd.s32 $0xFFFFFFF0, s21;
	s31 =	sor.u32 $0x200, s23;
	[tilespmem:s24+$0x10000] =	vst v0  }
0x24: {  	s19 =	sadd.s32 $0x30, s30;
	s21 =	sor.u32 $0x200, s25;
	[tilespmem:s31+$0x10000] =	vst v0  }
0x25: {  	s0 =	sor.u32 $0x200, s19;
	[tilespmem:s21+$0x10000] =	vst v0  }
0x26: {  	s1 =	sor.u32 $0x280, s22;
	[tilespmem:s0+$0x10000] =	vst v0  }
0x27: {  	s2 =	sor.u32 $0x280, s23;
	[tilespmem:s1+$0x10000] =	vst v0  }
0x28: {  	s24 =	sor.u32 $0x280, s25;
	[tilespmem:s2+$0x10000] =	vst v0  }
0x29: {  	s26 =	sor.u32 $0x280, s19;
	[tilespmem:s24+$0x10000] =	vst v0  }
0x2a: {  	s28 =	sor.u32 $0x300, s22;
	[tilespmem:s26+$0x10000] =	vst v0  }
0x2b: {  	s29 =	sor.u32 $0x300, s23;
	[tilespmem:s28+$0x10000] =	vst v0  }
0x2c: {  	s30 =	sor.u32 $0x300, s25;
	[tilespmem:s29+$0x10000] =	vst v0  }
0x2d: {  	s18 =	sor.u32 s18, s3;
	s31 =	sor.u32 $0x300, s19;
	[tilespmem:s30+$0x10000] =	vst v0  }
0x2e: {  	s18 =	sor.u32 $0x380, s18;
	s22 =	simm.s32 $0x230;
	s20 =	sor.u32 $0x380, s23;
	[tilespmem:s31+$0x10000] =	vst v0  }
0x2f: {  	s23 =	sor.u32 $0x380, s25;
	s21 =	sor.u32 $0x380, s19;
	[tilespmem:s18+$0x10000] =	vst v0;
	s18 =	simm.s32 $0x40  }
.LBB2_2:
0x30: {  	s24 =	sadd.s32 $0xFFFFFFD0, s22  }
0x31: {  	[tilespmem:s20+$0x10000] =	vst v0;
	p0 =	por !p0, !p0;
	s25 =	smov.u32 s22;
	s19 =	sadd.s32 $0x200, s22  }
0x32: {  	s26 =	sand.u32 $0x40, s18;
	s28 =	sand.u32 $0x1C00, s24;
	s20 =	sor.u32 s24, s18;
	[tilespmem:s23+$0x10000] =	vst v0  }
0x33: {  	p1 =	sne.s32 s22, $0x1E30;
	s23 =	sor.u32 s26, s28;
	[tilespmem:s21+$0x10000] =	vst v0  }
0x34: {  	[tilespmem:s23+$0x101B0] =	vst v0  }
0x35: {  	[tilespmem:s23+$0x101A0] =	vst v0  }
0x36: {  	[tilespmem:s23+$0x10190] =	vst v0  }
0x37: {  	[tilespmem:s23+$0x10180] =	vst v0  }
0x38: {  	[tilespmem:s23+$0x10130] =	vst v0  }
0x39: {  	[tilespmem:s23+$0x10120] =	vst v0  }
0x3a: {  	[tilespmem:s23+$0x10110] =	vst v0  }
0x3b: {  	[tilespmem:s23+$0x100A0] =	vst v0  }
0x3c: {  	[tilespmem:s23+$0x10100] =	vst v0  }
0x3d: {  	s21 =	simm.s32 $0x1;
	[tilespmem:s23+$0x100B0] =	vst v0  }
0x3e: {  	s21 =	simm.s32 @!p0 $0x0;
	[tilespmem:s23+$0x10080] =	vst v0  }
0x3f: {  	s21 =	sshll.u32 s21, $0x6;
	[tilespmem:s23+$0x10030] =	vst v0  }
0x40: {  	s22 =	sadd.s32 s24, s21;
	s21 =	sadd.s32 s25, s21;
	[tilespmem:s23+$0x10020] =	vst v0  }
0x41: {  	s24 =	sadd.s32 $0xFFFFFFD0, s21;
	s25 =	sadd.s32 $0xFFFFFFE0, s21;
	s26 =	sadd.s32 $0xFFFFFFF0, s21;
	[tilespmem:s23+$0x10010] =	vst v0  }
0x42: {  	s22 =	sadd.s32 $0x30, s22;
	s28 =	sor.u32 $0x200, s24;
	[tilespmem:s23+$0x10090] =	vst v0  }
0x43: {  	s21 =	sor.u32 $0x380, s22;
	[tilespmem:s23+$0x10000] =	vst v0;
	s23 =	sor.u32 $0x200, s25  }
0x44: {  	[tilespmem:s28+$0x10000] =	vst v0;
	s28 =	sor.u32 $0x200, s26  }
0x45: {  	[tilespmem:s23+$0x10000] =	vst v0;
	s23 =	sor.u32 $0x200, s22  }
0x46: {  	[tilespmem:s28+$0x10000] =	vst v0;
	s28 =	sor.u32 $0x280, s24  }
0x47: {  	[tilespmem:s23+$0x10000] =	vst v0;
	s23 =	sor.u32 $0x280, s25  }
0x48: {  	[tilespmem:s28+$0x10000] =	vst v0;
	s28 =	sor.u32 $0x280, s26  }
0x49: {  	[tilespmem:s23+$0x10000] =	vst v0;
	s23 =	sor.u32 $0x280, s22  }
0x4a: {  	s24 =	sor.u32 $0x300, s24;
	[tilespmem:s28+$0x10000] =	vst v0  }
0x4b: {  	[tilespmem:s23+$0x10000] =	vst v0;
	s23 =	sor.u32 $0x300, s25  }
.Ltmp0:
0x4c: {  	[tilespmem:s24+$0x10000] =	vst v0;
	s24 =	sor.u32 $0x300, s26;
	(pc) =	sbr.rel @p1 .LBB2_2-.Ltmp0, $4  }
0x4d: {  	s22 =	sor.u32 $0x300, s22;
	[tilespmem:s23+$0x10000] =	vst v0  }
0x4e: {  	s23 =	sor.u32 $0x380, s20;
	[tilespmem:s24+$0x10000] =	vst v0  }
0x4f: {  	s20 =	sor.u32 $0x380, s25;
	[tilespmem:s22+$0x10000] =	vst v0  }
0x50: {  	s18 =	sadd.s32 $0x40, s18;
	s22 =	smov.u32 s19;
	[tilespmem:s23+$0x10000] =	vst v0;
	s23 =	sor.u32 $0x380, s26  }
0x51: {  	[tilespmem:s20+$0x10000] =	vst v0  }
0x52: {  	[tilespmem:s23+$0x10000] =	vst v0  }
0x53: {  	[tilespmem:s21+$0x10000] =	vst v0  }
0x54: {  	[tilespmem:$0x11C58] =	vst v0  }
0x55: {  	[tilespmem:$0x11CD8] =	vst v0  }
0x56: {  	[tilespmem:$0x11D58] =	vst v0  }
0x57: {  	[tilespmem:$0x11DD8] =	vst v0  }
0x58: {  	[tilespmem:$0x11E58] =	vst v0  }
0x59: {  	s18 =	simm.s32 $0x0;
	s19 =	simm.s32 $0x0;
	[tilespmem:$0x11ED8] =	vst v0  }
0x5a: {  	s25 =	sand.u32 $0x40, s18;
	s26 =	sand.u32 $0x1C00, s19;
	[tilespmem:$0x11F58] =	vst v0  }
0x5b: {  	s20 =	sor.u32 s25, s26;
	[tilespmem:$0x11FD8] =	vst v0  }
0x5c: {  	[tilespmem:s20+$0x121B0] =	vst v0  }
0x5d: {  	[tilespmem:s20+$0x121A0] =	vst v0  }
0x5e: {  	[tilespmem:s20+$0x12190] =	vst v0  }
0x5f: {  	[tilespmem:s20+$0x12180] =	vst v0  }
0x60: {  	[tilespmem:s20+$0x12130] =	vst v0  }
0x61: {  	[tilespmem:s20+$0x12120] =	vst v0  }
0x62: {  	[tilespmem:s20+$0x12110] =	vst v0  }
0x63: {  	[tilespmem:s20+$0x120A0] =	vst v0  }
0x64: {  	[tilespmem:s20+$0x12100] =	vst v0  }
0x65: {  	[tilespmem:s20+$0x120B0] =	vst v0  }
0x66: {  	p0 =	por $0x0, $0x0;
	s21 =	simm.s32 $0x1;
	[tilespmem:s20+$0x12080] =	vst v0  }
0x67: {  	s21 =	simm.s32 @!p0 $0x0;
	[tilespmem:s20+$0x12030] =	vst v0  }
0x68: {  	[tilespmem:s20+$0x12020] =	vst v0;
	s21 =	sshll.u32 s21, $0x6  }
0x69: {  	[tilespmem:s20+$0x12090] =	vst v0;
	s22 =	sadd.s32 $0x30, s21  }
0x6a: {  	[tilespmem:s20+$0x12010] =	vst v0;
	s28 =	sadd.s32 $0xFFFFFFD0, s22  }
0x6b: {  	[tilespmem:s20+$0x12000] =	vst v0;
	s24 =	sadd.s32 $0xFFFFFFE0, s22;
	s25 =	sor.u32 $0x200, s28  }
0x6c: {  	s29 =	sadd.s32 $0x0, s21;
	s26 =	sadd.s32 $0xFFFFFFF0, s22;
	s30 =	sor.u32 $0x200, s24;
	[tilespmem:s25+$0x12000] =	vst v0  }
0x6d: {  	s20 =	sadd.s32 $0x30, s29;
	s22 =	sor.u32 $0x200, s26;
	[tilespmem:s30+$0x12000] =	vst v0  }
0x6e: {  	s31 =	sor.u32 $0x200, s20;
	[tilespmem:s22+$0x12000] =	vst v0  }
0x6f: {  	s0 =	sor.u32 $0x280, s28;
	[tilespmem:s31+$0x12000] =	vst v0  }
0x70: {  	s1 =	sor.u32 $0x280, s24;
	[tilespmem:s0+$0x12000] =	vst v0  }
0x71: {  	s2 =	sor.u32 $0x280, s26;
	[tilespmem:s1+$0x12000] =	vst v0  }
0x72: {  	s25 =	sor.u32 $0x280, s20;
	[tilespmem:s2+$0x12000] =	vst v0  }
0x73: {  	s28 =	sor.u32 $0x300, s28;
	[tilespmem:s25+$0x12000] =	vst v0  }
0x74: {  	s29 =	sor.u32 $0x300, s24;
	[tilespmem:s28+$0x12000] =	vst v0  }
0x75: {  	s30 =	sor.u32 $0x300, s26;
	[tilespmem:s29+$0x12000] =	vst v0  }
0x76: {  	s18 =	sor.u32 s19, s18;
	s31 =	sor.u32 $0x300, s20;
	[tilespmem:s30+$0x12000] =	vst v0  }
0x77: {  	s18 =	sor.u32 $0x380, s18;
	s21 =	sor.u32 $0x380, s20;
	s23 =	sor.u32 $0x380, s26;
	[tilespmem:s31+$0x12000] =	vst v0  }
0x78: {  	s22 =	simm.s32 $0x230;
	s20 =	sor.u32 $0x380, s24;
	[tilespmem:s18+$0x12000] =	vst v0;
	s18 =	simm.s32 $0x40  }
.LBB2_4:
0x79: {  	s24 =	sadd.s32 $0xFFFFFFD0, s22  }
0x7a: {  	[tilespmem:s20+$0x12000] =	vst v0;
	p0 =	por !p0, !p0;
	s25 =	smov.u32 s22;
	s19 =	sadd.s32 $0x200, s22  }
0x7b: {  	s26 =	sand.u32 $0x40, s18;
	s28 =	sand.u32 $0x1C00, s24;
	s20 =	sor.u32 s24, s18;
	[tilespmem:s23+$0x12000] =	vst v0  }
0x7c: {  	p1 =	sne.s32 s22, $0x1E30;
	s23 =	sor.u32 s26, s28;
	[tilespmem:s21+$0x12000] =	vst v0  }
0x7d: {  	[tilespmem:s23+$0x121B0] =	vst v0  }
0x7e: {  	[tilespmem:s23+$0x121A0] =	vst v0  }
0x7f: {  	[tilespmem:s23+$0x12190] =	vst v0  }
0x80: {  	[tilespmem:s23+$0x12180] =	vst v0  }
0x81: {  	[tilespmem:s23+$0x12130] =	vst v0  }
0x82: {  	[tilespmem:s23+$0x12120] =	vst v0  }
0x83: {  	[tilespmem:s23+$0x12110] =	vst v0  }
0x84: {  	[tilespmem:s23+$0x120A0] =	vst v0  }
0x85: {  	[tilespmem:s23+$0x12100] =	vst v0  }
0x86: {  	s21 =	simm.s32 $0x1;
	[tilespmem:s23+$0x120B0] =	vst v0  }
0x87: {  	s21 =	simm.s32 @!p0 $0x0;
	[tilespmem:s23+$0x12080] =	vst v0  }
0x88: {  	s21 =	sshll.u32 s21, $0x6;
	[tilespmem:s23+$0x12030] =	vst v0  }
0x89: {  	s22 =	sadd.s32 s24, s21;
	s21 =	sadd.s32 s25, s21;
	[tilespmem:s23+$0x12020] =	vst v0  }
0x8a: {  	s24 =	sadd.s32 $0xFFFFFFD0, s21;
	s25 =	sadd.s32 $0xFFFFFFE0, s21;
	s26 =	sadd.s32 $0xFFFFFFF0, s21;
	[tilespmem:s23+$0x12010] =	vst v0  }
0x8b: {  	s22 =	sadd.s32 $0x30, s22;
	s28 =	sor.u32 $0x200, s24;
	[tilespmem:s23+$0x12090] =	vst v0  }
0x8c: {  	s21 =	sor.u32 $0x380, s22;
	[tilespmem:s23+$0x12000] =	vst v0;
	s23 =	sor.u32 $0x200, s25  }
0x8d: {  	[tilespmem:s28+$0x12000] =	vst v0;
	s28 =	sor.u32 $0x200, s26  }
0x8e: {  	[tilespmem:s23+$0x12000] =	vst v0;
	s23 =	sor.u32 $0x200, s22  }
0x8f: {  	[tilespmem:s28+$0x12000] =	vst v0;
	s28 =	sor.u32 $0x280, s24  }
0x90: {  	[tilespmem:s23+$0x12000] =	vst v0;
	s23 =	sor.u32 $0x280, s25  }
0x91: {  	[tilespmem:s28+$0x12000] =	vst v0;
	s28 =	sor.u32 $0x280, s26  }
0x92: {  	[tilespmem:s23+$0x12000] =	vst v0;
	s23 =	sor.u32 $0x280, s22  }
0x93: {  	s24 =	sor.u32 $0x300, s24;
	[tilespmem:s28+$0x12000] =	vst v0  }
0x94: {  	[tilespmem:s23+$0x12000] =	vst v0;
	s23 =	sor.u32 $0x300, s25  }
.Ltmp1:
0x95: {  	[tilespmem:s24+$0x12000] =	vst v0;
	s24 =	sor.u32 $0x300, s26;
	(pc) =	sbr.rel @p1 .LBB2_4-.Ltmp1, $4  }
0x96: {  	s22 =	sor.u32 $0x300, s22;
	[tilespmem:s23+$0x12000] =	vst v0  }
0x97: {  	s23 =	sor.u32 $0x380, s20;
	[tilespmem:s24+$0x12000] =	vst v0  }
0x98: {  	s20 =	sor.u32 $0x380, s25;
	[tilespmem:s22+$0x12000] =	vst v0  }
0x99: {  	s18 =	sadd.s32 $0x40, s18;
	s22 =	smov.u32 s19;
	[tilespmem:s23+$0x12000] =	vst v0;
	s23 =	sor.u32 $0x380, s26  }
0x9a: {  	[tilespmem:s20+$0x12000] =	vst v0  }
0x9b: {  	[tilespmem:s23+$0x12000] =	vst v0  }
0x9c: {  	[tilespmem:s21+$0x12000] =	vst v0  }
0x9d: {  	[tilespmem:$0x13C58] =	vst v0  }
0x9e: {  	[tilespmem:$0x13CD8] =	vst v0  }
0x9f: {  	[tilespmem:$0x13D58] =	vst v0  }
0xa0: {  	[tilespmem:$0x13DD8] =	vst v0  }
0xa1: {  	[tilespmem:$0x13E58] =	vst v0  }
0xa2: {  	[tilespmem:$0x13ED8] =	vst v0  }
0xa3: {  	[tilespmem:$0x13F58] =	vst v0  }
0xa4: {  	[tilespmem:$0x13FD8] =	vst v0  }
0xa5: {  	_ =	swait.ge [sflag:s13], $0x8000  }
0xa6: {  	[sflag:s13] =	ssyncset.done $0x0  }
0xa7: {  	[sflag:s13] =	ssyncadd.s32 $0xFFFF8000  }
0xa8: {  	_ =	swait.ge [sflag:s13], $0x8000  }
0xa9: {  	[sflag:s13] =	ssyncset.done $0x0  }
0xaa: {  	[sflag:s13] =	ssyncadd.s32 $0xFFFF8000  }
0xab: {  	s18 =	simm.s32 $0x0;
	_ =	swait.ge [sflag:s13], $0x100  }
0xac: {  	s19 =	simm.s32 $0x438;
	s20 =	simm.s32 $0x8000;
	[sflag:s13] =	ssyncset.done $0x0  }
0xad: {  	s22 =	simm.s32 $0x8800;
	s21 =	simm.s32 $0x800;
	[sflag:s13] =	ssyncadd.s32 $0xFFFFFF00  }
.LBB2_6:
0xae: {  	p0 =	seq.s32 s18, $0x0  }
.Ltmp2:
0xaf: {  	_ = 	snop;
	(pc) =	sbr.rel @p0 .LBB2_10-.Ltmp2, $1  }
0xb0: {  	_ =	sdelay $0x3  }
0xb1: {  	_ =	swait.ge [sflag:s12], $0x2000;
	s23 =	simm.s32 $0x0;
	s24 =	simm.s32 $0x0  }
0xb2: {  	[sflag:s12] =	ssyncset.done $0x0;
	s25 =	sand.u32 $0x40, s23;
	s26 =	sand.u32 $0x1C00, s24  }
0xb3: {  	[sflag:s12] =	ssyncadd.s32 $0xFFFFE000;
	s25 =	sor.u32 s25, s26  }
0xb4: {  	[tilespmem:s25+$0x101B0] =	vst v0  }
0xb5: {  	[tilespmem:s25+$0x101A0] =	vst v0  }
0xb6: {  	[tilespmem:s25+$0x10190] =	vst v0  }
0xb7: {  	[tilespmem:s25+$0x10180] =	vst v0  }
0xb8: {  	[tilespmem:s25+$0x10130] =	vst v0  }
0xb9: {  	[tilespmem:s25+$0x10120] =	vst v0  }
0xba: {  	[tilespmem:s25+$0x10110] =	vst v0  }
0xbb: {  	[tilespmem:s25+$0x100A0] =	vst v0  }
0xbc: {  	[tilespmem:s25+$0x10100] =	vst v0  }
0xbd: {  	[tilespmem:s25+$0x100B0] =	vst v0  }
0xbe: {  	p1 =	por $0x0, $0x0;
	s26 =	simm.s32 $0x1;
	[tilespmem:s25+$0x10080] =	vst v0  }
0xbf: {  	s26 =	simm.s32 @!p1 $0x0;
	[tilespmem:s25+$0x10030] =	vst v0  }
0xc0: {  	[tilespmem:s25+$0x10020] =	vst v0;
	s26 =	sshll.u32 s26, $0x6  }
0xc1: {  	[tilespmem:s25+$0x10010] =	vst v0;
	s28 =	sadd.s32 $0x30, s26  }
0xc2: {  	[tilespmem:s25+$0x10090] =	vst v0;
	s29 =	sadd.s32 $0xFFFFFFD0, s28  }
0xc3: {  	[tilespmem:s25+$0x10000] =	vst v0;
	s30 =	sadd.s32 $0xFFFFFFE0, s28;
	s31 =	sor.u32 $0x200, s29  }
0xc4: {  	s26 =	sadd.s32 $0x0, s26;
	s0 =	sadd.s32 $0xFFFFFFF0, s28;
	s1 =	sor.u32 $0x200, s30;
	[tilespmem:s31+$0x10000] =	vst v0  }
0xc5: {  	s25 =	sadd.s32 $0x30, s26;
	s28 =	sor.u32 $0x200, s0;
	[tilespmem:s1+$0x10000] =	vst v0  }
0xc6: {  	s2 =	sor.u32 $0x200, s25;
	[tilespmem:s28+$0x10000] =	vst v0  }
0xc7: {  	s28 =	sor.u32 $0x280, s29;
	[tilespmem:s2+$0x10000] =	vst v0  }
0xc8: {  	s31 =	sor.u32 $0x280, s30;
	[tilespmem:s28+$0x10000] =	vst v0  }
0xc9: {  	s28 =	sor.u32 $0x280, s0;
	[tilespmem:s31+$0x10000] =	vst v0  }
0xca: {  	s1 =	sor.u32 $0x280, s25;
	[tilespmem:s28+$0x10000] =	vst v0  }
0xcb: {  	s28 =	sor.u32 $0x300, s29;
	[tilespmem:s1+$0x10000] =	vst v0  }
0xcc: {  	s2 =	sor.u32 $0x300, s30;
	[tilespmem:s28+$0x10000] =	vst v0  }
0xcd: {  	s28 =	sor.u32 $0x300, s0;
	[tilespmem:s2+$0x10000] =	vst v0  }
0xce: {  	s23 =	sor.u32 s24, s23;
	s31 =	sor.u32 $0x300, s25;
	[tilespmem:s28+$0x10000] =	vst v0  }
0xcf: {  	s23 =	sor.u32 $0x380, s23;
	s26 =	sor.u32 $0x380, s25;
	s25 =	sor.u32 $0x380, s30;
	[tilespmem:s31+$0x10000] =	vst v0  }
0xd0: {  	s29 =	sor.u32 $0x380, s0;
	s28 =	simm.s32 $0x230;
	[tilespmem:s23+$0x10000] =	vst v0;
	s23 =	simm.s32 $0x40  }
.LBB2_8:
0xd1: {  	s0 =	sadd.s32 $0xFFFFFFD0, s28  }
0xd2: {  	[tilespmem:s25+$0x10000] =	vst v0;
	p1 =	por !p1, !p1;
	s30 =	smov.u32 s28;
	s24 =	sadd.s32 $0x200, s28  }
0xd3: {  	s31 =	sand.u32 $0x40, s23;
	s1 =	sand.u32 $0x1C00, s0;
	s25 =	sor.u32 s0, s23;
	[tilespmem:s29+$0x10000] =	vst v0  }
0xd4: {  	p2 =	sne.s32 s28, $0x1E30;
	s1 =	sor.u32 s31, s1;
	[tilespmem:s26+$0x10000] =	vst v0  }
0xd5: {  	[tilespmem:s1+$0x101B0] =	vst v0  }
0xd6: {  	[tilespmem:s1+$0x101A0] =	vst v0  }
0xd7: {  	[tilespmem:s1+$0x10190] =	vst v0  }
0xd8: {  	[tilespmem:s1+$0x10180] =	vst v0  }
0xd9: {  	[tilespmem:s1+$0x10130] =	vst v0  }
0xda: {  	[tilespmem:s1+$0x10120] =	vst v0  }
0xdb: {  	[tilespmem:s1+$0x10110] =	vst v0  }
0xdc: {  	[tilespmem:s1+$0x100A0] =	vst v0  }
0xdd: {  	[tilespmem:s1+$0x10100] =	vst v0  }
0xde: {  	s26 =	simm.s32 $0x1;
	[tilespmem:s1+$0x100B0] =	vst v0  }
0xdf: {  	s26 =	simm.s32 @!p1 $0x0;
	[tilespmem:s1+$0x10080] =	vst v0  }
0xe0: {  	s26 =	sshll.u32 s26, $0x6;
	[tilespmem:s1+$0x10030] =	vst v0  }
0xe1: {  	s0 =	sadd.s32 s0, s26;
	s26 =	sadd.s32 s30, s26;
	[tilespmem:s1+$0x10020] =	vst v0  }
0xe2: {  	s28 =	sadd.s32 $0xFFFFFFD0, s26;
	s29 =	sadd.s32 $0xFFFFFFE0, s26;
	s30 =	sadd.s32 $0xFFFFFFF0, s26;
	[tilespmem:s1+$0x10010] =	vst v0  }
0xe3: {  	s0 =	sadd.s32 $0x30, s0;
	s31 =	sor.u32 $0x200, s28;
	[tilespmem:s1+$0x10090] =	vst v0  }
0xe4: {  	s26 =	sor.u32 $0x380, s0;
	[tilespmem:s1+$0x10000] =	vst v0;
	s1 =	sor.u32 $0x200, s29  }
0xe5: {  	[tilespmem:s31+$0x10000] =	vst v0;
	s31 =	sor.u32 $0x200, s30  }
0xe6: {  	[tilespmem:s1+$0x10000] =	vst v0;
	s1 =	sor.u32 $0x200, s0  }
0xe7: {  	[tilespmem:s31+$0x10000] =	vst v0;
	s31 =	sor.u32 $0x280, s28  }
0xe8: {  	[tilespmem:s1+$0x10000] =	vst v0;
	s1 =	sor.u32 $0x280, s29  }
0xe9: {  	[tilespmem:s31+$0x10000] =	vst v0;
	s31 =	sor.u32 $0x280, s30  }
0xea: {  	[tilespmem:s1+$0x10000] =	vst v0;
	s1 =	sor.u32 $0x280, s0  }
0xeb: {  	s28 =	sor.u32 $0x300, s28;
	[tilespmem:s31+$0x10000] =	vst v0  }
0xec: {  	[tilespmem:s1+$0x10000] =	vst v0;
	s1 =	sor.u32 $0x300, s29  }
.Ltmp3:
0xed: {  	[tilespmem:s28+$0x10000] =	vst v0;
	s28 =	sor.u32 $0x300, s30;
	(pc) =	sbr.rel @p2 .LBB2_8-.Ltmp3, $4  }
0xee: {  	s0 =	sor.u32 $0x300, s0;
	[tilespmem:s1+$0x10000] =	vst v0  }
0xef: {  	s1 =	sor.u32 $0x380, s25;
	[tilespmem:s28+$0x10000] =	vst v0  }
0xf0: {  	s25 =	sor.u32 $0x380, s29;
	[tilespmem:s0+$0x10000] =	vst v0  }
0xf1: {  	s23 =	sadd.s32 $0x40, s23;
	s29 =	sor.u32 $0x380, s30;
	s28 =	smov.u32 s24;
	[tilespmem:s1+$0x10000] =	vst v0  }
0xf2: {  	[tilespmem:s25+$0x10000] =	vst v0  }
0xf3: {  	[tilespmem:s29+$0x10000] =	vst v0  }
0xf4: {  	[tilespmem:s26+$0x10000] =	vst v0  }
0xf5: {  	[tilespmem:$0x11C58] =	vst v0  }
0xf6: {  	[tilespmem:$0x11CD8] =	vst v0  }
0xf7: {  	[tilespmem:$0x11D58] =	vst v0  }
0xf8: {  	[tilespmem:$0x11DD8] =	vst v0  }
0xf9: {  	[tilespmem:$0x11E58] =	vst v0  }
0xfa: {  	[tilespmem:$0x11ED8] =	vst v0  }
0xfb: {  	[tilespmem:$0x11F58] =	vst v0  }
0xfc: {  	[tilespmem:$0x11FD8] =	vst v0  }
.LBB2_10:
0xfd: {  	v2 =	vmov s20;
	_ =	sdelay $0x2  }
0xfe: {  	s23 =	sshll.u32 s18, $0x1;
	s24 =	simm.s32 $0x0;
	v3 =	vmov s19;
	s25 =	simm.s32 $0x0  }
.LBB2_11:
0xff: {  	s26 =	sshra.s32 s24, $0x2  }
0x100: {  	v7 =	vld.idx.msk [tilespmem:v2+s26+$0x0 ss:$0x1], $0xffff  }
0x101: {  	v8 =	vld.idx.msk [tilespmem:v2+s26+$0x10 ss:$0x1], $0xffff  }
0x102: {  	v9 =	vld.idx.msk [tilespmem:v2+s26+$0x20 ss:$0x1], $0xffff  }
0x103: {  	v10 =	vld.idx.msk [tilespmem:v2+s26+$0x30 ss:$0x1], $0xffff  }
0x104: {  	v11 =	vld.idx.msk [tilespmem:v2+s26+$0x40 ss:$0x1], $0xffff  }
0x105: {  	v12 =	vld.idx.msk [tilespmem:v2+s26+$0x50 ss:$0x1], $0xffff  }
0x106: {  	v13 =	vld.idx.msk [tilespmem:v2+s26+$0x60 ss:$0x1], $0xffff  }
0x107: {  	v14 =	vld.idx.msk [tilespmem:v2+s26+$0x70 ss:$0x1], $0xffff;
	vm6 =	vge.f32 v7, $1.000000010e-01;
	vm7 =	vge.f32 v8, $1.000000010e-01;
	vm5 =	vge.f32 v9, $1.000000010e-01  }
0x108: {  	v15 =	vld.idx.msk [tilespmem:v2+s26+$0x400 ss:$0x1], $0xffff;
	vm4 =	vge.f32 v10, $1.000000010e-01;
	v4 =	vsel vm6, $0x1, v1;
	v5 =	vsel vm7, $0x1, v1  }
0x109: {  	v16 =	vld.idx.msk [tilespmem:v2+s26+$0x410 ss:$0x1], $0xffff;
	vm8 =	vge.f32 v11, $1.000000010e-01;
	v6 =	vsel vm5, $0x1, v1;
	v5 =	vadd.s32 v4, v5  }
0x10a: {  	vm9 =	vge.f32 v12, $1.000000010e-01;
	v17 =	vsel vm4, $0x1, v1;
	v4 =	vld.idx.msk [tilespmem:v2+s26+$0x420 ss:$0x1], $0xffff;
	v6 =	vadd.s32 v6, v5  }
0x10b: {  	vm10 =	vge.f32 v13, $1.000000010e-01;
	v18 =	vsel vm8, $0x1, v1;
	v5 =	vld.idx.msk [tilespmem:v2+s26+$0x430 ss:$0x1], $0xffff;
	v17 =	vadd.s32 v17, v6  }
0x10c: {  	vm12 =	vge.f32 v14, $1.000000010e-01;
	v19 =	vsel vm9, $0x1, v1;
	v6 =	vld.idx.msk [tilespmem:v2+s26+$0x438 ss:$0x1], $0xffff;
	v17 =	vadd.s32 v18, v17  }
0x10d: {  	vm11 =	vge.f32 v15, $1.000000010e-01;
	v54 =	vsel vm10, $0x1, v1;
	v17 =	vadd.s32 v19, v17  }
0x10e: {  	vm13 =	vge.f32 v16, $1.000000010e-01;
	v55 =	vsel vm12, $0x1, v1;
	v17 =	vadd.s32 v54, v17  }
0x10f: {  	v56 =	vsel vm11, $0x1, v1;
	v57 =	vsel vm13, $0x1, v1;
	v17 =	vadd.s32 v55, v17  }
0x110: {  	vm2 =	vge.f32 v4, $1.000000010e-01;
	vm1 =	vge.f32 v5, $1.000000010e-01;
	v17 =	vadd.s32 v56, v17  }
0x111: {  	v58 =	vsel vm2, $0x1, v1;
	vm3 =	vge.f32 v6, $1.000000010e-01;
	v17 =	vadd.s32 v57, v17  }
0x112: {  	v59 =	vsel vm1, $0x1, v1;
	vm3 =	vmand vm3, vm0;
	v17 =	vadd.s32 v58, v17  }
0x113: {  	v60 =	vsel vm3, $0x1, v1;
	v17 =	vadd.s32 v59, v17  }
0x114: {  	v17 =	vadd.s32 v60, v17  }
0x115: {  	(xrf0) =	vadd.scan.msk.s32 $0xffff, v17;
	_ =	sdelay $0x5  }
0x116: {  	v17, _, _ =	vpop (xrf0)  }
0x117: {  	v63 =	vld.idx.msk [tilespmem:v3+s26+$0xFFFFFBC8 ss:$0x1], $0xffff;
	v17 =	vbroadcast v17, $0xF  }
0x118: {  	v28 =	vld.idx.msk [tilespmem:v3+s26+$0xFFFFFBD8 ss:$0x1], $0xffff  }
0x119: {  	v23 =	vld.idx.msk [tilespmem:v3+s26+$0xFFFFFBE8 ss:$0x1], $0xffff  }
0x11a: {  	v24 =	vld.idx.msk [tilespmem:v3+s26+$0xFFFFFBF8 ss:$0x1], $0xffff  }
0x11b: {  	v41 =	vld.idx.msk [tilespmem:v3+s26+$0xFFFFFFD8 ss:$0x1], $0xffff  }
0x11c: {  	v43 =	vld.idx.msk [tilespmem:v3+s26+$0xFFFFFFF8 ss:$0x1], $0xffff  }
0x11d: {  	v33 =	vshll.u32 v63, $0x3;
	v17 =	vld.idx.msk [tilespmem:v17+s11+$0x0], $0xffff  }
0x11e: {  	v19 =	vand.u32 $0xFFFFFC00, v33;
	v33 =	vld.idx.msk [tilespmem:v3+s26+$0x0 ss:$0x1], $0xffff  }
0x11f: {  	v32 =	vmov s25  }
0x120: {  	v34 =	vshll.u32 v28, $0x3;
	v35 =	vand.u32 $0x7F, v23;
	v38 =	vand.u32 $0x7F, v24  }
0x121: {  	v24 =	vshll.u32 v24, $0x3;
	v48 =	vand.u32 $0x7F, v41;
	v49 =	vshll.u32 v41, $0x3  }
0x122: {  	v24 =	vand.u32 $0xFFFFFC00, v24;
	v51 =	vand.u32 $0xFFFFFC00, v49;
	v18 =	vmul.f32 $1.000000010e-10, v17  }
0x123: {  	v55 =	vshll.u32 v43, $0x3;
	v56 =	vand.u32 $0x7F, v43;
	v57 =	vshll.u32 v33, $0x3  }
0x124: {  	v61 =	vsel vm6, v17, v18;
	v20 =	vsel vm7, v17, v18;
	v62 =	vsel vm5, v17, v18  }
0x125: {  	v26 =	vsel vm4, v17, v18;
	v21 =	vsel vm8, v17, v18;
	v27 =	vsel vm9, v17, v18  }
0x126: {  	v29 =	vsel vm10, v17, v18;
	v7 =	vmul.f32 v61, v7;
	v8 =	vmul.f32 v20, v8  }
0x127: {  	v25 =	vld.idx.msk [tilespmem:v3+s26+$0xFFFFFC08 ss:$0x1], $0xffff;
	v22 =	vsel vm12, v17, v18;
	v9 =	vmul.f32 v62, v9;
	v10 =	vmul.f32 v26, v10  }
0x128: {  	v37 =	vld.idx.msk [tilespmem:v3+s26+$0xFFFFFC28 ss:$0x1], $0xffff;
	v30 =	vsel vm11, v17, v18;
	v11 =	vmul.f32 v21, v11;
	v12 =	vmul.f32 v27, v12  }
0x129: {  	v31 =	vsel vm13, v17, v18;
	v13 =	vmul.f32 v29, v13;
	v14 =	vmul.f32 v22, v14  }
0x12a: {  	v58 =	vand.u32 $0x7F, v33;
	v15 =	vmul.f32 v30, v15;
	v16 =	vmul.f32 v31, v16  }
0x12b: {  	v22 =	vshll.u32 v32, $0x7;
	v20 =	vand.u32 $0x7F, v63;
	v21 =	vand.u32 $0x7F, v28  }
0x12c: {  	v26 =	vshll.u32 v23, $0x3;
	v28 =	vshll.u32 v25, $0x3;
	v25 =	vand.u32 $0x7F, v25  }
0x12d: {  	v23 =	vor.u32 v24, v38;
	v31 =	vshll.u32 v37, $0x3;
	v22 =	vand.u32 $0x380, v22  }
0x12e: {  	v27 =	vld.idx.msk [tilespmem:v3+s26+$0xFFFFFC18 ss:$0x1], $0xffff;
	v19 =	vor.u32 v19, v20;
	v20 =	vand.u32 $0xFFFFFC00, v34;
	v36 =	vand.u32 $0xFFFFFC00, v26  }
0x12f: {  	v29 =	vld.idx.msk [tilespmem:v3+s26+$0xFFFFFC38 ss:$0x1], $0xffff;
	v28 =	vand.u32 $0xFFFFFC00, v28;
	v26 =	vand.u32 $0x7F, v37;
	v22 =	vbroadcast v22, $0x0  }
0x130: {  	v30 =	vld.idx.msk [tilespmem:v3+s26+$0xFFFFFFC8 ss:$0x1], $0xffff;
	v42 =	vand.u32 $0xFFFFFC00, v31;
	v20 =	vor.u32 v20, v21;
	v21 =	vor.u32 v36, v35  }
0x131: {  	v39 =	vor.u32 v28, v25;
	v26 =	vor.u32 v42, v26;
	v19 =	vor.u32 v22, v19  }
0x132: {  	v32 =	vld.idx.msk [tilespmem:v3+s26+$0xFFFFFFE8 ss:$0x1], $0xffff;
	v20 =	vor.u32 v22, v20;
	v21 =	vor.u32 v22, v21;
	v23 =	vor.u32 v22, v23  }
0x133: {  	v24 =	vor.u32 v22, v39;
	v26 =	vor.u32 v22, v26;
	v40 =	vshll.u32 v27, $0x3  }
0x134: {  	v27 =	vand.u32 $0x7F, v27;
	v44 =	vshll.u32 v29, $0x3;
	v25 =	vand.u32 $0xFFFFFC00, v40  }
0x135: {  	v29 =	vand.u32 $0x7F, v29;
	v34 =	vshll.u32 v30, $0x3;
	v25 =	vor.u32 v25, v27  }
0x136: {  	v46 =	vand.u32 $0x7F, v30;
	v27 =	vand.u32 $0xFFFFFC00, v44;
	v25 =	vor.u32 v22, v25;
	[tilespmem:v19+s14+$0x0] =	vst.idx.add.f32.msk $0xffff, v7  }
0x137: {  	v50 =	vshll.u32 v32, $0x3;
	v47 =	vand.u32 $0xFFFFFC00, v34;
	v45 =	vor.u32 v27, v29;
	[tilespmem:v20+s14+$0x0] =	vst.idx.add.f32.msk $0xffff, v8  }
0x138: {  	v52 =	vand.u32 $0x7F, v32;
	v7 =	vor.u32 v22, v45;
	v19 =	vor.u32 v47, v46;
	[tilespmem:v21+s14+$0x0] =	vst.idx.add.f32.msk $0xffff, v9  }
0x139: {  	v53 =	vand.u32 $0xFFFFFC00, v50;
	v19 =	vor.u32 v22, v19;
	v8 =	vor.u32 v51, v48;
	[tilespmem:v23+s14+$0x0] =	vst.idx.add.f32.msk $0xffff, v10  }
0x13a: {  	v54 =	vor.u32 v53, v52;
	v8 =	vor.u32 v22, v8;
	v10 =	vand.u32 $0xFFFFFC00, v55;
	[tilespmem:v24+s14+$0x0] =	vst.idx.add.f32.msk $0xffff, v11  }
0x13b: {  	v59 =	vand.u32 $0xFFFFFC00, v57;
	v9 =	vor.u32 v22, v54;
	v10 =	vor.u32 v10, v56;
	[tilespmem:v25+s14+$0x0] =	vst.idx.add.f32.msk $0xffff, v12  }
0x13c: {  	v11 =	vor.u32 v59, v58;
	v10 =	vor.u32 v22, v10;
	[tilespmem:v26+s14+$0x0] =	vst.idx.add.f32.msk $0xffff, v13  }
0x13d: {  	p1 =	sne.s32 s24, $0xE00;
	v60 =	vsel vm2, v17, v18;
	v61 =	vor.u32 v22, v11;
	[tilespmem:v7+s14+$0x0] =	vst.idx.add.f32.msk $0xffff, v14  }
.Ltmp4:
0x13e: {  	v4 =	vmul.f32 v60, v4;
	v62 =	vsel vm1, v17, v18;
	[tilespmem:v19+s14+$0x0] =	vst.idx.add.f32.msk $0xffff, v15;
	(pc) =	sbr.rel @p1 .LBB2_11-.Ltmp4, $4  }
0x13f: {  	v63 =	vsel vm3, v17, v18;
	v5 =	vmul.f32 v62, v5;
	[tilespmem:v8+s14+$0x0] =	vst.idx.add.f32.msk $0xffff, v16  }
0x140: {  	v6 =	vmul.f32 v63, v6;
	[tilespmem:v9+s14+$0x0] =	vst.idx.add.f32.msk $0xffff, v4  }
0x141: {  	[tilespmem:v10+s14+$0x0] =	vst.idx.add.f32.msk $0xffff, v5  }
0x142: {  	s25 =	sadd.s32 $0x1, s25;
	s24 =	sadd.s32 $0x200, s24;
	[tilespmem:v61+s14+$0x0] =	vst.idx.add.f32.msk vm0, v6  }
.Ltmp5:
0x143: {  	(pc) =	sbr.rel @p0 .LBB2_16-.Ltmp5, $4  }
0x144: {  	_ = 	snop  }
0x145: {  	s0 =	sshll.u32 s18, $0xB  }
0x146: {  	s0 =	sadd.s32 s0, s7  }
0x147: {  	[hbm4b:s0+s3] =	stream.linear.scatter [tilespmem:s14], [sflag:$0x1], $0x2000, $0x38;
	[tilespmem:$0x14100] =	vst v63  }
0x148: {  	_ =	swait.ge [sflag:s16], $0x2000;
	s0 =	simm.s32 $0x0;
	s1 =	simm.s32 $0x0  }
0x149: {  	[sflag:s16] =	ssyncset.done $0x0;
	s24 =	sand.u32 $0x40, s0;
	s25 =	sand.u32 $0x1C00, s1  }
0x14a: {  	[sflag:s16] =	ssyncadd.s32 $0xFFFFE000;
	s24 =	sor.u32 s24, s25  }
0x14b: {  	[tilespmem:s24+$0x121B0] =	vst v0  }
0x14c: {  	[tilespmem:s24+$0x121A0] =	vst v0  }
0x14d: {  	[tilespmem:s24+$0x12190] =	vst v0  }
0x14e: {  	[tilespmem:s24+$0x12180] =	vst v0  }
0x14f: {  	[tilespmem:s24+$0x12130] =	vst v0  }
0x150: {  	[tilespmem:s24+$0x12120] =	vst v0  }
0x151: {  	[tilespmem:s24+$0x12110] =	vst v0  }
0x152: {  	[tilespmem:s24+$0x120A0] =	vst v0  }
0x153: {  	[tilespmem:s24+$0x12100] =	vst v0  }
0x154: {  	[tilespmem:s24+$0x120B0] =	vst v0  }
0x155: {  	p0 =	por $0x0, $0x0;
	s25 =	simm.s32 $0x1;
	[tilespmem:s24+$0x12080] =	vst v0  }
0x156: {  	s25 =	simm.s32 @!p0 $0x0;
	[tilespmem:s24+$0x12030] =	vst v0  }
0x157: {  	[tilespmem:s24+$0x12020] =	vst v0;
	s25 =	sshll.u32 s25, $0x6  }
0x158: {  	[tilespmem:s24+$0x12010] =	vst v0;
	s26 =	sadd.s32 $0x30, s25  }
0x159: {  	[tilespmem:s24+$0x12090] =	vst v0;
	s28 =	sadd.s32 $0xFFFFFFD0, s26  }
0x15a: {  	[tilespmem:s24+$0x12000] =	vst v0;
	s30 =	sadd.s32 $0xFFFFFFE0, s26;
	s29 =	sor.u32 $0x200, s28  }
0x15b: {  	s31 =	sadd.s32 $0x0, s25;
	s25 =	sadd.s32 $0xFFFFFFF0, s26;
	s2 =	sor.u32 $0x200, s30;
	[tilespmem:s29+$0x12000] =	vst v0  }
0x15c: {  	s24 =	sadd.s32 $0x30, s31;
	s29 =	sor.u32 $0x200, s25;
	[tilespmem:s2+$0x12000] =	vst v0  }
0x15d: {  	s31 =	sor.u32 $0x200, s24;
	[tilespmem:s29+$0x12000] =	vst v0  }
0x15e: {  	s29 =	sor.u32 $0x280, s28;
	[tilespmem:s31+$0x12000] =	vst v0  }
0x15f: {  	s2 =	sor.u32 $0x280, s30;
	[tilespmem:s29+$0x12000] =	vst v0  }
0x160: {  	s29 =	sor.u32 $0x280, s25;
	[tilespmem:s2+$0x12000] =	vst v0  }
0x161: {  	s31 =	sor.u32 $0x280, s24;
	[tilespmem:s29+$0x12000] =	vst v0  }
0x162: {  	s28 =	sor.u32 $0x300, s28;
	[tilespmem:s31+$0x12000] =	vst v0  }
0x163: {  	s2 =	sor.u32 $0x300, s30;
	[tilespmem:s28+$0x12000] =	vst v0  }
0x164: {  	s28 =	sor.u32 $0x300, s25;
	[tilespmem:s2+$0x12000] =	vst v0  }
0x165: {  	s0 =	sor.u32 s1, s0;
	s31 =	sor.u32 $0x300, s24;
	[tilespmem:s28+$0x12000] =	vst v0  }
0x166: {  	s0 =	sor.u32 $0x380, s0;
	s26 =	sor.u32 $0x380, s30;
	s30 =	sor.u32 $0x380, s25;
	[tilespmem:s31+$0x12000] =	vst v0  }
0x167: {  	s29 =	simm.s32 $0x230;
	s28 =	sor.u32 $0x380, s24;
	s24 =	simm.s32 $0x40;
	[tilespmem:s0+$0x12000] =	vst v0  }
.LBB2_14:
0x168: {  	s0 =	sadd.s32 $0xFFFFFFD0, s29  }
0x169: {  	[tilespmem:s26+$0x12000] =	vst v0;
	p0 =	por !p0, !p0;
	s1 =	smov.u32 s29;
	s25 =	sadd.s32 $0x200, s29  }
0x16a: {  	s31 =	sand.u32 $0x40, s24;
	s2 =	sand.u32 $0x1C00, s0;
	s26 =	sor.u32 s0, s24;
	[tilespmem:s30+$0x12000] =	vst v0  }
0x16b: {  	p1 =	sne.s32 s29, $0x1E30;
	s2 =	sor.u32 s31, s2;
	[tilespmem:s28+$0x12000] =	vst v0  }
0x16c: {  	[tilespmem:s2+$0x121B0] =	vst v0  }
0x16d: {  	[tilespmem:s2+$0x121A0] =	vst v0  }
0x16e: {  	[tilespmem:s2+$0x12190] =	vst v0  }
0x16f: {  	[tilespmem:s2+$0x12180] =	vst v0  }
0x170: {  	[tilespmem:s2+$0x12130] =	vst v0  }
0x171: {  	[tilespmem:s2+$0x12120] =	vst v0  }
0x172: {  	[tilespmem:s2+$0x12110] =	vst v0  }
0x173: {  	[tilespmem:s2+$0x120A0] =	vst v0  }
0x174: {  	[tilespmem:s2+$0x12100] =	vst v0  }
0x175: {  	s28 =	simm.s32 $0x1;
	[tilespmem:s2+$0x120B0] =	vst v0  }
0x176: {  	s28 =	simm.s32 @!p0 $0x0;
	[tilespmem:s2+$0x12080] =	vst v0  }
0x177: {  	s28 =	sshll.u32 s28, $0x6;
	[tilespmem:s2+$0x12030] =	vst v0  }
0x178: {  	s0 =	sadd.s32 s0, s28;
	s1 =	sadd.s32 s1, s28;
	[tilespmem:s2+$0x12020] =	vst v0  }
0x179: {  	s29 =	sadd.s32 $0xFFFFFFD0, s1;
	s30 =	sadd.s32 $0xFFFFFFE0, s1;
	s1 =	sadd.s32 $0xFFFFFFF0, s1;
	[tilespmem:s2+$0x12010] =	vst v0  }
0x17a: {  	s0 =	sadd.s32 $0x30, s0;
	s31 =	sor.u32 $0x200, s29;
	[tilespmem:s2+$0x12090] =	vst v0  }
0x17b: {  	s28 =	sor.u32 $0x380, s0;
	[tilespmem:s2+$0x12000] =	vst v0;
	s2 =	sor.u32 $0x200, s30  }
0x17c: {  	[tilespmem:s31+$0x12000] =	vst v0;
	s31 =	sor.u32 $0x200, s1  }
0x17d: {  	[tilespmem:s2+$0x12000] =	vst v0;
	s2 =	sor.u32 $0x200, s0  }
0x17e: {  	[tilespmem:s31+$0x12000] =	vst v0;
	s31 =	sor.u32 $0x280, s29  }
0x17f: {  	[tilespmem:s2+$0x12000] =	vst v0;
	s2 =	sor.u32 $0x280, s30  }
0x180: {  	[tilespmem:s31+$0x12000] =	vst v0;
	s31 =	sor.u32 $0x280, s1  }
0x181: {  	[tilespmem:s2+$0x12000] =	vst v0;
	s2 =	sor.u32 $0x280, s0  }
0x182: {  	s29 =	sor.u32 $0x300, s29;
	[tilespmem:s31+$0x12000] =	vst v0  }
0x183: {  	[tilespmem:s2+$0x12000] =	vst v0;
	s2 =	sor.u32 $0x300, s30  }
.Ltmp6:
0x184: {  	[tilespmem:s29+$0x12000] =	vst v0;
	s29 =	sor.u32 $0x300, s1;
	(pc) =	sbr.rel @p1 .LBB2_14-.Ltmp6, $4  }
0x185: {  	s0 =	sor.u32 $0x300, s0;
	[tilespmem:s2+$0x12000] =	vst v0  }
0x186: {  	s2 =	sor.u32 $0x380, s26;
	[tilespmem:s29+$0x12000] =	vst v0  }
0x187: {  	s26 =	sor.u32 $0x380, s30;
	[tilespmem:s0+$0x12000] =	vst v0  }
0x188: {  	s24 =	sadd.s32 $0x40, s24;
	s30 =	sor.u32 $0x380, s1;
	s29 =	smov.u32 s25;
	[tilespmem:s2+$0x12000] =	vst v0  }
0x189: {  	[tilespmem:s26+$0x12000] =	vst v0  }
0x18a: {  	[tilespmem:s30+$0x12000] =	vst v0  }
0x18b: {  	[tilespmem:s28+$0x12000] =	vst v0  }
0x18c: {  	[tilespmem:$0x13C58] =	vst v0  }
0x18d: {  	[tilespmem:$0x13CD8] =	vst v0  }
0x18e: {  	[tilespmem:$0x13D58] =	vst v0  }
0x18f: {  	[tilespmem:$0x13DD8] =	vst v0  }
0x190: {  	[tilespmem:$0x13E58] =	vst v0  }
0x191: {  	[tilespmem:$0x13ED8] =	vst v0  }
0x192: {  	[tilespmem:$0x13F58] =	vst v0  }
0x193: {  	[tilespmem:$0x13FD8] =	vst v0  }
.LBB2_16:
0x194: {  	v3 =	vld [tilespmem:s22+$0x60]  }
0x195: {  	v11 =	vld [tilespmem:s22+$0x20]  }
0x196: {  	v10 =	vld [tilespmem:s22+$0x30]  }
0x197: {  	v13 =	vld [tilespmem:s22+$0x10]  }
0x198: {  	v14 =	vld [tilespmem:s22+$0x0]  }
0x199: {  	v2 =	vld [tilespmem:s22+$0x70]  }
0x19a: {  	v8 =	vld [tilespmem:s22+$0x40]  }
0x19b: {  	v4 =	vld [tilespmem:s22+$0x400];
	s0 =	simm.s32 $0x0  }
0x19c: {  	v12 =	vld [tilespmem:s22+$0x50];
	v22 =	vmov s0  }
0x19d: {  	v6 =	vld [tilespmem:s22+$0x410];
	v22 =	vshll.u32 v22, $0x7;
	vm1 =	vge.f32 v3, $1.000000010e-01  }
0x19e: {  	v5 =	vld [tilespmem:s22+$0x420];
	vm10 =	vge.f32 v10, $1.000000010e-01;
	vm11 =	vge.f32 v13, $1.000000010e-01;
	vm6 =	vge.f32 v11, $1.000000010e-01  }
0x19f: {  	v21 =	vld [tilespmem:s21+$0x0];
	vm12 =	vge.f32 v14, $1.000000010e-01;
	vm8 =	vge.f32 v8, $1.000000010e-01;
	vm3 =	vge.f32 v2, $1.000000010e-01  }
0x1a0: {  	vm2 =	vge.f32 v4, $1.000000010e-01;
	v7 =	vsel vm11, $0x1, v1;
	v9 =	vsel vm12, $0x1, v1  }
0x1a1: {  	vm13 =	vge.f32 v12, $1.000000010e-01;
	v17 =	vsel vm6, $0x1, v1;
	v9 =	vadd.s32 v9, v7  }
0x1a2: {  	vm5 =	vge.f32 v6, $1.000000010e-01;
	v16 =	vsel vm10, $0x1, v1;
	v17 =	vadd.s32 v17, v9  }
0x1a3: {  	vm4 =	vge.f32 v5, $1.000000010e-01;
	v18 =	vsel vm8, $0x1, v1;
	v7 =	vld [tilespmem:s22+$0x438];
	v16 =	vadd.s32 v16, v17  }
0x1a4: {  	v24 =	vshll.u32 v21, $0x3;
	v19 =	vsel vm13, $0x1, v1;
	v9 =	vld [tilespmem:s22+$0x430];
	v16 =	vadd.s32 v18, v16  }
0x1a5: {  	v21 =	vand.u32 $0x7F, v21;
	v15 =	vsel vm1, $0x1, v1;
	v16 =	vadd.s32 v19, v16  }
0x1a6: {  	v20 =	vld [tilespmem:s21+$0x20];
	v24 =	vand.u32 $0xFFFFFC00, v24;
	v17 =	vsel vm3, $0x1, v1;
	v15 =	vadd.s32 v15, v16  }
0x1a7: {  	v18 =	vsel vm2, $0x1, v1;
	v19 =	vsel vm5, $0x1, v1;
	v15 =	vadd.s32 v17, v15;
	v17 =	vld [tilespmem:s21+$0x10]  }
0x1a8: {  	v23 =	vld [tilespmem:s21+$0x30];
	v16 =	vsel vm4, $0x1, v1;
	vm7 =	vge.f32 v7, $1.000000010e-01;
	v15 =	vadd.s32 v18, v15  }
0x1a9: {  	v26 =	vld [tilespmem:s21+$0x70];
	vm9 =	vge.f32 v9, $1.000000010e-01;
	vm7 =	vmand vm7, vm0;
	v15 =	vadd.s32 v19, v15  }
0x1aa: {  	v18 =	vsel vm9, $0x1, v1;
	v19 =	vsel vm7, $0x1, v1;
	v15 =	vadd.s32 v16, v15  }
0x1ab: {  	v25 =	vld [tilespmem:s21+$0x40];
	v16 =	vshll.u32 v20, $0x3;
	v20 =	vand.u32 $0x7F, v20;
	v15 =	vadd.s32 v18, v15  }
0x1ac: {  	v18 =	vld [tilespmem:s21+$0x420];
	v15 =	vadd.s32 v19, v15;
	v19 =	vor.u32 v24, v21;
	v21 =	vshll.u32 v17, $0x3  }
0x1ad: {  	v16 =	vand.u32 $0xFFFFFC00, v16;
	(xrf0) =	vadd.scan.msk.s32 $0xffff, v15;
	v15 =	vand.u32 $0x7F, v17;
	v17 =	vand.u32 $0xFFFFFC00, v21;
	v21 =	vld [tilespmem:s21+$0x410]  }
0x1ae: {  	v28 =	vand.u32 $0x7F, v23;
	v35 =	vand.u32 $0x7F, v26;
	v16 =	vor.u32 v16, v20  }
0x1af: {  	v33 =	vld [tilespmem:s21+$0x430];
	v24 =	vor.u32 v17, v15;
	v15 =	vand.u32 $0x380, v22;
	v17 =	vshll.u32 v23, $0x3  }
0x1b0: {  	v22 =	vand.u32 $0x7F, v25;
	v23 =	vand.u32 $0xFFFFFC00, v17;
	v17 =	vshll.u32 v25, $0x3  }
0x1b1: {  	v34 =	vld [tilespmem:s21+$0x438];
	v15 =	vbroadcast v15, $0x0;
	v20 =	vand.u32 $0x7F, v18;
	v18 =	vshll.u32 v18, $0x3  }
0x1b2: {  	v30 =	vld [tilespmem:s21+$0x60];
	v29 =	vand.u32 $0xFFFFFC00, v17;
	v18 =	vand.u32 $0xFFFFFC00, v18;
	v25 =	vand.u32 $0x7F, v21  }
0x1b3: {  	v31 =	vld [tilespmem:s21+$0x50];
	v27 =	vor.u32 v18, v20;
	v20 =	vor.u32 v15, v24;
	v21 =	vshll.u32 v21, $0x3;
	v17, _, _ =	vpop (xrf0)  }
0x1b4: {  	v24 =	vshll.u32 v33, $0x3;
	v33 =	vand.u32 $0x7F, v33;
	v18 =	vbroadcast v17, $0xF  }
0x1b5: {  	v32 =	vand.u32 $0xFFFFFC00, v24;
	v17 =	vor.u32 v15, v16;
	v16 =	vor.u32 v29, v22  }
0x1b6: {  	v22 =	vor.u32 v15, v19;
	v19 =	vor.u32 v23, v28;
	v28 =	vand.u32 $0xFFFFFC00, v21  }
0x1b7: {  	v29 =	vand.u32 $0x7F, v34;
	v23 =	vand.u32 $0x7F, v30;
	v21 =	vshll.u32 v26, $0x3  }
0x1b8: {  	v24 =	vld [tilespmem:s21+$0x400];
	v26 =	vshll.u32 v30, $0x3;
	v30 =	vand.u32 $0x7F, v31;
	v21 =	vand.u32 $0xFFFFFC00, v21  }
0x1b9: {  	s23 =	sor.u32 $0x1, s23;
	v31 =	vshll.u32 v31, $0x3;
	v34 =	vshll.u32 v34, $0x3;
	v21 =	vor.u32 v21, v35  }
0x1ba: {  	s24 =	simm.s32 $0x1;
	s25 =	smov.u32 s21;
	s26 =	smov.u32 s22;
	v16 =	vor.u32 v15, v16;
	v19 =	vor.u32 v15, v19;
	v21 =	vor.u32 v15, v21;
	v18 =	vld.idx.msk [tilespmem:v18+s11+$0x0], $0xffff  }
.LBB2_17:
0x1bb: {  	p0 =	sne.s32 s24, $0x7;
	v27 =	vor.u32 v15, v27;
	v32 =	vor.u32 v32, v33;
	v33 =	vand.u32 $0xFFFFFC00, v34;
	s25 =	sadd.s32 $0x80, s25;
	s26 =	sadd.s32 $0x80, s26  }
0x1bc: {  	v25 =	vor.u32 v28, v25;
	s28 =	smov.u32 s24;
	s24 =	sadd.s32 $0x1, s24;
	v28 =	vor.u32 v33, v29  }
0x1bd: {  	v29 =	vand.u32 $0xFFFFFC00, v31;
	v31 =	vshll.u32 v24, $0x3;
	v25 =	vor.u32 v15, v25  }
0x1be: {  	v29 =	vor.u32 v29, v30  }
0x1bf: {  	v32 =	vor.u32 v15, v32;
	v30 =	vmul.f32 $1.000000010e-10, v18  }
0x1c0: {  	v24 =	vand.u32 $0x7F, v24;
	v29 =	vor.u32 v15, v29  }
0x1c1: {  	v31 =	vand.u32 $0xFFFFFC00, v31;
	v33 =	vsel vm12, v18, v30;
	v34 =	vsel vm10, v18, v30  }
0x1c2: {  	v26 =	vand.u32 $0xFFFFFC00, v26;
	v24 =	vor.u32 v31, v24;
	v35 =	vsel vm11, v18, v30  }
0x1c3: {  	v24 =	vor.u32 v15, v24;
	v14 =	vmul.f32 v33, v14;
	v13 =	vmul.f32 v35, v13  }
0x1c4: {  	v31 =	vsel vm6, v18, v30;
	v33 =	vsel vm8, v18, v30;
	v35 =	vsel vm13, v18, v30  }
0x1c5: {  	v28 =	vor.u32 v15, v28;
	v11 =	vmul.f32 v31, v11;
	v10 =	vmul.f32 v34, v10  }
0x1c6: {  	v8 =	vmul.f32 v33, v8;
	[tilespmem:v22+s15+$0x0] =	vst.idx.add.f32.msk $0xffff, v14;
	v14 =	vor.u32 v26, v23  }
0x1c7: {  	v22 =	vsel vm1, v18, v30;
	[tilespmem:v20+s15+$0x0] =	vst.idx.add.f32.msk $0xffff, v13;
	v13 =	vor.u32 v15, v14  }
0x1c8: {  	v3 =	vmul.f32 v22, v3;
	v14 =	vsel vm3, v18, v30;
	[tilespmem:v17+s15+$0x0] =	vst.idx.add.f32.msk $0xffff, v11  }
0x1c9: {  	v11 =	vmul.f32 v35, v12;
	v2 =	vmul.f32 v14, v2;
	[tilespmem:v19+s15+$0x0] =	vst.idx.add.f32.msk $0xffff, v10  }
0x1ca: {  	v12 =	vsel vm5, v18, v30;
	v10 =	vsel vm2, v18, v30;
	[tilespmem:v16+s15+$0x0] =	vst.idx.add.f32.msk $0xffff, v8  }
0x1cb: {  	v6 =	vmul.f32 v12, v6;
	v4 =	vmul.f32 v10, v4;
	[tilespmem:v29+s15+$0x0] =	vst.idx.add.f32.msk $0xffff, v11  }
0x1cc: {  	v8 =	vsel vm4, v18, v30;
	v10 =	vsel vm9, v18, v30;
	[tilespmem:v13+s15+$0x0] =	vst.idx.add.f32.msk $0xffff, v3  }
0x1cd: {  	v3 =	vmul.f32 v8, v5;
	v5 =	vmul.f32 v10, v9;
	[tilespmem:v21+s15+$0x0] =	vst.idx.add.f32.msk $0xffff, v2  }
0x1ce: {  	v2 =	vsel vm7, v18, v30;
	[tilespmem:v24+s15+$0x0] =	vst.idx.add.f32.msk $0xffff, v4  }
0x1cf: {  	v2 =	vmul.f32 v2, v7;
	[tilespmem:v25+s15+$0x0] =	vst.idx.add.f32.msk $0xffff, v6  }
0x1d0: {  	[tilespmem:v27+s15+$0x0] =	vst.idx.add.f32.msk $0xffff, v3  }
0x1d1: {  	[tilespmem:v32+s15+$0x0] =	vst.idx.add.f32.msk $0xffff, v5  }
0x1d2: {  	[tilespmem:v28+s15+$0x0] =	vst.idx.add.f32.msk vm0, v2  }
0x1d3: {  	v2 =	vld [tilespmem:s26+$0x70]  }
0x1d4: {  	v3 =	vld [tilespmem:s26+$0x60]  }
0x1d5: {  	v8 =	vld [tilespmem:s26+$0x40]  }
0x1d6: {  	v11 =	vld [tilespmem:s26+$0x20]  }
0x1d7: {  	v10 =	vld [tilespmem:s26+$0x30]  }
0x1d8: {  	v13 =	vld [tilespmem:s26+$0x10]  }
0x1d9: {  	v14 =	vld [tilespmem:s26+$0x0]  }
0x1da: {  	vm1 =	vge.f32 v3, $1.000000010e-01;
	v4 =	vld [tilespmem:s26+$0x400]  }
0x1db: {  	v15 =	vsel vm1, $0x1, v1  }
0x1dc: {  	v6 =	vld [tilespmem:s26+$0x410];
	vm10 =	vge.f32 v10, $1.000000010e-01  }
0x1dd: {  	vm6 =	vge.f32 v11, $1.000000010e-01;
	v5 =	vld [tilespmem:s26+$0x420];
	vm11 =	vge.f32 v13, $1.000000010e-01;
	v16 =	vsel vm10, $0x1, v1  }
0x1de: {  	vm3 =	vge.f32 v2, $1.000000010e-01;
	vm8 =	vge.f32 v8, $1.000000010e-01;
	v12 =	vld [tilespmem:s26+$0x50];
	v17 =	vsel vm11, $0x1, v1  }
0x1df: {  	v18 =	vsel vm3, $0x1, v1;
	vm12 =	vge.f32 v14, $1.000000010e-01;
	v9 =	vld [tilespmem:s26+$0x430];
	vm2 =	vge.f32 v4, $1.000000010e-01  }
0x1e0: {  	v20 =	vsel vm8, $0x1, v1;
	v19 =	vsel vm12, $0x1, v1;
	v7 =	vld [tilespmem:s26+$0x438];
	v21 =	vsel vm2, $0x1, v1  }
0x1e1: {  	v22 =	vsel vm6, $0x1, v1;
	v17 =	vadd.s32 v19, v17;
	vm5 =	vge.f32 v6, $1.000000010e-01  }
0x1e2: {  	v17 =	vadd.s32 v22, v17;
	vm4 =	vge.f32 v5, $1.000000010e-01;
	v19 =	vsel vm5, $0x1, v1  }
0x1e3: {  	v16 =	vadd.s32 v16, v17;
	v22 =	vld [tilespmem:s25+$0x20];
	vm13 =	vge.f32 v12, $1.000000010e-01;
	v23 =	vsel vm4, $0x1, v1  }
0x1e4: {  	v16 =	vadd.s32 v20, v16;
	v17 =	vld [tilespmem:s25+$0x0];
	v24 =	vsel vm13, $0x1, v1  }
0x1e5: {  	vm9 =	vge.f32 v9, $1.000000010e-01;
	v20 =	vld [tilespmem:s25+$0x10];
	vm7 =	vge.f32 v7, $1.000000010e-01;
	v16 =	vadd.s32 v24, v16  }
0x1e6: {  	v24 =	vsel vm9, $0x1, v1;
	vm7 =	vmand vm7, vm0;
	v15 =	vadd.s32 v15, v16  }
0x1e7: {  	v16 =	vsel vm7, $0x1, v1;
	v15 =	vadd.s32 v18, v15;
	v18 =	vmov s28  }
0x1e8: {  	v15 =	vadd.s32 v21, v15;
	v18 =	vshll.u32 v18, $0x7;
	v21 =	vshll.u32 v22, $0x3  }
0x1e9: {  	v25 =	vld [tilespmem:s25+$0x30];
	v15 =	vadd.s32 v19, v15;
	v19 =	vshll.u32 v17, $0x3;
	v21 =	vand.u32 $0xFFFFFC00, v21  }
0x1ea: {  	v17 =	vand.u32 $0x7F, v17;
	v15 =	vadd.s32 v23, v15;
	v19 =	vand.u32 $0xFFFFFC00, v19  }
0x1eb: {  	v15 =	vadd.s32 v24, v15;
	v19 =	vor.u32 v19, v17;
	v17 =	vshll.u32 v20, $0x3  }
0x1ec: {  	v22 =	vand.u32 $0x7F, v22;
	v20 =	vand.u32 $0x7F, v20;
	v23 =	vld [tilespmem:s25+$0x420];
	v17 =	vand.u32 $0xFFFFFC00, v17  }
0x1ed: {  	v15 =	vadd.s32 v16, v15;
	v26 =	vld [tilespmem:s25+$0x40];
	v16 =	vor.u32 v17, v20;
	v17 =	vor.u32 v21, v22  }
0x1ee: {  	v21 =	vld [tilespmem:s25+$0x410];
	(xrf0) =	vadd.scan.msk.s32 $0xffff, v15  }
0x1ef: {  	v30 =	vld [tilespmem:s25+$0x70]  }
0x1f0: {  	v15 =	vand.u32 $0x380, v18;
	v18 =	vand.u32 $0x7F, v25;
	v24 =	vld [tilespmem:s25+$0x400]  }
0x1f1: {  	v20 =	vshll.u32 v25, $0x3;
	v34 =	vld [tilespmem:s25+$0x438];
	v22 =	vand.u32 $0x7F, v23;
	v23 =	vshll.u32 v23, $0x3  }
0x1f2: {  	v28 =	vand.u32 $0xFFFFFC00, v20;
	v33 =	vld [tilespmem:s25+$0x430];
	v20 =	vand.u32 $0x7F, v26  }
0x1f3: {  	v15 =	vbroadcast v15, $0x0;
	v25 =	vshll.u32 v26, $0x3;
	v23 =	vand.u32 $0xFFFFFC00, v23;
	v31 =	vld [tilespmem:s25+$0x50]  }
0x1f4: {  	v29 =	vand.u32 $0xFFFFFC00, v25;
	v25 =	vand.u32 $0x7F, v21;
	v27 =	vor.u32 v23, v22;
	v26 =	vld [tilespmem:s25+$0x60];
	v22, _, _ =	vpop (xrf0)  }
0x1f5: {  	v17 =	vor.u32 v15, v17;
	v35 =	vbroadcast v22, $0xF;
	v22 =	vor.u32 v29, v20  }
0x1f6: {  	v36 =	vand.u32 $0x7F, v30;
	v20 =	vor.u32 v15, v16;
	v16 =	vor.u32 v15, v22  }
0x1f7: {  	v18 =	vor.u32 v28, v18;
	v21 =	vshll.u32 v21, $0x3;
	v22 =	vor.u32 v15, v19  }
.Ltmp7:
0x1f8: {  	v28 =	vand.u32 $0xFFFFFC00, v21;
	v19 =	vor.u32 v15, v18;
	v29 =	vand.u32 $0x7F, v34;
	(pc) =	sbr.rel @p0 .LBB2_17-.Ltmp7, $4  }
0x1f9: {  	v18 =	vshll.u32 v30, $0x3;
	v21 =	vshll.u32 v33, $0x3;
	v23 =	vand.u32 $0x7F, v26  }
0x1fa: {  	v37 =	vand.u32 $0xFFFFFC00, v18;
	v32 =	vand.u32 $0xFFFFFC00, v21;
	v26 =	vshll.u32 v26, $0x3  }
0x1fb: {  	v30 =	vand.u32 $0x7F, v31;
	v31 =	vshll.u32 v31, $0x3;
	v21 =	vor.u32 v37, v36;
	v18 =	vld.idx.msk [tilespmem:v35+s11+$0x0], $0xffff  }
0x1fc: {  	v34 =	vshll.u32 v34, $0x3;
	v33 =	vand.u32 $0x7F, v33;
	v21 =	vor.u32 v15, v21  }
0x1fd: {  	v27 =	vor.u32 v15, v27  }
0x1fe: {  	v32 =	vor.u32 v32, v33;
	v44 =	vand.u32 $0xFFFFFC00, v34;
	v25 =	vor.u32 v28, v25  }
0x1ff: {  	v46 =	vand.u32 $0xFFFFFC00, v31;
	v47 =	vshll.u32 v24, $0x3;
	v49 =	vand.u32 $0x7F, v24  }
0x200: {  	v26 =	vand.u32 $0xFFFFFC00, v26;
	v45 =	vor.u32 v44, v29;
	v25 =	vor.u32 v15, v25  }
0x201: {  	v29 =	vor.u32 v46, v30;
	v32 =	vor.u32 v15, v32;
	v48 =	vmul.f32 $1.000000010e-10, v18  }
0x202: {  	v31 =	vand.u32 $0xFFFFFC00, v47;
	v55 =	vor.u32 v26, v23;
	v29 =	vor.u32 v15, v29  }
0x203: {  	v24 =	vor.u32 v31, v49;
	v56 =	vor.u32 v15, v55;
	v50 =	vsel vm12, v18, v48  }
0x204: {  	v57 =	vor.u32 v15, v45;
	v35 =	vsel vm11, v18, v48;
	v14 =	vmul.f32 v50, v14  }
0x205: {  	v24 =	vor.u32 v15, v24;
	v52 =	vsel vm6, v18, v48;
	v13 =	vmul.f32 v35, v13  }
0x206: {  	v51 =	vsel vm10, v18, v48;
	v11 =	vmul.f32 v52, v11;
	[tilespmem:v22+s15+$0x0] =	vst.idx.add.f32.msk $0xffff, v14  }
0x207: {  	v53 =	vsel vm8, v18, v48;
	v10 =	vmul.f32 v51, v10;
	[tilespmem:v20+s15+$0x0] =	vst.idx.add.f32.msk $0xffff, v13  }
0x208: {  	v54 =	vsel vm13, v18, v48;
	v8 =	vmul.f32 v53, v8;
	[tilespmem:v17+s15+$0x0] =	vst.idx.add.f32.msk $0xffff, v11  }
0x209: {  	v58 =	vsel vm1, v18, v48;
	v12 =	vmul.f32 v54, v12;
	[tilespmem:v19+s15+$0x0] =	vst.idx.add.f32.msk $0xffff, v10  }
0x20a: {  	v59 =	vsel vm3, v18, v48;
	v3 =	vmul.f32 v58, v3;
	[tilespmem:v16+s15+$0x0] =	vst.idx.add.f32.msk $0xffff, v8  }
0x20b: {  	v60 =	vsel vm2, v18, v48;
	v2 =	vmul.f32 v59, v2;
	[tilespmem:v29+s15+$0x0] =	vst.idx.add.f32.msk $0xffff, v12  }
0x20c: {  	v61 =	vsel vm5, v18, v48;
	v4 =	vmul.f32 v60, v4;
	[tilespmem:v56+s15+$0x0] =	vst.idx.add.f32.msk $0xffff, v3  }
0x20d: {  	s18 =	sadd.s32 $0x1, s18;
	v62 =	vsel vm4, v18, v48;
	v3 =	vmul.f32 v61, v6;
	[tilespmem:v21+s15+$0x0] =	vst.idx.add.f32.msk $0xffff, v2  }
0x20e: {  	p0 =	sne.s32 s18, $0x8;
	v5 =	vmul.f32 v62, v5;
	v2 =	vsel vm9, v18, v48;
	[tilespmem:v24+s15+$0x0] =	vst.idx.add.f32.msk $0xffff, v4  }
.Ltmp8:
0x20f: {  	v63 =	vsel vm7, v18, v48;
	v2 =	vmul.f32 v2, v9;
	[tilespmem:v25+s15+$0x0] =	vst.idx.add.f32.msk $0xffff, v3;
	(pc) =	sbr.rel @p0 .LBB2_6-.Ltmp8, $4  }
0x210: {  	s0 =	sadd.s32 s8, s23;
	v3 =	vmul.f32 v63, v7;
	[tilespmem:v27+s15+$0x0] =	vst.idx.add.f32.msk $0xffff, v5  }
0x211: {  	s19 =	sadd.s32 $0x1000, s19;
	s20 =	sadd.s32 $0x1000, s20;
	s0 =	sshll.u32 s0, $0xA;
	[tilespmem:v32+s15+$0x0] =	vst.idx.add.f32.msk $0xffff, v2  }
0x212: {  	s21 =	sadd.s32 $0x1000, s21;
	s22 =	sadd.s32 $0x1000, s22;
	s0 =	sadd.s32 s4, s0;
	[tilespmem:v57+s15+$0x0] =	vst.idx.add.f32.msk vm0, v3  }
0x213: {  	[hbm4b:s0+s3] =	stream.linear.scatter [tilespmem:s15], [sflag:$0x2], $0x2000, $0x38;
	[tilespmem:$0x14100] =	vst v63  }
0x214: {  	s17 =	sadd.s32 $0x1, s17  }
0x215: {  	_ =	swait.ge [sflag:s12], $0x2000;
	p0 =	sne.s32 s17, s9  }
.Ltmp9:
0x216: {  	[sflag:s12] =	ssyncset.done $0x0;
	(pc) =	sbr.rel @p0 .LBB2_1-.Ltmp9, $4  }
0x217: {  	[sflag:s12] =	ssyncadd.s32 $0xFFFFE000  }
0x218: {  	_ =	swait.ge [sflag:s16], $0x2000  }
0x219: {  	[sflag:s16] =	ssyncset.done $0x0  }
0x21a: {  	[sflag:s16] =	ssyncadd.s32 $0xFFFFE000  }
0x21b: {  	_ =	sfence.sel $0x180000  }
0x21c: {  	[bflag:$0x0] =	sbarrier.arrive $0xFFFF  }
0x21d: {  	_ =	strace $0x90000047  }
0x21e: {  	s0 =	stileid.u32;
	[bflag:$0x2] =	sbarrier.arrive $0xFFFF  }
0x21f: {  	p0 =	sne.s32 s0, $0x0;
	s0 =	rddreg [dreg:$0x3]  }
0x220: {  	s0 =	sadd.s32 @!p0 $0x100000, s0  }
0x221: {  	[sflag:s0] =	ssyncadd.tile.s32 @!p0 $0x1;
	_ =	shalt  }
.Lfunc_end2:
_tile_overlayer_lowered:
.L_overlay_start_2:
0x222: {  	(tag) =	ssettag $0x2  }
0x223: {  	s0 =	rddreg [dreg:$0x0];
	s2 =	stileid.u32  }
0x224: {  	s1 =	rddreg [dreg:$0x1];
	p0 =	sne.s32 s2, $0x0  }
0x225: {  	s3 =	rddreg [dreg:$0x2];
	[bflag:$0x3] =	sbarrier.arrive $0xFFFF;
	s2 =	simm.s32 @!p0 $0x1C04  }
0x226: {  	[timem:s3], [sflag:s2] =	dma.local @!p0 [hbm:s0], s1  }
0x227: {  	s0 =	simm.s32 @!p0 $0x4  }
0x228: {  	_ =	swait.ge @!p0 [sflag:s0], s1  }
0x229: {  	s1 =	ssub.s32 @!p0 $0x0, s1;
	[sflag:s0] =	ssyncset.done @!p0 $0x0  }
0x22a: {  	[sflag:s0] =	ssyncadd.s32 @!p0 s1  }
0x22b: {  	[bflag:$0x3] =	sbarrier.arrive $0xFFFF  }
0x22c: {  	_ =	shalt  }

</sc_bundles>
